<compile_context>
chip_gen: v7x
topology: tpu7x:2x2x1
jax: 0.10.2.dev20260603
libtpu: 0.0.44.dev20260713+nightly
codegen_flags: <defaults>
</compile_context>

<pallas_src>
import jax
import jax.numpy as jnp
from jax import lax
from jax.experimental import pallas as pl
from jax.experimental.pallas import tpu as pltpu
from jax.experimental.pallas import tpu_sc as plsc

E = 320000
N = 10000
D = 128

NC = 2
NS = 16
NW = NC * NS
EPW = E // NW
CHUNK = 48
NCHUNK = EPW // CHUNK
REM = EPW - NCHUNK * CHUNK
ZR = 624
ZTAIL = N - NS * ZR


NBUF = 4
MAIN = (NCHUNK // NBUF) * NBUF


def _sc_scatter(*refs):
    (pe_hbm, w_hbm, dst_hbm, zero_hbm, part_hbm, peout_hbm) = refs[:6]
    r = list(refs[6:])
    ebufs = [r.pop(0) for _ in range(NBUF)]
    obufs = [r.pop(0) for _ in range(NBUF)]
    wrs = [r.pop(0) for _ in range(NBUF)]
    irs = [r.pop(0) for _ in range(NBUF)]
    ir_rem = r.pop(0)
    acc = r.pop(0)
    in_sems = [r.pop(0) for _ in range(NBUF)]
    out_sems = [r.pop(0) for _ in range(NBUF)]
    wb_sems = [r.pop(0) for _ in range(NBUF)]
    c = lax.axis_index("c")
    s = lax.axis_index("s")
    wid = c * NS + s
    ebase = wid * EPW

    pltpu.sync_copy(zero_hbm.at[pl.ds(s * ZR, ZR)], acc.at[pl.ds(s * ZR, ZR)])

    @pl.when(s == 0)
    def _zero_tail():
        pltpu.sync_copy(zero_hbm.at[pl.ds(NS * ZR, ZTAIL)],
                        acc.at[pl.ds(NS * ZR, ZTAIL)])

    plsc.subcore_barrier()

    def _in_start(b, j):
        base = ebase + j * CHUNK
        pltpu.async_copy(pe_hbm.at[pl.ds(base, CHUNK), :], ebufs[b],
                         in_sems[b])
        pltpu.async_copy(w_hbm.at[pl.ds(base, CHUNK)], wrs[b], in_sems[b])
        pltpu.async_copy(dst_hbm.at[pl.ds(base, CHUNK)], irs[b], in_sems[b])

    def _in_wait(b, j):
        base = ebase + j * CHUNK
        pltpu.make_async_copy(pe_hbm.at[pl.ds(base, CHUNK), :], ebufs[b],
                              in_sems[b]).wait()
        pltpu.make_async_copy(w_hbm.at[pl.ds(base, CHUNK)], wrs[b],
                              in_sems[b]).wait()
        pltpu.make_async_copy(dst_hbm.at[pl.ds(base, CHUNK)], irs[b],
                              in_sems[b]).wait()

    def _out_wait(b):
        pltpu.make_async_copy(obufs[b], acc.at[irs[b]], out_sems[b]).wait()

    def _wb_start(b, j):
        pltpu.async_copy(ebufs[b],
                         peout_hbm.at[pl.ds(ebase + j * CHUNK, CHUNK), :],
                         wb_sems[b])

    def _wb_wait(b, j):
        pltpu.make_async_copy(ebufs[b],
                              peout_hbm.at[pl.ds(ebase + j * CHUNK, CHUNK), :],
                              wb_sems[b]).wait()

    for b in range(NBUF):
        _in_start(b, b)

    def outer_body(go, _):
        for b in range(NBUF):
            j = go * NBUF + b
            _in_wait(b, j)

            _wb_start(b, j)

            @plsc.parallel_loop(0, CHUNK, unroll=4)
            def _rows(r):
                wspl = plsc.load_gather(
                    wrs[b], [jnp.broadcast_to(r, (16,)).astype(jnp.int32)])
                eb = ebufs[b]
                ob = obufs[b]
                for d in range(D // 16):
                    sl = pl.ds(d * 16, 16)
                    ob[r, sl] = eb[r, sl] * wspl

            pltpu.async_copy(obufs[b], acc.at[irs[b]], out_sems[b], add=True)

            bp = (b - 1) % NBUF

            def _drain_refill():
                _wb_wait(bp, j - 1)
                _out_wait(bp)

                @pl.when(j + NBUF - 1 <= MAIN - 1)
                def _refill():
                    _in_start(bp, j + NBUF - 1)

            if b == 0:
                pl.when(go > 0)(_drain_refill)
            else:
                _drain_refill()
        return 0

    lax.fori_loop(0, MAIN // NBUF, outer_body, 0)

    _wb_wait(NBUF - 1, MAIN - 1)
    _out_wait(NBUF - 1)

    for t in range(NCHUNK - MAIN):
        j = MAIN + t
        base = ebase + j * CHUNK
        pltpu.sync_copy(pe_hbm.at[pl.ds(base, CHUNK), :], ebufs[t])
        pltpu.sync_copy(w_hbm.at[pl.ds(base, CHUNK)], wrs[t])
        pltpu.sync_copy(dst_hbm.at[pl.ds(base, CHUNK)], irs[t])
        pltpu.sync_copy(ebufs[t], peout_hbm.at[pl.ds(base, CHUNK), :])

        @plsc.parallel_loop(0, CHUNK, unroll=4)
        def _rows_tail(r):
            wspl = plsc.load_gather(
                wrs[t], [jnp.broadcast_to(r, (16,)).astype(jnp.int32)])
            eb = ebufs[t]
            ob = obufs[t]
            for d in range(D // 16):
                sl = pl.ds(d * 16, 16)
                ob[r, sl] = eb[r, sl] * wspl

        pltpu.sync_copy(obufs[t], acc.at[irs[t]], add=True)

    if REM > 0:
        rbase = ebase + NCHUNK * CHUNK
        pltpu.sync_copy(pe_hbm.at[pl.ds(rbase, REM), :],
                        ebufs[0].at[pl.ds(0, REM)])
        pltpu.sync_copy(w_hbm.at[pl.ds(rbase, REM)],
                        wrs[0].at[pl.ds(0, REM)])
        pltpu.sync_copy(dst_hbm.at[pl.ds(rbase, REM)], ir_rem)
        pltpu.sync_copy(ebufs[0].at[pl.ds(0, REM)],
                        peout_hbm.at[pl.ds(rbase, REM), :])

        @plsc.parallel_loop(0, REM, unroll=4)
        def _rows_rem(r):
            wspl = plsc.load_gather(
                wrs[0], [jnp.broadcast_to(r, (16,)).astype(jnp.int32)])
            for d in range(D // 16):
                sl = pl.ds(d * 16, 16)
                obufs[0][r, sl] = ebufs[0][r, sl] * wspl

        pltpu.sync_copy(obufs[0].at[pl.ds(0, REM)], acc.at[ir_rem], add=True)

    plsc.subcore_barrier()

    pltpu.sync_copy(acc.at[pl.ds(s * ZR, ZR)],
                    part_hbm.at[c, pl.ds(s * ZR, ZR)])

    @pl.when(s == 0)
    def _read_tail():
        pltpu.sync_copy(acc.at[pl.ds(NS * ZR, ZTAIL)],
                        part_hbm.at[c, pl.ds(NS * ZR, ZTAIL)])


@jax.jit
def _sc_call(pe, w, dst, zeros_nd):
    mesh = plsc.VectorSubcoreMesh(core_axis_name="c", subcore_axis_name="s")
    return pl.kernel(
        _sc_scatter,
        out_type=(
            jax.ShapeDtypeStruct((NC, N, D), jnp.float32),
            jax.ShapeDtypeStruct((E, D), jnp.float32),
        ),
        mesh=mesh,
        compiler_params=pltpu.CompilerParams(needs_layout_passes=False),
        scratch_types=(
            [pltpu.VMEM((CHUNK, D), jnp.float32)] * NBUF
            + [pltpu.VMEM((CHUNK, D), jnp.float32)] * NBUF
            + [pltpu.VMEM((CHUNK,), jnp.float32)] * NBUF
            + [pltpu.VMEM((CHUNK,), jnp.int32)] * NBUF
            + [pltpu.VMEM((max(REM, 8),), jnp.int32)]
            + [pltpu.VMEM_SHARED((N, D), jnp.float32)]
            + [pltpu.SemaphoreType.DMA] * (3 * NBUF)
        ),
    )(pe, w, dst, zeros_nd)


def _combine_body(p0_ref, p1_ref, ns_ref, norm_ref, recall_ref):
    recall = p0_ref[...] + p1_ref[...]
    recall_ref[...] = recall
    norm_ref[...] = recall / ns_ref[...]


@jax.jit
def _combine(parts, ns):
    blk = 5000
    grid = (N // blk,)
    return pl.pallas_call(
        _combine_body,
        grid=grid,
        in_specs=[
            pl.BlockSpec((blk, D), lambda i: (i, 0)),
            pl.BlockSpec((blk, D), lambda i: (i, 0)),
            pl.BlockSpec((blk, 1), lambda i: (i, 0)),
        ],
        out_specs=[
            pl.BlockSpec((blk, D), lambda i: (i, 0)),
            pl.BlockSpec((blk, D), lambda i: (i, 0)),
        ],
        out_shape=[
            jax.ShapeDtypeStruct((N, D), jnp.float32),
            jax.ShapeDtypeStruct((N, D), jnp.float32),
        ],
    )(parts[0], parts[1], ns)


def kernel(poss_edge, weights, neighbours_sum, edges):
    dst = edges[:, 0]
    zeros_nd = jnp.zeros((N, D), jnp.float32)
    parts, pe_out = _sc_call(poss_edge, weights, dst, zeros_nd)
    norm, recall = _combine(parts, neighbours_sum)
    return (norm, pe_out, recall)

# --- scband reference (transcript-rebuilt; emitter-appended) ---
"""Pipeline reference for scband-basic-model-39479339385294 (READ-ONLY COPY).

The authoritative reference and input builder live on the scoring server;
editing this copy changes nothing except your own understanding.
"""

import jax, jax.numpy as jnp
import numpy as np


def setup_inputs(seed: int = 0) -> dict:
    key = jax.random.key(seed)
    k1, k2, k3, k4 = jax.random.split(key, 4)
    E, N, D = 320000, 10000, 128
    poss_edge = jax.random.normal(k1, (E, D), dtype=jnp.float32)
    weights = jax.random.uniform(k2, (E,), dtype=jnp.float32)
    # neighbours_sum acts as a per-node degree normalizer; keep it strictly positive
    neighbours_sum = jax.random.uniform(k3, (N, 1), dtype=jnp.float32) + 0.5
    edges = jax.random.randint(k4, (E, 2), 0, N, dtype=jnp.int32)
    return {
        "poss_edge": poss_edge,
        "weights": weights,
        "neighbours_sum": neighbours_sum,
        "edges": edges,
    }


def reference(poss_edge, weights, neighbours_sum, edges):
    # Faithful translation of BasicModel.forward_withEdge:
    #   value = poss_edge * weights.unsqueeze(1)
    #   poss_node = zeros(N, D).scatter_add_(0, edges[:,0] broadcast, value)
    #   recall_node = poss_node
    #   poss_node = poss_node / neighbours_sum
    N = neighbours_sum.shape[0]
    D = poss_edge.shape[-1]
    value = poss_edge * weights[:, None]
    dst = edges[:, 0]
    poss_node = jnp.zeros((N, D), dtype=poss_edge.dtype).at[dst].add(value)
    recall_node = poss_node
    poss_node_norm = poss_node / neighbours_sum
    return (poss_node_norm, poss_edge, recall_node)

if __name__ == "__main__":
    import jax
    _d = setup_inputs()
    print(jax.jit(kernel)(*tuple(_d.values())))

</pallas_src>

<mosaic_0001>
#map = affine_map<(d0, d1) -> (0, 0)>
#map1 = affine_map<(d0, d1) -> (0)>
#map2 = affine_map<(d0, d1) -> (0, 0, 0)>
module attributes {stable_mosaic.version = 14 : i64} {
  func.func @_sc_scatter(%arg0: i32, %arg1: i32, %arg2: memref<320000x128xf32, #tpu.memory_space<hbm>>, %arg3: memref<320000xf32, #tpu.memory_space<hbm>>, %arg4: memref<320000xi32, #tpu.memory_space<hbm>>, %arg5: memref<10000x128xf32, #tpu.memory_space<hbm>>, %arg6: memref<2x10000x128xf32, #tpu.memory_space<hbm>>, %arg7: memref<320000x128xf32, #tpu.memory_space<hbm>>, %arg8: memref<48x128xf32, #tpu.memory_space<vmem>>, %arg9: memref<48x128xf32, #tpu.memory_space<vmem>>, %arg10: memref<48x128xf32, #tpu.memory_space<vmem>>, %arg11: memref<48x128xf32, #tpu.memory_space<vmem>>, %arg12: memref<48x128xf32, #tpu.memory_space<vmem>>, %arg13: memref<48x128xf32, #tpu.memory_space<vmem>>, %arg14: memref<48x128xf32, #tpu.memory_space<vmem>>, %arg15: memref<48x128xf32, #tpu.memory_space<vmem>>, %arg16: memref<48xf32, #tpu.memory_space<vmem>>, %arg17: memref<48xf32, #tpu.memory_space<vmem>>, %arg18: memref<48xf32, #tpu.memory_space<vmem>>, %arg19: memref<48xf32, #tpu.memory_space<vmem>>, %arg20: memref<48xi32, #tpu.memory_space<vmem>>, %arg21: memref<48xi32, #tpu.memory_space<vmem>>, %arg22: memref<48xi32, #tpu.memory_space<vmem>>, %arg23: memref<48xi32, #tpu.memory_space<vmem>>, %arg24: memref<16xi32, #tpu.memory_space<vmem>>, %arg25: memref<10000x128xf32, #tpu.memory_space<vmem_shared>>, %arg26: memref<!tpu.dma_semaphore, #tpu.memory_space<semaphore_mem>>, %arg27: memref<!tpu.dma_semaphore, #tpu.memory_space<semaphore_mem>>, %arg28: memref<!tpu.dma_semaphore, #tpu.memory_space<semaphore_mem>>, %arg29: memref<!tpu.dma_semaphore, #tpu.memory_space<semaphore_mem>>, %arg30: memref<!tpu.dma_semaphore, #tpu.memory_space<semaphore_mem>>, %arg31: memref<!tpu.dma_semaphore, #tpu.memory_space<semaphore_mem>>, %arg32: memref<!tpu.dma_semaphore, #tpu.memory_space<semaphore_mem>>, %arg33: memref<!tpu.dma_semaphore, #tpu.memory_space<semaphore_mem>>, %arg34: memref<!tpu.dma_semaphore, #tpu.memory_space<semaphore_mem>>, %arg35: memref<!tpu.dma_semaphore, #tpu.memory_space<semaphore_mem>>, %arg36: memref<!tpu.dma_semaphore, #tpu.memory_space<semaphore_mem>>, %arg37: memref<!tpu.dma_semaphore, #tpu.memory_space<semaphore_mem>>) attributes {dimension_semantics = [#tpu.dimension_semantics<core_parallel>, #tpu.dimension_semantics<subcore_parallel>], iteration_bounds = array<i64: 2, 16>, scalar_prefetch = 0 : i64, scratch_operands = 30 : i64, tpu.core_type = #tpu.core_type<sc_vector_subcore>, window_params = [{transform_indices = #map}, {transform_indices = #map1}, {transform_indices = #map1}, {transform_indices = #map}, {transform_indices = #map2}, {transform_indices = #map}]} {
    %mul3A = arith.constant 16 : i32
    %mul3A_0 = arith.muli %arg0, %mul3A : i32
    %add3A = arith.addi %mul3A_0, %arg1 : i32
    %mul3A_1 = arith.constant 10000 : i32
    %mul3A_2 = arith.muli %add3A, %mul3A_1 : i32
    %mul3A_3 = arith.constant 624 : i32
    %mul3A_4 = arith.muli %arg1, %mul3A_3 : i32
    %mul3A_5 = arith.constant 624 : i32
    %mul3A_6 = arith.muli %arg1, %mul3A_5 : i32
    "tpu.region"() ({
      %run_scoped3A = tpu.sem_alloc : memref<!tpu.dma_semaphore, #tpu.memory_space<semaphore_mem>>
      %dma_start3A_76 = arith.constant 0 : i32
      %dma_start3A_77 = tpu.memref_slice %arg25[%mul3A_6, %dma_start3A_76] : memref<10000x128xf32, #tpu.memory_space<vmem_shared>> -> memref<624x128xf32, #tpu.memory_space<vmem_shared>>
      %dma_start3A_78 = arith.constant 0 : i32
      %dma_start3A_79 = tpu.memref_slice %arg5[%mul3A_4, %dma_start3A_78] : memref<10000x128xf32, #tpu.memory_space<hbm>> -> memref<624x128xf32, #tpu.memory_space<hbm>>
      tpu.enqueue_dma source(%dma_start3A_79 : memref<624x128xf32, #tpu.memory_space<hbm>>) target(%dma_start3A_77 : memref<624x128xf32, #tpu.memory_space<vmem_shared>>) target_semaphore(%run_scoped3A : memref<!tpu.dma_semaphore, #tpu.memory_space<semaphore_mem>>)
      %dma_wait3A_80 = arith.constant 0 : i32
      %dma_wait3A_81 = tpu.memref_slice %arg25[%mul3A_6, %dma_wait3A_80] : memref<10000x128xf32, #tpu.memory_space<vmem_shared>> -> memref<624x128xf32, #tpu.memory_space<vmem_shared>>
      %dma_wait3A_82 = arith.constant 0 : i32
      %dma_wait3A_83 = tpu.memref_slice %arg5[%mul3A_4, %dma_wait3A_82] : memref<10000x128xf32, #tpu.memory_space<hbm>> -> memref<624x128xf32, #tpu.memory_space<hbm>>
      tpu.wait_dma2 semaphore(%run_scoped3A : memref<!tpu.dma_semaphore, #tpu.memory_space<semaphore_mem>>) src(%dma_wait3A_83 : memref<624x128xf32, #tpu.memory_space<hbm>>) dst(%dma_wait3A_81 : memref<624x128xf32, #tpu.memory_space<vmem_shared>>)
      tpu.yield
    }) : () -> ()
    %eq3A = arith.constant 0 : i32
    %eq3A_7 = arith.cmpi eq, %arg1, %eq3A : i32
    %convert_element_type3A = arith.extui %eq3A_7 : i1 to i32
    %cond3A = arith.constant 0 : i32
    %cond3A_8 = arith.cmpi ne, %convert_element_type3A, %cond3A : i32
    scf.if %cond3A_8 {
      "tpu.region"() ({
        %run_scoped3A = tpu.sem_alloc : memref<!tpu.dma_semaphore, #tpu.memory_space<semaphore_mem>>
        %dma_start3A_76 = arith.constant 9984 : i32
        %dma_start3A_77 = arith.constant 0 : i32
        %dma_start3A_78 = tpu.memref_slice %arg25[%dma_start3A_76, %dma_start3A_77] : memref<10000x128xf32, #tpu.memory_space<vmem_shared>> -> memref<16x128xf32, #tpu.memory_space<vmem_shared>>
        %dma_start3A_79 = arith.constant 9984 : i32
        %dma_start3A_80 = arith.constant 0 : i32
        %dma_start3A_81 = tpu.memref_slice %arg5[%dma_start3A_79, %dma_start3A_80] : memref<10000x128xf32, #tpu.memory_space<hbm>> -> memref<16x128xf32, #tpu.memory_space<hbm>>
        tpu.enqueue_dma source(%dma_start3A_81 : memref<16x128xf32, #tpu.memory_space<hbm>>) target(%dma_start3A_78 : memref<16x128xf32, #tpu.memory_space<vmem_shared>>) target_semaphore(%run_scoped3A : memref<!tpu.dma_semaphore, #tpu.memory_space<semaphore_mem>>)
        %dma_wait3A_82 = arith.constant 9984 : i32
        %dma_wait3A_83 = arith.constant 0 : i32
        %dma_wait3A_84 = tpu.memref_slice %arg25[%dma_wait3A_82, %dma_wait3A_83] : memref<10000x128xf32, #tpu.memory_space<vmem_shared>> -> memref<16x128xf32, #tpu.memory_space<vmem_shared>>
        %dma_wait3A_85 = arith.constant 9984 : i32
        %dma_wait3A_86 = arith.constant 0 : i32
        %dma_wait3A_87 = tpu.memref_slice %arg5[%dma_wait3A_85, %dma_wait3A_86] : memref<10000x128xf32, #tpu.memory_space<hbm>> -> memref<16x128xf32, #tpu.memory_space<hbm>>
        tpu.wait_dma2 semaphore(%run_scoped3A : memref<!tpu.dma_semaphore, #tpu.memory_space<semaphore_mem>>) src(%dma_wait3A_87 : memref<16x128xf32, #tpu.memory_space<hbm>>) dst(%dma_wait3A_84 : memref<16x128xf32, #tpu.memory_space<vmem_shared>>)
        tpu.yield
      }) : () -> ()
    } else {
    }
    %barrier3A = arith.constant 0 : index
    tpu.barrier barrier_id(%barrier3A)
    %add3A_9 = arith.constant 0 : i32
    %add3A_10 = arith.addi %mul3A_2, %add3A_9 : i32
    %dma_start3A = arith.constant 0 : i32
    %dma_start3A_11 = tpu.memref_slice %arg2[%add3A_10, %dma_start3A] : memref<320000x128xf32, #tpu.memory_space<hbm>> -> memref<48x128xf32, #tpu.memory_space<hbm>>
    %dma_start3A_12 = arith.constant 0 : i32
    %dma_start3A_13 = tpu.memref_slice %arg2[%add3A_10, %dma_start3A_12] : memref<320000x128xf32, #tpu.memory_space<hbm>> -> memref<48x128xf32, #tpu.memory_space<hbm>>
    tpu.enqueue_dma source(%dma_start3A_13 : memref<48x128xf32, #tpu.memory_space<hbm>>) target(%arg8 : memref<48x128xf32, #tpu.memory_space<vmem>>) target_semaphore(%arg26 : memref<!tpu.dma_semaphore, #tpu.memory_space<semaphore_mem>>)
    %dma_start3A_14 = tpu.memref_slice %arg3[%add3A_10] : memref<320000xf32, #tpu.memory_space<hbm>> -> memref<48xf32, #tpu.memory_space<hbm>>
    %dma_start3A_15 = tpu.memref_slice %arg3[%add3A_10] : memref<320000xf32, #tpu.memory_space<hbm>> -> memref<48xf32, #tpu.memory_space<hbm>>
    tpu.enqueue_dma source(%dma_start3A_15 : memref<48xf32, #tpu.memory_space<hbm>>) target(%arg16 : memref<48xf32, #tpu.memory_space<vmem>>) target_semaphore(%arg26 : memref<!tpu.dma_semaphore, #tpu.memory_space<semaphore_mem>>)
    %dma_start3A_16 = tpu.memref_slice %arg4[%add3A_10] : memref<320000xi32, #tpu.memory_space<hbm>> -> memref<48xi32, #tpu.memory_space<hbm>>
    %dma_start3A_17 = tpu.memref_slice %arg4[%add3A_10] : memref<320000xi32, #tpu.memory_space<hbm>> -> memref<48xi32, #tpu.memory_space<hbm>>
    tpu.enqueue_dma source(%dma_start3A_17 : memref<48xi32, #tpu.memory_space<hbm>>) target(%arg20 : memref<48xi32, #tpu.memory_space<vmem>>) target_semaphore(%arg26 : memref<!tpu.dma_semaphore, #tpu.memory_space<semaphore_mem>>)
    %add3A_18 = arith.constant 48 : i32
    %add3A_19 = arith.addi %mul3A_2, %add3A_18 : i32
    %dma_start3A_20 = arith.constant 0 : i32
    %dma_start3A_21 = tpu.memref_slice %arg2[%add3A_19, %dma_start3A_20] : memref<320000x128xf32, #tpu.memory_space<hbm>> -> memref<48x128xf32, #tpu.memory_space<hbm>>
    %dma_start3A_22 = arith.constant 0 : i32
    %dma_start3A_23 = tpu.memref_slice %arg2[%add3A_19, %dma_start3A_22] : memref<320000x128xf32, #tpu.memory_space<hbm>> -> memref<48x128xf32, #tpu.memory_space<hbm>>
    tpu.enqueue_dma source(%dma_start3A_23 : memref<48x128xf32, #tpu.memory_space<hbm>>) target(%arg9 : memref<48x128xf32, #tpu.memory_space<vmem>>) target_semaphore(%arg27 : memref<!tpu.dma_semaphore, #tpu.memory_space<semaphore_mem>>)
    %dma_start3A_24 = tpu.memref_slice %arg3[%add3A_19] : memref<320000xf32, #tpu.memory_space<hbm>> -> memref<48xf32, #tpu.memory_space<hbm>>
    %dma_start3A_25 = tpu.memref_slice %arg3[%add3A_19] : memref<320000xf32, #tpu.memory_space<hbm>> -> memref<48xf32, #tpu.memory_space<hbm>>
    tpu.enqueue_dma source(%dma_start3A_25 : memref<48xf32, #tpu.memory_space<hbm>>) target(%arg17 : memref<48xf32, #tpu.memory_space<vmem>>) target_semaphore(%arg27 : memref<!tpu.dma_semaphore, #tpu.memory_space<semaphore_mem>>)
    %dma_start3A_26 = tpu.memref_slice %arg4[%add3A_19] : memref<320000xi32, #tpu.memory_space<hbm>> -> memref<48xi32, #tpu.memory_space<hbm>>
    %dma_start3A_27 = tpu.memref_slice %arg4[%add3A_19] : memref<320000xi32, #tpu.memory_space<hbm>> -> memref<48xi32, #tpu.memory_space<hbm>>
    tpu.enqueue_dma source(%dma_start3A_27 : memref<48xi32, #tpu.memory_space<hbm>>) target(%arg21 : memref<48xi32, #tpu.memory_space<vmem>>) target_semaphore(%arg27 : memref<!tpu.dma_semaphore, #tpu.memory_space<semaphore_mem>>)
    %add3A_28 = arith.constant 96 : i32
    %add3A_29 = arith.addi %mul3A_2, %add3A_28 : i32
    %dma_start3A_30 = arith.constant 0 : i32
    %dma_start3A_31 = tpu.memref_slice %arg2[%add3A_29, %dma_start3A_30] : memref<320000x128xf32, #tpu.memory_space<hbm>> -> memref<48x128xf32, #tpu.memory_space<hbm>>
    %dma_start3A_32 = arith.constant 0 : i32
    %dma_start3A_33 = tpu.memref_slice %arg2[%add3A_29, %dma_start3A_32] : memref<320000x128xf32, #tpu.memory_space<hbm>> -> memref<48x128xf32, #tpu.memory_space<hbm>>
    tpu.enqueue_dma source(%dma_start3A_33 : memref<48x128xf32, #tpu.memory_space<hbm>>) target(%arg10 : memref<48x128xf32, #tpu.memory_space<vmem>>) target_semaphore(%arg28 : memref<!tpu.dma_semaphore, #tpu.memory_space<semaphore_mem>>)
    %dma_start3A_34 = tpu.memref_slice %arg3[%add3A_29] : memref<320000xf32, #tpu.memory_space<hbm>> -> memref<48xf32, #tpu.memory_space<hbm>>
    %dma_start3A_35 = tpu.memref_slice %arg3[%add3A_29] : memref<320000xf32, #tpu.memory_space<hbm>> -> memref<48xf32, #tpu.memory_space<hbm>>
    tpu.enqueue_dma source(%dma_start3A_35 : memref<48xf32, #tpu.memory_space<hbm>>) target(%arg18 : memref<48xf32, #tpu.memory_space<vmem>>) target_semaphore(%arg28 : memref<!tpu.dma_semaphore, #tpu.memory_space<semaphore_mem>>)
    %dma_start3A_36 = tpu.memref_slice %arg4[%add3A_29] : memref<320000xi32, #tpu.memory_space<hbm>> -> memref<48xi32, #tpu.memory_space<hbm>>
    %dma_start3A_37 = tpu.memref_slice %arg4[%add3A_29] : memref<320000xi32, #tpu.memory_space<hbm>> -> memref<48xi32, #tpu.memory_space<hbm>>
    tpu.enqueue_dma source(%dma_start3A_37 : memref<48xi32, #tpu.memory_space<hbm>>) target(%arg22 : memref<48xi32, #tpu.memory_space<vmem>>) target_semaphore(%arg28 : memref<!tpu.dma_semaphore, #tpu.memory_space<semaphore_mem>>)
    %add3A_38 = arith.constant 144 : i32
    %add3A_39 = arith.addi %mul3A_2, %add3A_38 : i32
    %dma_start3A_40 = arith.constant 0 : i32
    %dma_start3A_41 = tpu.memref_slice %arg2[%add3A_39, %dma_start3A_40] : memref<320000x128xf32, #tpu.memory_space<hbm>> -> memref<48x128xf32, #tpu.memory_space<hbm>>
    %dma_start3A_42 = arith.constant 0 : i32
    %dma_start3A_43 = tpu.memref_slice %arg2[%add3A_39, %dma_start3A_42] : memref<320000x128xf32, #tpu.memory_space<hbm>> -> memref<48x128xf32, #tpu.memory_space<hbm>>
    tpu.enqueue_dma source(%dma_start3A_43 : memref<48x128xf32, #tpu.memory_space<hbm>>) target(%arg11 : memref<48x128xf32, #tpu.memory_space<vmem>>) target_semaphore(%arg29 : memref<!tpu.dma_semaphore, #tpu.memory_space<semaphore_mem>>)
    %dma_start3A_44 = tpu.memref_slice %arg3[%add3A_39] : memref<320000xf32, #tpu.memory_space<hbm>> -> memref<48xf32, #tpu.memory_space<hbm>>
    %dma_start3A_45 = tpu.memref_slice %arg3[%add3A_39] : memref<320000xf32, #tpu.memory_space<hbm>> -> memref<48xf32, #tpu.memory_space<hbm>>
    tpu.enqueue_dma source(%dma_start3A_45 : memref<48xf32, #tpu.memory_space<hbm>>) target(%arg19 : memref<48xf32, #tpu.memory_space<vmem>>) target_semaphore(%arg29 : memref<!tpu.dma_semaphore, #tpu.memory_space<semaphore_mem>>)
    %dma_start3A_46 = tpu.memref_slice %arg4[%add3A_39] : memref<320000xi32, #tpu.memory_space<hbm>> -> memref<48xi32, #tpu.memory_space<hbm>>
    %dma_start3A_47 = tpu.memref_slice %arg4[%add3A_39] : memref<320000xi32, #tpu.memory_space<hbm>> -> memref<48xi32, #tpu.memory_space<hbm>>
    tpu.enqueue_dma source(%dma_start3A_47 : memref<48xi32, #tpu.memory_space<hbm>>) target(%arg23 : memref<48xi32, #tpu.memory_space<vmem>>) target_semaphore(%arg29 : memref<!tpu.dma_semaphore, #tpu.memory_space<semaphore_mem>>)
    %scan3A = arith.constant 0 : i32
    %scan3A_48 = arith.constant 0 : i32
    %scan3A_49 = arith.constant 52 : i32
    %scan3A_50 = arith.addi %scan3A_48, %scan3A_49 : i32
    %scan3A_51 = arith.constant 1 : i32
    %scan3A_52 = scf.for %scan3A_76 = %scan3A_48 to %scan3A_50 step %scan3A_51 iter_args(%scan3A_77 = %scan3A) -> (i32)  : i32 {
      %mul3A_78 = arith.constant 4 : i32
      %mul3A_79 = arith.muli %scan3A_76, %mul3A_78 : i32
      %add3A_80 = arith.constant 0 : i32
      %add3A_81 = arith.addi %mul3A_79, %add3A_80 : i32
      %mul3A_82 = arith.constant 48 : i32
      %mul3A_83 = arith.muli %add3A_81, %mul3A_82 : i32
      %add3A_84 = arith.addi %mul3A_2, %mul3A_83 : i32
      %dma_wait3A_85 = arith.constant 0 : i32
      %dma_wait3A_86 = tpu.memref_slice %arg2[%add3A_84, %dma_wait3A_85] : memref<320000x128xf32, #tpu.memory_space<hbm>> -> memref<48x128xf32, #tpu.memory_space<hbm>>
      %dma_wait3A_87 = arith.constant 0 : i32
      %dma_wait3A_88 = tpu.memref_slice %arg2[%add3A_84, %dma_wait3A_87] : memref<320000x128xf32, #tpu.memory_space<hbm>> -> memref<48x128xf32, #tpu.memory_space<hbm>>
      tpu.wait_dma2 semaphore(%arg26 : memref<!tpu.dma_semaphore, #tpu.memory_space<semaphore_mem>>) src(%dma_wait3A_88 : memref<48x128xf32, #tpu.memory_space<hbm>>) dst(%arg8 : memref<48x128xf32, #tpu.memory_space<vmem>>)
      %dma_wait3A_89 = tpu.memref_slice %arg3[%add3A_84] : memref<320000xf32, #tpu.memory_space<hbm>> -> memref<48xf32, #tpu.memory_space<hbm>>
      %dma_wait3A_90 = tpu.memref_slice %arg3[%add3A_84] : memref<320000xf32, #tpu.memory_space<hbm>> -> memref<48xf32, #tpu.memory_space<hbm>>
      tpu.wait_dma2 semaphore(%arg26 : memref<!tpu.dma_semaphore, #tpu.memory_space<semaphore_mem>>) src(%dma_wait3A_90 : memref<48xf32, #tpu.memory_space<hbm>>) dst(%arg16 : memref<48xf32, #tpu.memory_space<vmem>>)
      %dma_wait3A_91 = tpu.memref_slice %arg4[%add3A_84] : memref<320000xi32, #tpu.memory_space<hbm>> -> memref<48xi32, #tpu.memory_space<hbm>>
      %dma_wait3A_92 = tpu.memref_slice %arg4[%add3A_84] : memref<320000xi32, #tpu.memory_space<hbm>> -> memref<48xi32, #tpu.memory_space<hbm>>
      tpu.wait_dma2 semaphore(%arg26 : memref<!tpu.dma_semaphore, #tpu.memory_space<semaphore_mem>>) src(%dma_wait3A_92 : memref<48xi32, #tpu.memory_space<hbm>>) dst(%arg20 : memref<48xi32, #tpu.memory_space<vmem>>)
      %mul3A_93 = arith.constant 48 : i32
      %mul3A_94 = arith.muli %add3A_81, %mul3A_93 : i32
      %add3A_95 = arith.addi %mul3A_2, %mul3A_94 : i32
      %dma_start3A_96 = arith.constant 0 : i32
      %dma_start3A_97 = tpu.memref_slice %arg7[%add3A_95, %dma_start3A_96] : memref<320000x128xf32, #tpu.memory_space<hbm>> -> memref<48x128xf32, #tpu.memory_space<hbm>>
      %dma_start3A_98 = arith.constant 0 : i32
      %dma_start3A_99 = tpu.memref_slice %arg7[%add3A_95, %dma_start3A_98] : memref<320000x128xf32, #tpu.memory_space<hbm>> -> memref<48x128xf32, #tpu.memory_space<hbm>>
      tpu.enqueue_dma source(%arg8 : memref<48x128xf32, #tpu.memory_space<vmem>>) target(%dma_start3A_99 : memref<48x128xf32, #tpu.memory_space<hbm>>) target_semaphore(%arg34 : memref<!tpu.dma_semaphore, #tpu.memory_space<semaphore_mem>>)
      %parallel_loop3A_100 = arith.constant 0 : i32
      %parallel_loop3A_101 = arith.constant 48 : i32
      %parallel_loop3A_102 = arith.constant 1 : i32
      scf.for %parallel_loop3A_256 = %parallel_loop3A_100 to %parallel_loop3A_101 step %parallel_loop3A_102  : i32 {
        %parallel_loop3A_257 = vector.broadcast %parallel_loop3A_256 : i32 to vector<16xi32>
        %parallel_loop3A_258 = tpu.vector_load_idx %arg16[%parallel_loop3A_257] : memref<48xf32, #tpu.memory_space<vmem>>[vector<16xi32>], vector<16xf32>,
        %parallel_loop3A_259 = arith.index_cast %parallel_loop3A_256 : i32 to index
        %parallel_loop3A_260 = arith.constant 0 : index
        %parallel_loop3A_261 = tpu.vector_load %arg8[%parallel_loop3A_259, %parallel_loop3A_260] {strides = array<i32>} : memref<48x128xf32, #tpu.memory_space<vmem>>, vector<16xf32>,
        %parallel_loop3A_262 = arith.mulf %parallel_loop3A_261, %parallel_loop3A_258 : vector<16xf32>
        %parallel_loop3A_263 = arith.index_cast %parallel_loop3A_256 : i32 to index
        %parallel_loop3A_264 = arith.constant 0 : index
        %parallel_loop3A_265 = tpu.vector_load %arg12[%parallel_loop3A_263, %parallel_loop3A_264] {strides = array<i32>} : memref<48x128xf32, #tpu.memory_space<vmem>>, vector<16xf32>,
        tpu.vector_store %arg12[%parallel_loop3A_263, %parallel_loop3A_264], %parallel_loop3A_262 {strides = array<i32>} : memref<48x128xf32, #tpu.memory_space<vmem>>, vector<16xf32>,
        %parallel_loop3A_266 = arith.index_cast %parallel_loop3A_256 : i32 to index
        %parallel_loop3A_267 = arith.constant 16 : index
        %parallel_loop3A_268 = tpu.vector_load %arg8[%parallel_loop3A_266, %parallel_loop3A_267] {strides = array<i32>} : memref<48x128xf32, #tpu.memory_space<vmem>>, vector<16xf32>,
        %parallel_loop3A_269 = arith.mulf %parallel_loop3A_268, %parallel_loop3A_258 : vector<16xf32>
        %parallel_loop3A_270 = arith.index_cast %parallel_loop3A_256 : i32 to index
        %parallel_loop3A_271 = arith.constant 16 : index
        %parallel_loop3A_272 = tpu.vector_load %arg12[%parallel_loop3A_270, %parallel_loop3A_271] {strides = array<i32>} : memref<48x128xf32, #tpu.memory_space<vmem>>, vector<16xf32>,
        tpu.vector_store %arg12[%parallel_loop3A_270, %parallel_loop3A_271], %parallel_loop3A_269 {strides = array<i32>} : memref<48x128xf32, #tpu.memory_space<vmem>>, vector<16xf32>,
        %parallel_loop3A_273 = arith.index_cast %parallel_loop3A_256 : i32 to index
        %parallel_loop3A_274 = arith.constant 32 : index
        %parallel_loop3A_275 = tpu.vector_load %arg8[%parallel_loop3A_273, %parallel_loop3A_274] {strides = array<i32>} : memref<48x128xf32, #tpu.memory_space<vmem>>, vector<16xf32>,
        %parallel_loop3A_276 = arith.mulf %parallel_loop3A_275, %parallel_loop3A_258 : vector<16xf32>
        %parallel_loop3A_277 = arith.index_cast %parallel_loop3A_256 : i32 to index
        %parallel_loop3A_278 = arith.constant 32 : index
        %parallel_loop3A_279 = tpu.vector_load %arg12[%parallel_loop3A_277, %parallel_loop3A_278] {strides = array<i32>} : memref<48x128xf32, #tpu.memory_space<vmem>>, vector<16xf32>,
        tpu.vector_store %arg12[%parallel_loop3A_277, %parallel_loop3A_278], %parallel_loop3A_276 {strides = array<i32>} : memref<48x128xf32, #tpu.memory_space<vmem>>, vector<16xf32>,
        %parallel_loop3A_280 = arith.index_cast %parallel_loop3A_256 : i32 to index
        %parallel_loop3A_281 = arith.constant 48 : index
        %parallel_loop3A_282 = tpu.vector_load %arg8[%parallel_loop3A_280, %parallel_loop3A_281] {strides = array<i32>} : memref<48x128xf32, #tpu.memory_space<vmem>>, vector<16xf32>,
        %parallel_loop3A_283 = arith.mulf %parallel_loop3A_282, %parallel_loop3A_258 : vector<16xf32>
        %parallel_loop3A_284 = arith.index_cast %parallel_loop3A_256 : i32 to index
        %parallel_loop3A_285 = arith.constant 48 : index
        %parallel_loop3A_286 = tpu.vector_load %arg12[%parallel_loop3A_284, %parallel_loop3A_285] {strides = array<i32>} : memref<48x128xf32, #tpu.memory_space<vmem>>, vector<16xf32>,
        tpu.vector_store %arg12[%parallel_loop3A_284, %parallel_loop3A_285], %parallel_loop3A_283 {strides = array<i32>} : memref<48x128xf32, #tpu.memory_space<vmem>>, vector<16xf32>,
        %parallel_loop3A_287 = arith.index_cast %parallel_loop3A_256 : i32 to index
        %parallel_loop3A_288 = arith.constant 64 : index
        %parallel_loop3A_289 = tpu.vector_load %arg8[%parallel_loop3A_287, %parallel_loop3A_288] {strides = array<i32>} : memref<48x128xf32, #tpu.memory_space<vmem>>, vector<16xf32>,
        %parallel_loop3A_290 = arith.mulf %parallel_loop3A_289, %parallel_loop3A_258 : vector<16xf32>
        %parallel_loop3A_291 = arith.index_cast %parallel_loop3A_256 : i32 to index
        %parallel_loop3A_292 = arith.constant 64 : index
        %parallel_loop3A_293 = tpu.vector_load %arg12[%parallel_loop3A_291, %parallel_loop3A_292] {strides = array<i32>} : memref<48x128xf32, #tpu.memory_space<vmem>>, vector<16xf32>,
        tpu.vector_store %arg12[%parallel_loop3A_291, %parallel_loop3A_292], %parallel_loop3A_290 {strides = array<i32>} : memref<48x128xf32, #tpu.memory_space<vmem>>, vector<16xf32>,
        %parallel_loop3A_294 = arith.index_cast %parallel_loop3A_256 : i32 to index
        %parallel_loop3A_295 = arith.constant 80 : index
        %parallel_loop3A_296 = tpu.vector_load %arg8[%parallel_loop3A_294, %parallel_loop3A_295] {strides = array<i32>} : memref<48x128xf32, #tpu.memory_space<vmem>>, vector<16xf32>,
        %parallel_loop3A_297 = arith.mulf %parallel_loop3A_296, %parallel_loop3A_258 : vector<16xf32>
        %parallel_loop3A_298 = arith.index_cast %parallel_loop3A_256 : i32 to index
        %parallel_loop3A_299 = arith.constant 80 : index
        %parallel_loop3A_300 = tpu.vector_load %arg12[%parallel_loop3A_298, %parallel_loop3A_299] {strides = array<i32>} : memref<48x128xf32, #tpu.memory_space<vmem>>, vector<16xf32>,
        tpu.vector_store %arg12[%parallel_loop3A_298, %parallel_loop3A_299], %parallel_loop3A_297 {strides = array<i32>} : memref<48x128xf32, #tpu.memory_space<vmem>>, vector<16xf32>,
        %parallel_loop3A_301 = arith.index_cast %parallel_loop3A_256 : i32 to index
        %parallel_loop3A_302 = arith.constant 96 : index
        %parallel_loop3A_303 = tpu.vector_load %arg8[%parallel_loop3A_301, %parallel_loop3A_302] {strides = array<i32>} : memref<48x128xf32, #tpu.memory_space<vmem>>, vector<16xf32>,
        %parallel_loop3A_304 = arith.mulf %parallel_loop3A_303, %parallel_loop3A_258 : vector<16xf32>
        %parallel_loop3A_305 = arith.index_cast %parallel_loop3A_256 : i32 to index
        %parallel_loop3A_306 = arith.constant 96 : index
        %parallel_loop3A_307 = tpu.vector_load %arg12[%parallel_loop3A_305, %parallel_loop3A_306] {strides = array<i32>} : memref<48x128xf32, #tpu.memory_space<vmem>>, vector<16xf32>,
        tpu.vector_store %arg12[%parallel_loop3A_305, %parallel_loop3A_306], %parallel_loop3A_304 {strides = array<i32>} : memref<48x128xf32, #tpu.memory_space<vmem>>, vector<16xf32>,
        %parallel_loop3A_308 = arith.index_cast %parallel_loop3A_256 : i32 to index
        %parallel_loop3A_309 = arith.constant 112 : index
        %parallel_loop3A_310 = tpu.vector_load %arg8[%parallel_loop3A_308, %parallel_loop3A_309] {strides = array<i32>} : memref<48x128xf32, #tpu.memory_space<vmem>>, vector<16xf32>,
        %parallel_loop3A_311 = arith.mulf %parallel_loop3A_310, %parallel_loop3A_258 : vector<16xf32>
        %parallel_loop3A_312 = arith.index_cast %parallel_loop3A_256 : i32 to index
        %parallel_loop3A_313 = arith.constant 112 : index
        %parallel_loop3A_314 = tpu.vector_load %arg12[%parallel_loop3A_312, %parallel_loop3A_313] {strides = array<i32>} : memref<48x128xf32, #tpu.memory_space<vmem>>, vector<16xf32>,
        tpu.vector_store %arg12[%parallel_loop3A_312, %parallel_loop3A_313], %parallel_loop3A_311 {strides = array<i32>} : memref<48x128xf32, #tpu.memory_space<vmem>>, vector<16xf32>,
      } {sc.loop_unroll_factor = 4 : i64, sc.parallel_access}
      %dma_start3A_103 = arith.constant 0 : i32
      %dma_start3A_104 = arith.constant 0 : i32
      %dma_start3A_105 = tpu.memref_slice %arg25[%dma_start3A_103, %dma_start3A_104] : memref<10000x128xf32, #tpu.memory_space<vmem_shared>> -> memref<10000x128xf32, #tpu.memory_space<vmem_shared>>
      tpu.enqueue_indirect_dma source(%arg12 : memref<48x128xf32, #tpu.memory_space<vmem>>) target(%dma_start3A_105 : memref<10000x128xf32, #tpu.memory_space<vmem_shared>>) offsets(%arg20 : memref<48xi32, #tpu.memory_space<vmem>>) semaphore(%arg30 : memref<!tpu.dma_semaphore, #tpu.memory_space<semaphore_mem>>) {add = true}
      %gt3A = arith.constant 0 : i32
      %gt3A_106 = arith.cmpi sgt, %scan3A_76, %gt3A : i32
      %convert_element_type3A_107 = arith.extui %gt3A_106 : i1 to i32
      %cond3A_108 = arith.constant 0 : i32
      %cond3A_109 = arith.cmpi ne, %convert_element_type3A_107, %cond3A_108 : i32
      scf.if %cond3A_109 {
        %sub3A_256 = arith.constant 1 : i32
        %sub3A_257 = arith.subi %add3A_81, %sub3A_256 : i32
        %mul3A_258 = arith.constant 48 : i32
        %mul3A_259 = arith.muli %sub3A_257, %mul3A_258 : i32
        %add3A_260 = arith.addi %mul3A_2, %mul3A_259 : i32
        %dma_wait3A_261 = arith.constant 0 : i32
        %dma_wait3A_262 = tpu.memref_slice %arg7[%add3A_260, %dma_wait3A_261] : memref<320000x128xf32, #tpu.memory_space<hbm>> -> memref<48x128xf32, #tpu.memory_space<hbm>>
        %dma_wait3A_263 = arith.constant 0 : i32
        %dma_wait3A_264 = tpu.memref_slice %arg7[%add3A_260, %dma_wait3A_263] : memref<320000x128xf32, #tpu.memory_space<hbm>> -> memref<48x128xf32, #tpu.memory_space<hbm>>
        tpu.wait_dma2 semaphore(%arg37 : memref<!tpu.dma_semaphore, #tpu.memory_space<semaphore_mem>>) src(%arg11 : memref<48x128xf32, #tpu.memory_space<vmem>>) dst(%dma_wait3A_264 : memref<48x128xf32, #tpu.memory_space<hbm>>)
        %dma_wait3A_265 = arith.constant 0 : i32
        %dma_wait3A_266 = arith.constant 0 : i32
        %dma_wait3A_267 = tpu.memref_slice %arg25[%dma_wait3A_265, %dma_wait3A_266] : memref<10000x128xf32, #tpu.memory_space<vmem_shared>> -> memref<10000x128xf32, #tpu.memory_space<vmem_shared>>
        tpu.wait_indirect_dma semaphore(%arg33 : memref<!tpu.dma_semaphore, #tpu.memory_space<semaphore_mem>>) src(%arg15 : memref<48x128xf32, #tpu.memory_space<vmem>>) dst(%dma_wait3A_267 : memref<10000x128xf32, #tpu.memory_space<vmem_shared>>)
        %add3A_268 = arith.constant 4 : i32
        %add3A_269 = arith.addi %add3A_81, %add3A_268 : i32
        %sub3A_270 = arith.constant 1 : i32
        %sub3A_271 = arith.subi %add3A_269, %sub3A_270 : i32
        %le3A_272 = arith.constant 207 : i32
        %le3A_273 = arith.cmpi sle, %sub3A_271, %le3A_272 : i32
        %convert_element_type3A_274 = arith.extui %le3A_273 : i1 to i32
        %cond3A_275 = arith.constant 0 : i32
        %cond3A_276 = arith.cmpi ne, %convert_element_type3A_274, %cond3A_275 : i32
        scf.if %cond3A_276 {
          %add3A_277 = arith.constant 4 : i32
          %add3A_278 = arith.addi %add3A_81, %add3A_277 : i32
          %sub3A_279 = arith.constant 1 : i32
          %sub3A_280 = arith.subi %add3A_278, %sub3A_279 : i32
          %mul3A_281 = arith.constant 48 : i32
          %mul3A_282 = arith.muli %sub3A_280, %mul3A_281 : i32
          %add3A_283 = arith.addi %mul3A_2, %mul3A_282 : i32
          %dma_start3A_284 = arith.constant 0 : i32
          %dma_start3A_285 = tpu.memref_slice %arg2[%add3A_283, %dma_start3A_284] : memref<320000x128xf32, #tpu.memory_space<hbm>> -> memref<48x128xf32, #tpu.memory_space<hbm>>
          %dma_start3A_286 = arith.constant 0 : i32
          %dma_start3A_287 = tpu.memref_slice %arg2[%add3A_283, %dma_start3A_286] : memref<320000x128xf32, #tpu.memory_space<hbm>> -> memref<48x128xf32, #tpu.memory_space<hbm>>
          tpu.enqueue_dma source(%dma_start3A_287 : memref<48x128xf32, #tpu.memory_space<hbm>>) target(%arg11 : memref<48x128xf32, #tpu.memory_space<vmem>>) target_semaphore(%arg29 : memref<!tpu.dma_semaphore, #tpu.memory_space<semaphore_mem>>)
          %dma_start3A_288 = tpu.memref_slice %arg3[%add3A_283] : memref<320000xf32, #tpu.memory_space<hbm>> -> memref<48xf32, #tpu.memory_space<hbm>>
          %dma_start3A_289 = tpu.memref_slice %arg3[%add3A_283] : memref<320000xf32, #tpu.memory_space<hbm>> -> memref<48xf32, #tpu.memory_space<hbm>>
          tpu.enqueue_dma source(%dma_start3A_289 : memref<48xf32, #tpu.memory_space<hbm>>) target(%arg19 : memref<48xf32, #tpu.memory_space<vmem>>) target_semaphore(%arg29 : memref<!tpu.dma_semaphore, #tpu.memory_space<semaphore_mem>>)
          %dma_start3A_290 = tpu.memref_slice %arg4[%add3A_283] : memref<320000xi32, #tpu.memory_space<hbm>> -> memref<48xi32, #tpu.memory_space<hbm>>
          %dma_start3A_291 = tpu.memref_slice %arg4[%add3A_283] : memref<320000xi32, #tpu.memory_space<hbm>> -> memref<48xi32, #tpu.memory_space<hbm>>
          tpu.enqueue_dma source(%dma_start3A_291 : memref<48xi32, #tpu.memory_space<hbm>>) target(%arg23 : memref<48xi32, #tpu.memory_space<vmem>>) target_semaphore(%arg29 : memref<!tpu.dma_semaphore, #tpu.memory_space<semaphore_mem>>)
        } else {
        }
      } else {
      }
      %mul3A_110 = arith.constant 4 : i32
      %mul3A_111 = arith.muli %scan3A_76, %mul3A_110 : i32
      %add3A_112 = arith.constant 1 : i32
      %add3A_113 = arith.addi %mul3A_111, %add3A_112 : i32
      %mul3A_114 = arith.constant 48 : i32
      %mul3A_115 = arith.muli %add3A_113, %mul3A_114 : i32
      %add3A_116 = arith.addi %mul3A_2, %mul3A_115 : i32
      %dma_wait3A_117 = arith.constant 0 : i32
      %dma_wait3A_118 = tpu.memref_slice %arg2[%add3A_116, %dma_wait3A_117] : memref<320000x128xf32, #tpu.memory_space<hbm>> -> memref<48x128xf32, #tpu.memory_space<hbm>>
      %dma_wait3A_119 = arith.constant 0 : i32
      %dma_wait3A_120 = tpu.memref_slice %arg2[%add3A_116, %dma_wait3A_119] : memref<320000x128xf32, #tpu.memory_space<hbm>> -> memref<48x128xf32, #tpu.memory_space<hbm>>
      tpu.wait_dma2 semaphore(%arg27 : memref<!tpu.dma_semaphore, #tpu.memory_space<semaphore_mem>>) src(%dma_wait3A_120 : memref<48x128xf32, #tpu.memory_space<hbm>>) dst(%arg9 : memref<48x128xf32, #tpu.memory_space<vmem>>)
      %dma_wait3A_121 = tpu.memref_slice %arg3[%add3A_116] : memref<320000xf32, #tpu.memory_space<hbm>> -> memref<48xf32, #tpu.memory_space<hbm>>
      %dma_wait3A_122 = tpu.memref_slice %arg3[%add3A_116] : memref<320000xf32, #tpu.memory_space<hbm>> -> memref<48xf32, #tpu.memory_space<hbm>>
      tpu.wait_dma2 semaphore(%arg27 : memref<!tpu.dma_semaphore, #tpu.memory_space<semaphore_mem>>) src(%dma_wait3A_122 : memref<48xf32, #tpu.memory_space<hbm>>) dst(%arg17 : memref<48xf32, #tpu.memory_space<vmem>>)
      %dma_wait3A_123 = tpu.memref_slice %arg4[%add3A_116] : memref<320000xi32, #tpu.memory_space<hbm>> -> memref<48xi32, #tpu.memory_space<hbm>>
      %dma_wait3A_124 = tpu.memref_slice %arg4[%add3A_116] : memref<320000xi32, #tpu.memory_space<hbm>> -> memref<48xi32, #tpu.memory_space<hbm>>
      tpu.wait_dma2 semaphore(%arg27 : memref<!tpu.dma_semaphore, #tpu.memory_space<semaphore_mem>>) src(%dma_wait3A_124 : memref<48xi32, #tpu.memory_space<hbm>>) dst(%arg21 : memref<48xi32, #tpu.memory_space<vmem>>)
      %mul3A_125 = arith.constant 48 : i32
      %mul3A_126 = arith.muli %add3A_113, %mul3A_125 : i32
      %add3A_127 = arith.addi %mul3A_2, %mul3A_126 : i32
      %dma_start3A_128 = arith.constant 0 : i32
      %dma_start3A_129 = tpu.memref_slice %arg7[%add3A_127, %dma_start3A_128] : memref<320000x128xf32, #tpu.memory_space<hbm>> -> memref<48x128xf32, #tpu.memory_space<hbm>>
      %dma_start3A_130 = arith.constant 0 : i32
      %dma_start3A_131 = tpu.memref_slice %arg7[%add3A_127, %dma_start3A_130] : memref<320000x128xf32, #tpu.memory_space<hbm>> -> memref<48x128xf32, #tpu.memory_space<hbm>>
      tpu.enqueue_dma source(%arg9 : memref<48x128xf32, #tpu.memory_space<vmem>>) target(%dma_start3A_131 : memref<48x128xf32, #tpu.memory_space<hbm>>) target_semaphore(%arg35 : memref<!tpu.dma_semaphore, #tpu.memory_space<semaphore_mem>>)
      %parallel_loop3A_132 = arith.constant 0 : i32
      %parallel_loop3A_133 = arith.constant 48 : i32
      %parallel_loop3A_134 = arith.constant 1 : i32
      scf.for %parallel_loop3A_256 = %parallel_loop3A_132 to %parallel_loop3A_133 step %parallel_loop3A_134  : i32 {
        %parallel_loop3A_257 = vector.broadcast %parallel_loop3A_256 : i32 to vector<16xi32>
        %parallel_loop3A_258 = tpu.vector_load_idx %arg17[%parallel_loop3A_257] : memref<48xf32, #tpu.memory_space<vmem>>[vector<16xi32>], vector<16xf32>,
        %parallel_loop3A_259 = arith.index_cast %parallel_loop3A_256 : i32 to index
        %parallel_loop3A_260 = arith.constant 0 : index
        %parallel_loop3A_261 = tpu.vector_load %arg9[%parallel_loop3A_259, %parallel_loop3A_260] {strides = array<i32>} : memref<48x128xf32, #tpu.memory_space<vmem>>, vector<16xf32>,
        %parallel_loop3A_262 = arith.mulf %parallel_loop3A_261, %parallel_loop3A_258 : vector<16xf32>
        %parallel_loop3A_263 = arith.index_cast %parallel_loop3A_256 : i32 to index
        %parallel_loop3A_264 = arith.constant 0 : index
        %parallel_loop3A_265 = tpu.vector_load %arg13[%parallel_loop3A_263, %parallel_loop3A_264] {strides = array<i32>} : memref<48x128xf32, #tpu.memory_space<vmem>>, vector<16xf32>,
        tpu.vector_store %arg13[%parallel_loop3A_263, %parallel_loop3A_264], %parallel_loop3A_262 {strides = array<i32>} : memref<48x128xf32, #tpu.memory_space<vmem>>, vector<16xf32>,
        %parallel_loop3A_266 = arith.index_cast %parallel_loop3A_256 : i32 to index
        %parallel_loop3A_267 = arith.constant 16 : index
        %parallel_loop3A_268 = tpu.vector_load %arg9[%parallel_loop3A_266, %parallel_loop3A_267] {strides = array<i32>} : memref<48x128xf32, #tpu.memory_space<vmem>>, vector<16xf32>,
        %parallel_loop3A_269 = arith.mulf %parallel_loop3A_268, %parallel_loop3A_258 : vector<16xf32>
        %parallel_loop3A_270 = arith.index_cast %parallel_loop3A_256 : i32 to index
        %parallel_loop3A_271 = arith.constant 16 : index
        %parallel_loop3A_272 = tpu.vector_load %arg13[%parallel_loop3A_270, %parallel_loop3A_271] {strides = array<i32>} : memref<48x128xf32, #tpu.memory_space<vmem>>, vector<16xf32>,
        tpu.vector_store %arg13[%parallel_loop3A_270, %parallel_loop3A_271], %parallel_loop3A_269 {strides = array<i32>} : memref<48x128xf32, #tpu.memory_space<vmem>>, vector<16xf32>,
        %parallel_loop3A_273 = arith.index_cast %parallel_loop3A_256 : i32 to index
        %parallel_loop3A_274 = arith.constant 32 : index
        %parallel_loop3A_275 = tpu.vector_load %arg9[%parallel_loop3A_273, %parallel_loop3A_274] {strides = array<i32>} : memref<48x128xf32, #tpu.memory_space<vmem>>, vector<16xf32>,
        %parallel_loop3A_276 = arith.mulf %parallel_loop3A_275, %parallel_loop3A_258 : vector<16xf32>
        %parallel_loop3A_277 = arith.index_cast %parallel_loop3A_256 : i32 to index
        %parallel_loop3A_278 = arith.constant 32 : index
        %parallel_loop3A_279 = tpu.vector_load %arg13[%parallel_loop3A_277, %parallel_loop3A_278] {strides = array<i32>} : memref<48x128xf32, #tpu.memory_space<vmem>>, vector<16xf32>,
        tpu.vector_store %arg13[%parallel_loop3A_277, %parallel_loop3A_278], %parallel_loop3A_276 {strides = array<i32>} : memref<48x128xf32, #tpu.memory_space<vmem>>, vector<16xf32>,
        %parallel_loop3A_280 = arith.index_cast %parallel_loop3A_256 : i32 to index
        %parallel_loop3A_281 = arith.constant 48 : index
        %parallel_loop3A_282 = tpu.vector_load %arg9[%parallel_loop3A_280, %parallel_loop3A_281] {strides = array<i32>} : memref<48x128xf32, #tpu.memory_space<vmem>>, vector<16xf32>,
        %parallel_loop3A_283 = arith.mulf %parallel_loop3A_282, %parallel_loop3A_258 : vector<16xf32>
        %parallel_loop3A_284 = arith.index_cast %parallel_loop3A_256 : i32 to index
        %parallel_loop3A_285 = arith.constant 48 : index
        %parallel_loop3A_286 = tpu.vector_load %arg13[%parallel_loop3A_284, %parallel_loop3A_285] {strides = array<i32>} : memref<48x128xf32, #tpu.memory_space<vmem>>, vector<16xf32>,
        tpu.vector_store %arg13[%parallel_loop3A_284, %parallel_loop3A_285], %parallel_loop3A_283 {strides = array<i32>} : memref<48x128xf32, #tpu.memory_space<vmem>>, vector<16xf32>,
        %parallel_loop3A_287 = arith.index_cast %parallel_loop3A_256 : i32 to index
        %parallel_loop3A_288 = arith.constant 64 : index
        %parallel_loop3A_289 = tpu.vector_load %arg9[%parallel_loop3A_287, %parallel_loop3A_288] {strides = array<i32>} : memref<48x128xf32, #tpu.memory_space<vmem>>, vector<16xf32>,
        %parallel_loop3A_290 = arith.mulf %parallel_loop3A_289, %parallel_loop3A_258 : vector<16xf32>
        %parallel_loop3A_291 = arith.index_cast %parallel_loop3A_256 : i32 to index
        %parallel_loop3A_292 = arith.constant 64 : index
        %parallel_loop3A_293 = tpu.vector_load %arg13[%parallel_loop3A_291, %parallel_loop3A_292] {strides = array<i32>} : memref<48x128xf32, #tpu.memory_space<vmem>>, vector<16xf32>,
        tpu.vector_store %arg13[%parallel_loop3A_291, %parallel_loop3A_292], %parallel_loop3A_290 {strides = array<i32>} : memref<48x128xf32, #tpu.memory_space<vmem>>, vector<16xf32>,
        %parallel_loop3A_294 = arith.index_cast %parallel_loop3A_256 : i32 to index
        %parallel_loop3A_295 = arith.constant 80 : index
        %parallel_loop3A_296 = tpu.vector_load %arg9[%parallel_loop3A_294, %parallel_loop3A_295] {strides = array<i32>} : memref<48x128xf32, #tpu.memory_space<vmem>>, vector<16xf32>,
        %parallel_loop3A_297 = arith.mulf %parallel_loop3A_296, %parallel_loop3A_258 : vector<16xf32>
        %parallel_loop3A_298 = arith.index_cast %parallel_loop3A_256 : i32 to index
        %parallel_loop3A_299 = arith.constant 80 : index
        %parallel_loop3A_300 = tpu.vector_load %arg13[%parallel_loop3A_298, %parallel_loop3A_299] {strides = array<i32>} : memref<48x128xf32, #tpu.memory_space<vmem>>, vector<16xf32>,
        tpu.vector_store %arg13[%parallel_loop3A_298, %parallel_loop3A_299], %parallel_loop3A_297 {strides = array<i32>} : memref<48x128xf32, #tpu.memory_space<vmem>>, vector<16xf32>,
        %parallel_loop3A_301 = arith.index_cast %parallel_loop3A_256 : i32 to index
        %parallel_loop3A_302 = arith.constant 96 : index
        %parallel_loop3A_303 = tpu.vector_load %arg9[%parallel_loop3A_301, %parallel_loop3A_302] {strides = array<i32>} : memref<48x128xf32, #tpu.memory_space<vmem>>, vector<16xf32>,
        %parallel_loop3A_304 = arith.mulf %parallel_loop3A_303, %parallel_loop3A_258 : vector<16xf32>
        %parallel_loop3A_305 = arith.index_cast %parallel_loop3A_256 : i32 to index
        %parallel_loop3A_306 = arith.constant 96 : index
        %parallel_loop3A_307 = tpu.vector_load %arg13[%parallel_loop3A_305, %parallel_loop3A_306] {strides = array<i32>} : memref<48x128xf32, #tpu.memory_space<vmem>>, vector<16xf32>,
        tpu.vector_store %arg13[%parallel_loop3A_305, %parallel_loop3A_306], %parallel_loop3A_304 {strides = array<i32>} : memref<48x128xf32, #tpu.memory_space<vmem>>, vector<16xf32>,
        %parallel_loop3A_308 = arith.index_cast %parallel_loop3A_256 : i32 to index
        %parallel_loop3A_309 = arith.constant 112 : index
        %parallel_loop3A_310 = tpu.vector_load %arg9[%parallel_loop3A_308, %parallel_loop3A_309] {strides = array<i32>} : memref<48x128xf32, #tpu.memory_space<vmem>>, vector<16xf32>,
        %parallel_loop3A_311 = arith.mulf %parallel_loop3A_310, %parallel_loop3A_258 : vector<16xf32>
        %parallel_loop3A_312 = arith.index_cast %parallel_loop3A_256 : i32 to index
        %parallel_loop3A_313 = arith.constant 112 : index
        %parallel_loop3A_314 = tpu.vector_load %arg13[%parallel_loop3A_312, %parallel_loop3A_313] {strides = array<i32>} : memref<48x128xf32, #tpu.memory_space<vmem>>, vector<16xf32>,
        tpu.vector_store %arg13[%parallel_loop3A_312, %parallel_loop3A_313], %parallel_loop3A_311 {strides = array<i32>} : memref<48x128xf32, #tpu.memory_space<vmem>>, vector<16xf32>,
      } {sc.loop_unroll_factor = 4 : i64, sc.parallel_access}
      %dma_start3A_135 = arith.constant 0 : i32
      %dma_start3A_136 = arith.constant 0 : i32
      %dma_start3A_137 = tpu.memref_slice %arg25[%dma_start3A_135, %dma_start3A_136] : memref<10000x128xf32, #tpu.memory_space<vmem_shared>> -> memref<10000x128xf32, #tpu.memory_space<vmem_shared>>
      tpu.enqueue_indirect_dma source(%arg13 : memref<48x128xf32, #tpu.memory_space<vmem>>) target(%dma_start3A_137 : memref<10000x128xf32, #tpu.memory_space<vmem_shared>>) offsets(%arg21 : memref<48xi32, #tpu.memory_space<vmem>>) semaphore(%arg31 : memref<!tpu.dma_semaphore, #tpu.memory_space<semaphore_mem>>) {add = true}
      %sub3A = arith.constant 1 : i32
      %sub3A_138 = arith.subi %add3A_113, %sub3A : i32
      %mul3A_139 = arith.constant 48 : i32
      %mul3A_140 = arith.muli %sub3A_138, %mul3A_139 : i32
      %add3A_141 = arith.addi %mul3A_2, %mul3A_140 : i32
      %dma_wait3A_142 = arith.constant 0 : i32
      %dma_wait3A_143 = tpu.memref_slice %arg7[%add3A_141, %dma_wait3A_142] : memref<320000x128xf32, #tpu.memory_space<hbm>> -> memref<48x128xf32, #tpu.memory_space<hbm>>
      %dma_wait3A_144 = arith.constant 0 : i32
      %dma_wait3A_145 = tpu.memref_slice %arg7[%add3A_141, %dma_wait3A_144] : memref<320000x128xf32, #tpu.memory_space<hbm>> -> memref<48x128xf32, #tpu.memory_space<hbm>>
      tpu.wait_dma2 semaphore(%arg34 : memref<!tpu.dma_semaphore, #tpu.memory_space<semaphore_mem>>) src(%arg8 : memref<48x128xf32, #tpu.memory_space<vmem>>) dst(%dma_wait3A_145 : memref<48x128xf32, #tpu.memory_space<hbm>>)
      %dma_wait3A_146 = arith.constant 0 : i32
      %dma_wait3A_147 = arith.constant 0 : i32
      %dma_wait3A_148 = tpu.memref_slice %arg25[%dma_wait3A_146, %dma_wait3A_147] : memref<10000x128xf32, #tpu.memory_space<vmem_shared>> -> memref<10000x128xf32, #tpu.memory_space<vmem_shared>>
      tpu.wait_indirect_dma semaphore(%arg30 : memref<!tpu.dma_semaphore, #tpu.memory_space<semaphore_mem>>) src(%arg12 : memref<48x128xf32, #tpu.memory_space<vmem>>) dst(%dma_wait3A_148 : memref<10000x128xf32, #tpu.memory_space<vmem_shared>>)
      %add3A_149 = arith.constant 4 : i32
      %add3A_150 = arith.addi %add3A_113, %add3A_149 : i32
      %sub3A_151 = arith.constant 1 : i32
      %sub3A_152 = arith.subi %add3A_150, %sub3A_151 : i32
      %le3A = arith.constant 207 : i32
      %le3A_153 = arith.cmpi sle, %sub3A_152, %le3A : i32
      %convert_element_type3A_154 = arith.extui %le3A_153 : i1 to i32
      %cond3A_155 = arith.constant 0 : i32
      %cond3A_156 = arith.cmpi ne, %convert_element_type3A_154, %cond3A_155 : i32
      scf.if %cond3A_156 {
        %add3A_256 = arith.constant 4 : i32
        %add3A_257 = arith.addi %add3A_113, %add3A_256 : i32
        %sub3A_258 = arith.constant 1 : i32
        %sub3A_259 = arith.subi %add3A_257, %sub3A_258 : i32
        %mul3A_260 = arith.constant 48 : i32
        %mul3A_261 = arith.muli %sub3A_259, %mul3A_260 : i32
        %add3A_262 = arith.addi %mul3A_2, %mul3A_261 : i32
        %dma_start3A_263 = arith.constant 0 : i32
        %dma_start3A_264 = tpu.memref_slice %arg2[%add3A_262, %dma_start3A_263] : memref<320000x128xf32, #tpu.memory_space<hbm>> -> memref<48x128xf32, #tpu.memory_space<hbm>>
        %dma_start3A_265 = arith.constant 0 : i32
        %dma_start3A_266 = tpu.memref_slice %arg2[%add3A_262, %dma_start3A_265] : memref<320000x128xf32, #tpu.memory_space<hbm>> -> memref<48x128xf32, #tpu.memory_space<hbm>>
        tpu.enqueue_dma source(%dma_start3A_266 : memref<48x128xf32, #tpu.memory_space<hbm>>) target(%arg8 : memref<48x128xf32, #tpu.memory_space<vmem>>) target_semaphore(%arg26 : memref<!tpu.dma_semaphore, #tpu.memory_space<semaphore_mem>>)
        %dma_start3A_267 = tpu.memref_slice %arg3[%add3A_262] : memref<320000xf32, #tpu.memory_space<hbm>> -> memref<48xf32, #tpu.memory_space<hbm>>
        %dma_start3A_268 = tpu.memref_slice %arg3[%add3A_262] : memref<320000xf32, #tpu.memory_space<hbm>> -> memref<48xf32, #tpu.memory_space<hbm>>
        tpu.enqueue_dma source(%dma_start3A_268 : memref<48xf32, #tpu.memory_space<hbm>>) target(%arg16 : memref<48xf32, #tpu.memory_space<vmem>>) target_semaphore(%arg26 : memref<!tpu.dma_semaphore, #tpu.memory_space<semaphore_mem>>)
        %dma_start3A_269 = tpu.memref_slice %arg4[%add3A_262] : memref<320000xi32, #tpu.memory_space<hbm>> -> memref<48xi32, #tpu.memory_space<hbm>>
        %dma_start3A_270 = tpu.memref_slice %arg4[%add3A_262] : memref<320000xi32, #tpu.memory_space<hbm>> -> memref<48xi32, #tpu.memory_space<hbm>>
        tpu.enqueue_dma source(%dma_start3A_270 : memref<48xi32, #tpu.memory_space<hbm>>) target(%arg20 : memref<48xi32, #tpu.memory_space<vmem>>) target_semaphore(%arg26 : memref<!tpu.dma_semaphore, #tpu.memory_space<semaphore_mem>>)
      } else {
      }
      %mul3A_157 = arith.constant 4 : i32
      %mul3A_158 = arith.muli %scan3A_76, %mul3A_157 : i32
      %add3A_159 = arith.constant 2 : i32
      %add3A_160 = arith.addi %mul3A_158, %add3A_159 : i32
      %mul3A_161 = arith.constant 48 : i32
      %mul3A_162 = arith.muli %add3A_160, %mul3A_161 : i32
      %add3A_163 = arith.addi %mul3A_2, %mul3A_162 : i32
      %dma_wait3A_164 = arith.constant 0 : i32
      %dma_wait3A_165 = tpu.memref_slice %arg2[%add3A_163, %dma_wait3A_164] : memref<320000x128xf32, #tpu.memory_space<hbm>> -> memref<48x128xf32, #tpu.memory_space<hbm>>
      %dma_wait3A_166 = arith.constant 0 : i32
      %dma_wait3A_167 = tpu.memref_slice %arg2[%add3A_163, %dma_wait3A_166] : memref<320000x128xf32, #tpu.memory_space<hbm>> -> memref<48x128xf32, #tpu.memory_space<hbm>>
      tpu.wait_dma2 semaphore(%arg28 : memref<!tpu.dma_semaphore, #tpu.memory_space<semaphore_mem>>) src(%dma_wait3A_167 : memref<48x128xf32, #tpu.memory_space<hbm>>) dst(%arg10 : memref<48x128xf32, #tpu.memory_space<vmem>>)
      %dma_wait3A_168 = tpu.memref_slice %arg3[%add3A_163] : memref<320000xf32, #tpu.memory_space<hbm>> -> memref<48xf32, #tpu.memory_space<hbm>>
      %dma_wait3A_169 = tpu.memref_slice %arg3[%add3A_163] : memref<320000xf32, #tpu.memory_space<hbm>> -> memref<48xf32, #tpu.memory_space<hbm>>
      tpu.wait_dma2 semaphore(%arg28 : memref<!tpu.dma_semaphore, #tpu.memory_space<semaphore_mem>>) src(%dma_wait3A_169 : memref<48xf32, #tpu.memory_space<hbm>>) dst(%arg18 : memref<48xf32, #tpu.memory_space<vmem>>)
      %dma_wait3A_170 = tpu.memref_slice %arg4[%add3A_163] : memref<320000xi32, #tpu.memory_space<hbm>> -> memref<48xi32, #tpu.memory_space<hbm>>
      %dma_wait3A_171 = tpu.memref_slice %arg4[%add3A_163] : memref<320000xi32, #tpu.memory_space<hbm>> -> memref<48xi32, #tpu.memory_space<hbm>>
      tpu.wait_dma2 semaphore(%arg28 : memref<!tpu.dma_semaphore, #tpu.memory_space<semaphore_mem>>) src(%dma_wait3A_171 : memref<48xi32, #tpu.memory_space<hbm>>) dst(%arg22 : memref<48xi32, #tpu.memory_space<vmem>>)
      %mul3A_172 = arith.constant 48 : i32
      %mul3A_173 = arith.muli %add3A_160, %mul3A_172 : i32
      %add3A_174 = arith.addi %mul3A_2, %mul3A_173 : i32
      %dma_start3A_175 = arith.constant 0 : i32
      %dma_start3A_176 = tpu.memref_slice %arg7[%add3A_174, %dma_start3A_175] : memref<320000x128xf32, #tpu.memory_space<hbm>> -> memref<48x128xf32, #tpu.memory_space<hbm>>
      %dma_start3A_177 = arith.constant 0 : i32
      %dma_start3A_178 = tpu.memref_slice %arg7[%add3A_174, %dma_start3A_177] : memref<320000x128xf32, #tpu.memory_space<hbm>> -> memref<48x128xf32, #tpu.memory_space<hbm>>
      tpu.enqueue_dma source(%arg10 : memref<48x128xf32, #tpu.memory_space<vmem>>) target(%dma_start3A_178 : memref<48x128xf32, #tpu.memory_space<hbm>>) target_semaphore(%arg36 : memref<!tpu.dma_semaphore, #tpu.memory_space<semaphore_mem>>)
      %parallel_loop3A_179 = arith.constant 0 : i32
      %parallel_loop3A_180 = arith.constant 48 : i32
      %parallel_loop3A_181 = arith.constant 1 : i32
      scf.for %parallel_loop3A_256 = %parallel_loop3A_179 to %parallel_loop3A_180 step %parallel_loop3A_181  : i32 {
        %parallel_loop3A_257 = vector.broadcast %parallel_loop3A_256 : i32 to vector<16xi32>
        %parallel_loop3A_258 = tpu.vector_load_idx %arg18[%parallel_loop3A_257] : memref<48xf32, #tpu.memory_space<vmem>>[vector<16xi32>], vector<16xf32>,
        %parallel_loop3A_259 = arith.index_cast %parallel_loop3A_256 : i32 to index
        %parallel_loop3A_260 = arith.constant 0 : index
        %parallel_loop3A_261 = tpu.vector_load %arg10[%parallel_loop3A_259, %parallel_loop3A_260] {strides = array<i32>} : memref<48x128xf32, #tpu.memory_space<vmem>>, vector<16xf32>,
        %parallel_loop3A_262 = arith.mulf %parallel_loop3A_261, %parallel_loop3A_258 : vector<16xf32>
        %parallel_loop3A_263 = arith.index_cast %parallel_loop3A_256 : i32 to index
        %parallel_loop3A_264 = arith.constant 0 : index
        %parallel_loop3A_265 = tpu.vector_load %arg14[%parallel_loop3A_263, %parallel_loop3A_264] {strides = array<i32>} : memref<48x128xf32, #tpu.memory_space<vmem>>, vector<16xf32>,
        tpu.vector_store %arg14[%parallel_loop3A_263, %parallel_loop3A_264], %parallel_loop3A_262 {strides = array<i32>} : memref<48x128xf32, #tpu.memory_space<vmem>>, vector<16xf32>,
        %parallel_loop3A_266 = arith.index_cast %parallel_loop3A_256 : i32 to index
        %parallel_loop3A_267 = arith.constant 16 : index
        %parallel_loop3A_268 = tpu.vector_load %arg10[%parallel_loop3A_266, %parallel_loop3A_267] {strides = array<i32>} : memref<48x128xf32, #tpu.memory_space<vmem>>, vector<16xf32>,
        %parallel_loop3A_269 = arith.mulf %parallel_loop3A_268, %parallel_loop3A_258 : vector<16xf32>
        %parallel_loop3A_270 = arith.index_cast %parallel_loop3A_256 : i32 to index
        %parallel_loop3A_271 = arith.constant 16 : index
        %parallel_loop3A_272 = tpu.vector_load %arg14[%parallel_loop3A_270, %parallel_loop3A_271] {strides = array<i32>} : memref<48x128xf32, #tpu.memory_space<vmem>>, vector<16xf32>,
        tpu.vector_store %arg14[%parallel_loop3A_270, %parallel_loop3A_271], %parallel_loop3A_269 {strides = array<i32>} : memref<48x128xf32, #tpu.memory_space<vmem>>, vector<16xf32>,
        %parallel_loop3A_273 = arith.index_cast %parallel_loop3A_256 : i32 to index
        %parallel_loop3A_274 = arith.constant 32 : index
        %parallel_loop3A_275 = tpu.vector_load %arg10[%parallel_loop3A_273, %parallel_loop3A_274] {strides = array<i32>} : memref<48x128xf32, #tpu.memory_space<vmem>>, vector<16xf32>,
        %parallel_loop3A_276 = arith.mulf %parallel_loop3A_275, %parallel_loop3A_258 : vector<16xf32>
        %parallel_loop3A_277 = arith.index_cast %parallel_loop3A_256 : i32 to index
        %parallel_loop3A_278 = arith.constant 32 : index
        %parallel_loop3A_279 = tpu.vector_load %arg14[%parallel_loop3A_277, %parallel_loop3A_278] {strides = array<i32>} : memref<48x128xf32, #tpu.memory_space<vmem>>, vector<16xf32>,
        tpu.vector_store %arg14[%parallel_loop3A_277, %parallel_loop3A_278], %parallel_loop3A_276 {strides = array<i32>} : memref<48x128xf32, #tpu.memory_space<vmem>>, vector<16xf32>,
        %parallel_loop3A_280 = arith.index_cast %parallel_loop3A_256 : i32 to index
        %parallel_loop3A_281 = arith.constant 48 : index
        %parallel_loop3A_282 = tpu.vector_load %arg10[%parallel_loop3A_280, %parallel_loop3A_281] {strides = array<i32>} : memref<48x128xf32, #tpu.memory_space<vmem>>, vector<16xf32>,
        %parallel_loop3A_283 = arith.mulf %parallel_loop3A_282, %parallel_loop3A_258 : vector<16xf32>
        %parallel_loop3A_284 = arith.index_cast %parallel_loop3A_256 : i32 to index
        %parallel_loop3A_285 = arith.constant 48 : index
        %parallel_loop3A_286 = tpu.vector_load %arg14[%parallel_loop3A_284, %parallel_loop3A_285] {strides = array<i32>} : memref<48x128xf32, #tpu.memory_space<vmem>>, vector<16xf32>,
        tpu.vector_store %arg14[%parallel_loop3A_284, %parallel_loop3A_285], %parallel_loop3A_283 {strides = array<i32>} : memref<48x128xf32, #tpu.memory_space<vmem>>, vector<16xf32>,
        %parallel_loop3A_287 = arith.index_cast %parallel_loop3A_256 : i32 to index
        %parallel_loop3A_288 = arith.constant 64 : index
        %parallel_loop3A_289 = tpu.vector_load %arg10[%parallel_loop3A_287, %parallel_loop3A_288] {strides = array<i32>} : memref<48x128xf32, #tpu.memory_space<vmem>>, vector<16xf32>,
        %parallel_loop3A_290 = arith.mulf %parallel_loop3A_289, %parallel_loop3A_258 : vector<16xf32>
        %parallel_loop3A_291 = arith.index_cast %parallel_loop3A_256 : i32 to index
        %parallel_loop3A_292 = arith.constant 64 : index
        %parallel_loop3A_293 = tpu.vector_load %arg14[%parallel_loop3A_291, %parallel_loop3A_292] {strides = array<i32>} : memref<48x128xf32, #tpu.memory_space<vmem>>, vector<16xf32>,
        tpu.vector_store %arg14[%parallel_loop3A_291, %parallel_loop3A_292], %parallel_loop3A_290 {strides = array<i32>} : memref<48x128xf32, #tpu.memory_space<vmem>>, vector<16xf32>,
        %parallel_loop3A_294 = arith.index_cast %parallel_loop3A_256 : i32 to index
        %parallel_loop3A_295 = arith.constant 80 : index
        %parallel_loop3A_296 = tpu.vector_load %arg10[%parallel_loop3A_294, %parallel_loop3A_295] {strides = array<i32>} : memref<48x128xf32, #tpu.memory_space<vmem>>, vector<16xf32>,
        %parallel_loop3A_297 = arith.mulf %parallel_loop3A_296, %parallel_loop3A_258 : vector<16xf32>
        %parallel_loop3A_298 = arith.index_cast %parallel_loop3A_256 : i32 to index
        %parallel_loop3A_299 = arith.constant 80 : index
        %parallel_loop3A_300 = tpu.vector_load %arg14[%parallel_loop3A_298, %parallel_loop3A_299] {strides = array<i32>} : memref<48x128xf32, #tpu.memory_space<vmem>>, vector<16xf32>,
        tpu.vector_store %arg14[%parallel_loop3A_298, %parallel_loop3A_299], %parallel_loop3A_297 {strides = array<i32>} : memref<48x128xf32, #tpu.memory_space<vmem>>, vector<16xf32>,
        %parallel_loop3A_301 = arith.index_cast %parallel_loop3A_256 : i32 to index
        %parallel_loop3A_302 = arith.constant 96 : index
        %parallel_loop3A_303 = tpu.vector_load %arg10[%parallel_loop3A_301, %parallel_loop3A_302] {strides = array<i32>} : memref<48x128xf32, #tpu.memory_space<vmem>>, vector<16xf32>,
        %parallel_loop3A_304 = arith.mulf %parallel_loop3A_303, %parallel_loop3A_258 : vector<16xf32>
        %parallel_loop3A_305 = arith.index_cast %parallel_loop3A_256 : i32 to index
        %parallel_loop3A_306 = arith.constant 96 : index
        %parallel_loop3A_307 = tpu.vector_load %arg14[%parallel_loop3A_305, %parallel_loop3A_306] {strides = array<i32>} : memref<48x128xf32, #tpu.memory_space<vmem>>, vector<16xf32>,
        tpu.vector_store %arg14[%parallel_loop3A_305, %parallel_loop3A_306], %parallel_loop3A_304 {strides = array<i32>} : memref<48x128xf32, #tpu.memory_space<vmem>>, vector<16xf32>,
        %parallel_loop3A_308 = arith.index_cast %parallel_loop3A_256 : i32 to index
        %parallel_loop3A_309 = arith.constant 112 : index
        %parallel_loop3A_310 = tpu.vector_load %arg10[%parallel_loop3A_308, %parallel_loop3A_309] {strides = array<i32>} : memref<48x128xf32, #tpu.memory_space<vmem>>, vector<16xf32>,
        %parallel_loop3A_311 = arith.mulf %parallel_loop3A_310, %parallel_loop3A_258 : vector<16xf32>
        %parallel_loop3A_312 = arith.index_cast %parallel_loop3A_256 : i32 to index
        %parallel_loop3A_313 = arith.constant 112 : index
        %parallel_loop3A_314 = tpu.vector_load %arg14[%parallel_loop3A_312, %parallel_loop3A_313] {strides = array<i32>} : memref<48x128xf32, #tpu.memory_space<vmem>>, vector<16xf32>,
        tpu.vector_store %arg14[%parallel_loop3A_312, %parallel_loop3A_313], %parallel_loop3A_311 {strides = array<i32>} : memref<48x128xf32, #tpu.memory_space<vmem>>, vector<16xf32>,
      } {sc.loop_unroll_factor = 4 : i64, sc.parallel_access}
      %dma_start3A_182 = arith.constant 0 : i32
      %dma_start3A_183 = arith.constant 0 : i32
      %dma_start3A_184 = tpu.memref_slice %arg25[%dma_start3A_182, %dma_start3A_183] : memref<10000x128xf32, #tpu.memory_space<vmem_shared>> -> memref<10000x128xf32, #tpu.memory_space<vmem_shared>>
      tpu.enqueue_indirect_dma source(%arg14 : memref<48x128xf32, #tpu.memory_space<vmem>>) target(%dma_start3A_184 : memref<10000x128xf32, #tpu.memory_space<vmem_shared>>) offsets(%arg22 : memref<48xi32, #tpu.memory_space<vmem>>) semaphore(%arg32 : memref<!tpu.dma_semaphore, #tpu.memory_space<semaphore_mem>>) {add = true}
      %sub3A_185 = arith.constant 1 : i32
      %sub3A_186 = arith.subi %add3A_160, %sub3A_185 : i32
      %mul3A_187 = arith.constant 48 : i32
      %mul3A_188 = arith.muli %sub3A_186, %mul3A_187 : i32
      %add3A_189 = arith.addi %mul3A_2, %mul3A_188 : i32
      %dma_wait3A_190 = arith.constant 0 : i32
      %dma_wait3A_191 = tpu.memref_slice %arg7[%add3A_189, %dma_wait3A_190] : memref<320000x128xf32, #tpu.memory_space<hbm>> -> memref<48x128xf32, #tpu.memory_space<hbm>>
      %dma_wait3A_192 = arith.constant 0 : i32
      %dma_wait3A_193 = tpu.memref_slice %arg7[%add3A_189, %dma_wait3A_192] : memref<320000x128xf32, #tpu.memory_space<hbm>> -> memref<48x128xf32, #tpu.memory_space<hbm>>
      tpu.wait_dma2 semaphore(%arg35 : memref<!tpu.dma_semaphore, #tpu.memory_space<semaphore_mem>>) src(%arg9 : memref<48x128xf32, #tpu.memory_space<vmem>>) dst(%dma_wait3A_193 : memref<48x128xf32, #tpu.memory_space<hbm>>)
      %dma_wait3A_194 = arith.constant 0 : i32
      %dma_wait3A_195 = arith.constant 0 : i32
      %dma_wait3A_196 = tpu.memref_slice %arg25[%dma_wait3A_194, %dma_wait3A_195] : memref<10000x128xf32, #tpu.memory_space<vmem_shared>> -> memref<10000x128xf32, #tpu.memory_space<vmem_shared>>
      tpu.wait_indirect_dma semaphore(%arg31 : memref<!tpu.dma_semaphore, #tpu.memory_space<semaphore_mem>>) src(%arg13 : memref<48x128xf32, #tpu.memory_space<vmem>>) dst(%dma_wait3A_196 : memref<10000x128xf32, #tpu.memory_space<vmem_shared>>)
      %add3A_197 = arith.constant 4 : i32
      %add3A_198 = arith.addi %add3A_160, %add3A_197 : i32
      %sub3A_199 = arith.constant 1 : i32
      %sub3A_200 = arith.subi %add3A_198, %sub3A_199 : i32
      %le3A_201 = arith.constant 207 : i32
      %le3A_202 = arith.cmpi sle, %sub3A_200, %le3A_201 : i32
      %convert_element_type3A_203 = arith.extui %le3A_202 : i1 to i32
      %cond3A_204 = arith.constant 0 : i32
      %cond3A_205 = arith.cmpi ne, %convert_element_type3A_203, %cond3A_204 : i32
      scf.if %cond3A_205 {
        %add3A_256 = arith.constant 4 : i32
        %add3A_257 = arith.addi %add3A_160, %add3A_256 : i32
        %sub3A_258 = arith.constant 1 : i32
        %sub3A_259 = arith.subi %add3A_257, %sub3A_258 : i32
        %mul3A_260 = arith.constant 48 : i32
        %mul3A_261 = arith.muli %sub3A_259, %mul3A_260 : i32
        %add3A_262 = arith.addi %mul3A_2, %mul3A_261 : i32
        %dma_start3A_263 = arith.constant 0 : i32
        %dma_start3A_264 = tpu.memref_slice %arg2[%add3A_262, %dma_start3A_263] : memref<320000x128xf32, #tpu.memory_space<hbm>> -> memref<48x128xf32, #tpu.memory_space<hbm>>
        %dma_start3A_265 = arith.constant 0 : i32
        %dma_start3A_266 = tpu.memref_slice %arg2[%add3A_262, %dma_start3A_265] : memref<320000x128xf32, #tpu.memory_space<hbm>> -> memref<48x128xf32, #tpu.memory_space<hbm>>
        tpu.enqueue_dma source(%dma_start3A_266 : memref<48x128xf32, #tpu.memory_space<hbm>>) target(%arg9 : memref<48x128xf32, #tpu.memory_space<vmem>>) target_semaphore(%arg27 : memref<!tpu.dma_semaphore, #tpu.memory_space<semaphore_mem>>)
        %dma_start3A_267 = tpu.memref_slice %arg3[%add3A_262] : memref<320000xf32, #tpu.memory_space<hbm>> -> memref<48xf32, #tpu.memory_space<hbm>>
        %dma_start3A_268 = tpu.memref_slice %arg3[%add3A_262] : memref<320000xf32, #tpu.memory_space<hbm>> -> memref<48xf32, #tpu.memory_space<hbm>>
        tpu.enqueue_dma source(%dma_start3A_268 : memref<48xf32, #tpu.memory_space<hbm>>) target(%arg17 : memref<48xf32, #tpu.memory_space<vmem>>) target_semaphore(%arg27 : memref<!tpu.dma_semaphore, #tpu.memory_space<semaphore_mem>>)
        %dma_start3A_269 = tpu.memref_slice %arg4[%add3A_262] : memref<320000xi32, #tpu.memory_space<hbm>> -> memref<48xi32, #tpu.memory_space<hbm>>
        %dma_start3A_270 = tpu.memref_slice %arg4[%add3A_262] : memref<320000xi32, #tpu.memory_space<hbm>> -> memref<48xi32, #tpu.memory_space<hbm>>
        tpu.enqueue_dma source(%dma_start3A_270 : memref<48xi32, #tpu.memory_space<hbm>>) target(%arg21 : memref<48xi32, #tpu.memory_space<vmem>>) target_semaphore(%arg27 : memref<!tpu.dma_semaphore, #tpu.memory_space<semaphore_mem>>)
      } else {
      }
      %mul3A_206 = arith.constant 4 : i32
      %mul3A_207 = arith.muli %scan3A_76, %mul3A_206 : i32
      %add3A_208 = arith.constant 3 : i32
      %add3A_209 = arith.addi %mul3A_207, %add3A_208 : i32
      %mul3A_210 = arith.constant 48 : i32
      %mul3A_211 = arith.muli %add3A_209, %mul3A_210 : i32
      %add3A_212 = arith.addi %mul3A_2, %mul3A_211 : i32
      %dma_wait3A_213 = arith.constant 0 : i32
      %dma_wait3A_214 = tpu.memref_slice %arg2[%add3A_212, %dma_wait3A_213] : memref<320000x128xf32, #tpu.memory_space<hbm>> -> memref<48x128xf32, #tpu.memory_space<hbm>>
      %dma_wait3A_215 = arith.constant 0 : i32
      %dma_wait3A_216 = tpu.memref_slice %arg2[%add3A_212, %dma_wait3A_215] : memref<320000x128xf32, #tpu.memory_space<hbm>> -> memref<48x128xf32, #tpu.memory_space<hbm>>
      tpu.wait_dma2 semaphore(%arg29 : memref<!tpu.dma_semaphore, #tpu.memory_space<semaphore_mem>>) src(%dma_wait3A_216 : memref<48x128xf32, #tpu.memory_space<hbm>>) dst(%arg11 : memref<48x128xf32, #tpu.memory_space<vmem>>)
      %dma_wait3A_217 = tpu.memref_slice %arg3[%add3A_212] : memref<320000xf32, #tpu.memory_space<hbm>> -> memref<48xf32, #tpu.memory_space<hbm>>
      %dma_wait3A_218 = tpu.memref_slice %arg3[%add3A_212] : memref<320000xf32, #tpu.memory_space<hbm>> -> memref<48xf32, #tpu.memory_space<hbm>>
      tpu.wait_dma2 semaphore(%arg29 : memref<!tpu.dma_semaphore, #tpu.memory_space<semaphore_mem>>) src(%dma_wait3A_218 : memref<48xf32, #tpu.memory_space<hbm>>) dst(%arg19 : memref<48xf32, #tpu.memory_space<vmem>>)
      %dma_wait3A_219 = tpu.memref_slice %arg4[%add3A_212] : memref<320000xi32, #tpu.memory_space<hbm>> -> memref<48xi32, #tpu.memory_space<hbm>>
      %dma_wait3A_220 = tpu.memref_slice %arg4[%add3A_212] : memref<320000xi32, #tpu.memory_space<hbm>> -> memref<48xi32, #tpu.memory_space<hbm>>
      tpu.wait_dma2 semaphore(%arg29 : memref<!tpu.dma_semaphore, #tpu.memory_space<semaphore_mem>>) src(%dma_wait3A_220 : memref<48xi32, #tpu.memory_space<hbm>>) dst(%arg23 : memref<48xi32, #tpu.memory_space<vmem>>)
      %mul3A_221 = arith.constant 48 : i32
      %mul3A_222 = arith.muli %add3A_209, %mul3A_221 : i32
      %add3A_223 = arith.addi %mul3A_2, %mul3A_222 : i32
      %dma_start3A_224 = arith.constant 0 : i32
      %dma_start3A_225 = tpu.memref_slice %arg7[%add3A_223, %dma_start3A_224] : memref<320000x128xf32, #tpu.memory_space<hbm>> -> memref<48x128xf32, #tpu.memory_space<hbm>>
      %dma_start3A_226 = arith.constant 0 : i32
      %dma_start3A_227 = tpu.memref_slice %arg7[%add3A_223, %dma_start3A_226] : memref<320000x128xf32, #tpu.memory_space<hbm>> -> memref<48x128xf32, #tpu.memory_space<hbm>>
      tpu.enqueue_dma source(%arg11 : memref<48x128xf32, #tpu.memory_space<vmem>>) target(%dma_start3A_227 : memref<48x128xf32, #tpu.memory_space<hbm>>) target_semaphore(%arg37 : memref<!tpu.dma_semaphore, #tpu.memory_space<semaphore_mem>>)
      %parallel_loop3A_228 = arith.constant 0 : i32
      %parallel_loop3A_229 = arith.constant 48 : i32
      %parallel_loop3A_230 = arith.constant 1 : i32
      scf.for %parallel_loop3A_256 = %parallel_loop3A_228 to %parallel_loop3A_229 step %parallel_loop3A_230  : i32 {
        %parallel_loop3A_257 = vector.broadcast %parallel_loop3A_256 : i32 to vector<16xi32>
        %parallel_loop3A_258 = tpu.vector_load_idx %arg19[%parallel_loop3A_257] : memref<48xf32, #tpu.memory_space<vmem>>[vector<16xi32>], vector<16xf32>,
        %parallel_loop3A_259 = arith.index_cast %parallel_loop3A_256 : i32 to index
        %parallel_loop3A_260 = arith.constant 0 : index
        %parallel_loop3A_261 = tpu.vector_load %arg11[%parallel_loop3A_259, %parallel_loop3A_260] {strides = array<i32>} : memref<48x128xf32, #tpu.memory_space<vmem>>, vector<16xf32>,
        %parallel_loop3A_262 = arith.mulf %parallel_loop3A_261, %parallel_loop3A_258 : vector<16xf32>
        %parallel_loop3A_263 = arith.index_cast %parallel_loop3A_256 : i32 to index
        %parallel_loop3A_264 = arith.constant 0 : index
        %parallel_loop3A_265 = tpu.vector_load %arg15[%parallel_loop3A_263, %parallel_loop3A_264] {strides = array<i32>} : memref<48x128xf32, #tpu.memory_space<vmem>>, vector<16xf32>,
        tpu.vector_store %arg15[%parallel_loop3A_263, %parallel_loop3A_264], %parallel_loop3A_262 {strides = array<i32>} : memref<48x128xf32, #tpu.memory_space<vmem>>, vector<16xf32>,
        %parallel_loop3A_266 = arith.index_cast %parallel_loop3A_256 : i32 to index
        %parallel_loop3A_267 = arith.constant 16 : index
        %parallel_loop3A_268 = tpu.vector_load %arg11[%parallel_loop3A_266, %parallel_loop3A_267] {strides = array<i32>} : memref<48x128xf32, #tpu.memory_space<vmem>>, vector<16xf32>,
        %parallel_loop3A_269 = arith.mulf %parallel_loop3A_268, %parallel_loop3A_258 : vector<16xf32>
        %parallel_loop3A_270 = arith.index_cast %parallel_loop3A_256 : i32 to index
        %parallel_loop3A_271 = arith.constant 16 : index
        %parallel_loop3A_272 = tpu.vector_load %arg15[%parallel_loop3A_270, %parallel_loop3A_271] {strides = array<i32>} : memref<48x128xf32, #tpu.memory_space<vmem>>, vector<16xf32>,
        tpu.vector_store %arg15[%parallel_loop3A_270, %parallel_loop3A_271], %parallel_loop3A_269 {strides = array<i32>} : memref<48x128xf32, #tpu.memory_space<vmem>>, vector<16xf32>,
        %parallel_loop3A_273 = arith.index_cast %parallel_loop3A_256 : i32 to index
        %parallel_loop3A_274 = arith.constant 32 : index
        %parallel_loop3A_275 = tpu.vector_load %arg11[%parallel_loop3A_273, %parallel_loop3A_274] {strides = array<i32>} : memref<48x128xf32, #tpu.memory_space<vmem>>, vector<16xf32>,
        %parallel_loop3A_276 = arith.mulf %parallel_loop3A_275, %parallel_loop3A_258 : vector<16xf32>
        %parallel_loop3A_277 = arith.index_cast %parallel_loop3A_256 : i32 to index
        %parallel_loop3A_278 = arith.constant 32 : index
        %parallel_loop3A_279 = tpu.vector_load %arg15[%parallel_loop3A_277, %parallel_loop3A_278] {strides = array<i32>} : memref<48x128xf32, #tpu.memory_space<vmem>>, vector<16xf32>,
        tpu.vector_store %arg15[%parallel_loop3A_277, %parallel_loop3A_278], %parallel_loop3A_276 {strides = array<i32>} : memref<48x128xf32, #tpu.memory_space<vmem>>, vector<16xf32>,
        %parallel_loop3A_280 = arith.index_cast %parallel_loop3A_256 : i32 to index
        %parallel_loop3A_281 = arith.constant 48 : index
        %parallel_loop3A_282 = tpu.vector_load %arg11[%parallel_loop3A_280, %parallel_loop3A_281] {strides = array<i32>} : memref<48x128xf32, #tpu.memory_space<vmem>>, vector<16xf32>,
        %parallel_loop3A_283 = arith.mulf %parallel_loop3A_282, %parallel_loop3A_258 : vector<16xf32>
        %parallel_loop3A_284 = arith.index_cast %parallel_loop3A_256 : i32 to index
        %parallel_loop3A_285 = arith.constant 48 : index
        %parallel_loop3A_286 = tpu.vector_load %arg15[%parallel_loop3A_284, %parallel_loop3A_285] {strides = array<i32>} : memref<48x128xf32, #tpu.memory_space<vmem>>, vector<16xf32>,
        tpu.vector_store %arg15[%parallel_loop3A_284, %parallel_loop3A_285], %parallel_loop3A_283 {strides = array<i32>} : memref<48x128xf32, #tpu.memory_space<vmem>>, vector<16xf32>,
        %parallel_loop3A_287 = arith.index_cast %parallel_loop3A_256 : i32 to index
        %parallel_loop3A_288 = arith.constant 64 : index
        %parallel_loop3A_289 = tpu.vector_load %arg11[%parallel_loop3A_287, %parallel_loop3A_288] {strides = array<i32>} : memref<48x128xf32, #tpu.memory_space<vmem>>, vector<16xf32>,
        %parallel_loop3A_290 = arith.mulf %parallel_loop3A_289, %parallel_loop3A_258 : vector<16xf32>
        %parallel_loop3A_291 = arith.index_cast %parallel_loop3A_256 : i32 to index
        %parallel_loop3A_292 = arith.constant 64 : index
        %parallel_loop3A_293 = tpu.vector_load %arg15[%parallel_loop3A_291, %parallel_loop3A_292] {strides = array<i32>} : memref<48x128xf32, #tpu.memory_space<vmem>>, vector<16xf32>,
        tpu.vector_store %arg15[%parallel_loop3A_291, %parallel_loop3A_292], %parallel_loop3A_290 {strides = array<i32>} : memref<48x128xf32, #tpu.memory_space<vmem>>, vector<16xf32>,
        %parallel_loop3A_294 = arith.index_cast %parallel_loop3A_256 : i32 to index
        %parallel_loop3A_295 = arith.constant 80 : index
        %parallel_loop3A_296 = tpu.vector_load %arg11[%parallel_loop3A_294, %parallel_loop3A_295] {strides = array<i32>} : memref<48x128xf32, #tpu.memory_space<vmem>>, vector<16xf32>,
        %parallel_loop3A_297 = arith.mulf %parallel_loop3A_296, %parallel_loop3A_258 : vector<16xf32>
        %parallel_loop3A_298 = arith.index_cast %parallel_loop3A_256 : i32 to index
        %parallel_loop3A_299 = arith.constant 80 : index
        %parallel_loop3A_300 = tpu.vector_load %arg15[%parallel_loop3A_298, %parallel_loop3A_299] {strides = array<i32>} : memref<48x128xf32, #tpu.memory_space<vmem>>, vector<16xf32>,
        tpu.vector_store %arg15[%parallel_loop3A_298, %parallel_loop3A_299], %parallel_loop3A_297 {strides = array<i32>} : memref<48x128xf32, #tpu.memory_space<vmem>>, vector<16xf32>,
        %parallel_loop3A_301 = arith.index_cast %parallel_loop3A_256 : i32 to index
        %parallel_loop3A_302 = arith.constant 96 : index
        %parallel_loop3A_303 = tpu.vector_load %arg11[%parallel_loop3A_301, %parallel_loop3A_302] {strides = array<i32>} : memref<48x128xf32, #tpu.memory_space<vmem>>, vector<16xf32>,
        %parallel_loop3A_304 = arith.mulf %parallel_loop3A_303, %parallel_loop3A_258 : vector<16xf32>
        %parallel_loop3A_305 = arith.index_cast %parallel_loop3A_256 : i32 to index
        %parallel_loop3A_306 = arith.constant 96 : index
        %parallel_loop3A_307 = tpu.vector_load %arg15[%parallel_loop3A_305, %parallel_loop3A_306] {strides = array<i32>} : memref<48x128xf32, #tpu.memory_space<vmem>>, vector<16xf32>,
        tpu.vector_store %arg15[%parallel_loop3A_305, %parallel_loop3A_306], %parallel_loop3A_304 {strides = array<i32>} : memref<48x128xf32, #tpu.memory_space<vmem>>, vector<16xf32>,
        %parallel_loop3A_308 = arith.index_cast %parallel_loop3A_256 : i32 to index
        %parallel_loop3A_309 = arith.constant 112 : index
        %parallel_loop3A_310 = tpu.vector_load %arg11[%parallel_loop3A_308, %parallel_loop3A_309] {strides = array<i32>} : memref<48x128xf32, #tpu.memory_space<vmem>>, vector<16xf32>,
        %parallel_loop3A_311 = arith.mulf %parallel_loop3A_310, %parallel_loop3A_258 : vector<16xf32>
        %parallel_loop3A_312 = arith.index_cast %parallel_loop3A_256 : i32 to index
        %parallel_loop3A_313 = arith.constant 112 : index
        %parallel_loop3A_314 = tpu.vector_load %arg15[%parallel_loop3A_312, %parallel_loop3A_313] {strides = array<i32>} : memref<48x128xf32, #tpu.memory_space<vmem>>, vector<16xf32>,
        tpu.vector_store %arg15[%parallel_loop3A_312, %parallel_loop3A_313], %parallel_loop3A_311 {strides = array<i32>} : memref<48x128xf32, #tpu.memory_space<vmem>>, vector<16xf32>,
      } {sc.loop_unroll_factor = 4 : i64, sc.parallel_access}
      %dma_start3A_231 = arith.constant 0 : i32
      %dma_start3A_232 = arith.constant 0 : i32
      %dma_start3A_233 = tpu.memref_slice %arg25[%dma_start3A_231, %dma_start3A_232] : memref<10000x128xf32, #tpu.memory_space<vmem_shared>> -> memref<10000x128xf32, #tpu.memory_space<vmem_shared>>
      tpu.enqueue_indirect_dma source(%arg15 : memref<48x128xf32, #tpu.memory_space<vmem>>) target(%dma_start3A_233 : memref<10000x128xf32, #tpu.memory_space<vmem_shared>>) offsets(%arg23 : memref<48xi32, #tpu.memory_space<vmem>>) semaphore(%arg33 : memref<!tpu.dma_semaphore, #tpu.memory_space<semaphore_mem>>) {add = true}
      %sub3A_234 = arith.constant 1 : i32
      %sub3A_235 = arith.subi %add3A_209, %sub3A_234 : i32
      %mul3A_236 = arith.constant 48 : i32
      %mul3A_237 = arith.muli %sub3A_235, %mul3A_236 : i32
      %add3A_238 = arith.addi %mul3A_2, %mul3A_237 : i32
      %dma_wait3A_239 = arith.constant 0 : i32
      %dma_wait3A_240 = tpu.memref_slice %arg7[%add3A_238, %dma_wait3A_239] : memref<320000x128xf32, #tpu.memory_space<hbm>> -> memref<48x128xf32, #tpu.memory_space<hbm>>
      %dma_wait3A_241 = arith.constant 0 : i32
      %dma_wait3A_242 = tpu.memref_slice %arg7[%add3A_238, %dma_wait3A_241] : memref<320000x128xf32, #tpu.memory_space<hbm>> -> memref<48x128xf32, #tpu.memory_space<hbm>>
      tpu.wait_dma2 semaphore(%arg36 : memref<!tpu.dma_semaphore, #tpu.memory_space<semaphore_mem>>) src(%arg10 : memref<48x128xf32, #tpu.memory_space<vmem>>) dst(%dma_wait3A_242 : memref<48x128xf32, #tpu.memory_space<hbm>>)
      %dma_wait3A_243 = arith.constant 0 : i32
      %dma_wait3A_244 = arith.constant 0 : i32
      %dma_wait3A_245 = tpu.memref_slice %arg25[%dma_wait3A_243, %dma_wait3A_244] : memref<10000x128xf32, #tpu.memory_space<vmem_shared>> -> memref<10000x128xf32, #tpu.memory_space<vmem_shared>>
      tpu.wait_indirect_dma semaphore(%arg32 : memref<!tpu.dma_semaphore, #tpu.memory_space<semaphore_mem>>) src(%arg14 : memref<48x128xf32, #tpu.memory_space<vmem>>) dst(%dma_wait3A_245 : memref<10000x128xf32, #tpu.memory_space<vmem_shared>>)
      %add3A_246 = arith.constant 4 : i32
      %add3A_247 = arith.addi %add3A_209, %add3A_246 : i32
      %sub3A_248 = arith.constant 1 : i32
      %sub3A_249 = arith.subi %add3A_247, %sub3A_248 : i32
      %le3A_250 = arith.constant 207 : i32
      %le3A_251 = arith.cmpi sle, %sub3A_249, %le3A_250 : i32
      %convert_element_type3A_252 = arith.extui %le3A_251 : i1 to i32
      %cond3A_253 = arith.constant 0 : i32
      %cond3A_254 = arith.cmpi ne, %convert_element_type3A_252, %cond3A_253 : i32
      scf.if %cond3A_254 {
        %add3A_256 = arith.constant 4 : i32
        %add3A_257 = arith.addi %add3A_209, %add3A_256 : i32
        %sub3A_258 = arith.constant 1 : i32
        %sub3A_259 = arith.subi %add3A_257, %sub3A_258 : i32
        %mul3A_260 = arith.constant 48 : i32
        %mul3A_261 = arith.muli %sub3A_259, %mul3A_260 : i32
        %add3A_262 = arith.addi %mul3A_2, %mul3A_261 : i32
        %dma_start3A_263 = arith.constant 0 : i32
        %dma_start3A_264 = tpu.memref_slice %arg2[%add3A_262, %dma_start3A_263] : memref<320000x128xf32, #tpu.memory_space<hbm>> -> memref<48x128xf32, #tpu.memory_space<hbm>>
        %dma_start3A_265 = arith.constant 0 : i32
        %dma_start3A_266 = tpu.memref_slice %arg2[%add3A_262, %dma_start3A_265] : memref<320000x128xf32, #tpu.memory_space<hbm>> -> memref<48x128xf32, #tpu.memory_space<hbm>>
        tpu.enqueue_dma source(%dma_start3A_266 : memref<48x128xf32, #tpu.memory_space<hbm>>) target(%arg10 : memref<48x128xf32, #tpu.memory_space<vmem>>) target_semaphore(%arg28 : memref<!tpu.dma_semaphore, #tpu.memory_space<semaphore_mem>>)
        %dma_start3A_267 = tpu.memref_slice %arg3[%add3A_262] : memref<320000xf32, #tpu.memory_space<hbm>> -> memref<48xf32, #tpu.memory_space<hbm>>
        %dma_start3A_268 = tpu.memref_slice %arg3[%add3A_262] : memref<320000xf32, #tpu.memory_space<hbm>> -> memref<48xf32, #tpu.memory_space<hbm>>
        tpu.enqueue_dma source(%dma_start3A_268 : memref<48xf32, #tpu.memory_space<hbm>>) target(%arg18 : memref<48xf32, #tpu.memory_space<vmem>>) target_semaphore(%arg28 : memref<!tpu.dma_semaphore, #tpu.memory_space<semaphore_mem>>)
        %dma_start3A_269 = tpu.memref_slice %arg4[%add3A_262] : memref<320000xi32, #tpu.memory_space<hbm>> -> memref<48xi32, #tpu.memory_space<hbm>>
        %dma_start3A_270 = tpu.memref_slice %arg4[%add3A_262] : memref<320000xi32, #tpu.memory_space<hbm>> -> memref<48xi32, #tpu.memory_space<hbm>>
        tpu.enqueue_dma source(%dma_start3A_270 : memref<48xi32, #tpu.memory_space<hbm>>) target(%arg22 : memref<48xi32, #tpu.memory_space<vmem>>) target_semaphore(%arg28 : memref<!tpu.dma_semaphore, #tpu.memory_space<semaphore_mem>>)
      } else {
      }
      %scan3A_255 = arith.constant 0 : i32
      scf.yield %scan3A_255 : i32
    }
    %scan3A_53 = arith.constant 52 : i32
    %add3A_54 = arith.constant 9936 : i32
    %add3A_55 = arith.addi %mul3A_2, %add3A_54 : i32
    %dma_wait3A = arith.constant 0 : i32
    %dma_wait3A_56 = tpu.memref_slice %arg7[%add3A_55, %dma_wait3A] : memref<320000x128xf32, #tpu.memory_space<hbm>> -> memref<48x128xf32, #tpu.memory_space<hbm>>
    %dma_wait3A_57 = arith.constant 0 : i32
    %dma_wait3A_58 = tpu.memref_slice %arg7[%add3A_55, %dma_wait3A_57] : memref<320000x128xf32, #tpu.memory_space<hbm>> -> memref<48x128xf32, #tpu.memory_space<hbm>>
    tpu.wait_dma2 semaphore(%arg37 : memref<!tpu.dma_semaphore, #tpu.memory_space<semaphore_mem>>) src(%arg11 : memref<48x128xf32, #tpu.memory_space<vmem>>) dst(%dma_wait3A_58 : memref<48x128xf32, #tpu.memory_space<hbm>>)
    %dma_wait3A_59 = arith.constant 0 : i32
    %dma_wait3A_60 = arith.constant 0 : i32
    %dma_wait3A_61 = tpu.memref_slice %arg25[%dma_wait3A_59, %dma_wait3A_60] : memref<10000x128xf32, #tpu.memory_space<vmem_shared>> -> memref<10000x128xf32, #tpu.memory_space<vmem_shared>>
    tpu.wait_indirect_dma semaphore(%arg33 : memref<!tpu.dma_semaphore, #tpu.memory_space<semaphore_mem>>) src(%arg15 : memref<48x128xf32, #tpu.memory_space<vmem>>) dst(%dma_wait3A_61 : memref<10000x128xf32, #tpu.memory_space<vmem_shared>>)
    %add3A_62 = arith.constant 9984 : i32
    %add3A_63 = arith.addi %mul3A_2, %add3A_62 : i32
    "tpu.region"() ({
      %run_scoped3A = tpu.sem_alloc : memref<!tpu.dma_semaphore, #tpu.memory_space<semaphore_mem>>
      %dma_start3A_76 = arith.constant 0 : i32
      %dma_start3A_77 = arith.constant 0 : i32
      %dma_start3A_78 = tpu.memref_slice %arg8[%dma_start3A_76, %dma_start3A_77] : memref<48x128xf32, #tpu.memory_space<vmem>> -> memref<16x128xf32, #tpu.memory_space<vmem>>
      %dma_start3A_79 = arith.constant 0 : i32
      %dma_start3A_80 = tpu.memref_slice %arg2[%add3A_63, %dma_start3A_79] : memref<320000x128xf32, #tpu.memory_space<hbm>> -> memref<16x128xf32, #tpu.memory_space<hbm>>
      %dma_start3A_81 = arith.constant 0 : i32
      %dma_start3A_82 = arith.constant 0 : i32
      %dma_start3A_83 = tpu.memref_slice %arg8[%dma_start3A_81, %dma_start3A_82] : memref<48x128xf32, #tpu.memory_space<vmem>> -> memref<16x128xf32, #tpu.memory_space<vmem>>
      %dma_start3A_84 = arith.constant 0 : i32
      %dma_start3A_85 = tpu.memref_slice %arg2[%add3A_63, %dma_start3A_84] : memref<320000x128xf32, #tpu.memory_space<hbm>> -> memref<16x128xf32, #tpu.memory_space<hbm>>
      tpu.enqueue_dma source(%dma_start3A_85 : memref<16x128xf32, #tpu.memory_space<hbm>>) target(%dma_start3A_83 : memref<16x128xf32, #tpu.memory_space<vmem>>) target_semaphore(%run_scoped3A : memref<!tpu.dma_semaphore, #tpu.memory_space<semaphore_mem>>)
      %dma_wait3A_86 = arith.constant 0 : i32
      %dma_wait3A_87 = arith.constant 0 : i32
      %dma_wait3A_88 = tpu.memref_slice %arg8[%dma_wait3A_86, %dma_wait3A_87] : memref<48x128xf32, #tpu.memory_space<vmem>> -> memref<16x128xf32, #tpu.memory_space<vmem>>
      %dma_wait3A_89 = arith.constant 0 : i32
      %dma_wait3A_90 = tpu.memref_slice %arg2[%add3A_63, %dma_wait3A_89] : memref<320000x128xf32, #tpu.memory_space<hbm>> -> memref<16x128xf32, #tpu.memory_space<hbm>>
      %dma_wait3A_91 = arith.constant 0 : i32
      %dma_wait3A_92 = arith.constant 0 : i32
      %dma_wait3A_93 = tpu.memref_slice %arg8[%dma_wait3A_91, %dma_wait3A_92] : memref<48x128xf32, #tpu.memory_space<vmem>> -> memref<16x128xf32, #tpu.memory_space<vmem>>
      %dma_wait3A_94 = arith.constant 0 : i32
      %dma_wait3A_95 = tpu.memref_slice %arg2[%add3A_63, %dma_wait3A_94] : memref<320000x128xf32, #tpu.memory_space<hbm>> -> memref<16x128xf32, #tpu.memory_space<hbm>>
      tpu.wait_dma2 semaphore(%run_scoped3A : memref<!tpu.dma_semaphore, #tpu.memory_space<semaphore_mem>>) src(%dma_wait3A_95 : memref<16x128xf32, #tpu.memory_space<hbm>>) dst(%dma_wait3A_93 : memref<16x128xf32, #tpu.memory_space<vmem>>)
      tpu.yield
    }) : () -> ()
    "tpu.region"() ({
      %run_scoped3A = tpu.sem_alloc : memref<!tpu.dma_semaphore, #tpu.memory_space<semaphore_mem>>
      %dma_start3A_76 = arith.constant 0 : i32
      %dma_start3A_77 = tpu.memref_slice %arg16[%dma_start3A_76] : memref<48xf32, #tpu.memory_space<vmem>> -> memref<16xf32, #tpu.memory_space<vmem>>
      %dma_start3A_78 = tpu.memref_slice %arg3[%add3A_63] : memref<320000xf32, #tpu.memory_space<hbm>> -> memref<16xf32, #tpu.memory_space<hbm>>
      %dma_start3A_79 = arith.constant 0 : i32
      %dma_start3A_80 = tpu.memref_slice %arg16[%dma_start3A_79] : memref<48xf32, #tpu.memory_space<vmem>> -> memref<16xf32, #tpu.memory_space<vmem>>
      %dma_start3A_81 = tpu.memref_slice %arg3[%add3A_63] : memref<320000xf32, #tpu.memory_space<hbm>> -> memref<16xf32, #tpu.memory_space<hbm>>
      tpu.enqueue_dma source(%dma_start3A_81 : memref<16xf32, #tpu.memory_space<hbm>>) target(%dma_start3A_80 : memref<16xf32, #tpu.memory_space<vmem>>) target_semaphore(%run_scoped3A : memref<!tpu.dma_semaphore, #tpu.memory_space<semaphore_mem>>)
      %dma_wait3A_82 = arith.constant 0 : i32
      %dma_wait3A_83 = tpu.memref_slice %arg16[%dma_wait3A_82] : memref<48xf32, #tpu.memory_space<vmem>> -> memref<16xf32, #tpu.memory_space<vmem>>
      %dma_wait3A_84 = tpu.memref_slice %arg3[%add3A_63] : memref<320000xf32, #tpu.memory_space<hbm>> -> memref<16xf32, #tpu.memory_space<hbm>>
      %dma_wait3A_85 = arith.constant 0 : i32
      %dma_wait3A_86 = tpu.memref_slice %arg16[%dma_wait3A_85] : memref<48xf32, #tpu.memory_space<vmem>> -> memref<16xf32, #tpu.memory_space<vmem>>
      %dma_wait3A_87 = tpu.memref_slice %arg3[%add3A_63] : memref<320000xf32, #tpu.memory_space<hbm>> -> memref<16xf32, #tpu.memory_space<hbm>>
      tpu.wait_dma2 semaphore(%run_scoped3A : memref<!tpu.dma_semaphore, #tpu.memory_space<semaphore_mem>>) src(%dma_wait3A_87 : memref<16xf32, #tpu.memory_space<hbm>>) dst(%dma_wait3A_86 : memref<16xf32, #tpu.memory_space<vmem>>)
      tpu.yield
    }) : () -> ()
    "tpu.region"() ({
      %run_scoped3A = tpu.sem_alloc : memref<!tpu.dma_semaphore, #tpu.memory_space<semaphore_mem>>
      %dma_start3A_76 = tpu.memref_slice %arg4[%add3A_63] : memref<320000xi32, #tpu.memory_space<hbm>> -> memref<16xi32, #tpu.memory_space<hbm>>
      %dma_start3A_77 = tpu.memref_slice %arg4[%add3A_63] : memref<320000xi32, #tpu.memory_space<hbm>> -> memref<16xi32, #tpu.memory_space<hbm>>
      tpu.enqueue_dma source(%dma_start3A_77 : memref<16xi32, #tpu.memory_space<hbm>>) target(%arg24 : memref<16xi32, #tpu.memory_space<vmem>>) target_semaphore(%run_scoped3A : memref<!tpu.dma_semaphore, #tpu.memory_space<semaphore_mem>>)
      %dma_wait3A_78 = tpu.memref_slice %arg4[%add3A_63] : memref<320000xi32, #tpu.memory_space<hbm>> -> memref<16xi32, #tpu.memory_space<hbm>>
      %dma_wait3A_79 = tpu.memref_slice %arg4[%add3A_63] : memref<320000xi32, #tpu.memory_space<hbm>> -> memref<16xi32, #tpu.memory_space<hbm>>
      tpu.wait_dma2 semaphore(%run_scoped3A : memref<!tpu.dma_semaphore, #tpu.memory_space<semaphore_mem>>) src(%dma_wait3A_79 : memref<16xi32, #tpu.memory_space<hbm>>) dst(%arg24 : memref<16xi32, #tpu.memory_space<vmem>>)
      tpu.yield
    }) : () -> ()
    "tpu.region"() ({
      %run_scoped3A = tpu.sem_alloc : memref<!tpu.dma_semaphore, #tpu.memory_space<semaphore_mem>>
      %dma_start3A_76 = arith.constant 0 : i32
      %dma_start3A_77 = arith.constant 0 : i32
      %dma_start3A_78 = tpu.memref_slice %arg8[%dma_start3A_76, %dma_start3A_77] : memref<48x128xf32, #tpu.memory_space<vmem>> -> memref<16x128xf32, #tpu.memory_space<vmem>>
      %dma_start3A_79 = arith.constant 0 : i32
      %dma_start3A_80 = tpu.memref_slice %arg7[%add3A_63, %dma_start3A_79] : memref<320000x128xf32, #tpu.memory_space<hbm>> -> memref<16x128xf32, #tpu.memory_space<hbm>>
      %dma_start3A_81 = arith.constant 0 : i32
      %dma_start3A_82 = tpu.memref_slice %arg7[%add3A_63, %dma_start3A_81] : memref<320000x128xf32, #tpu.memory_space<hbm>> -> memref<16x128xf32, #tpu.memory_space<hbm>>
      %dma_start3A_83 = arith.constant 0 : i32
      %dma_start3A_84 = arith.constant 0 : i32
      %dma_start3A_85 = tpu.memref_slice %arg8[%dma_start3A_83, %dma_start3A_84] : memref<48x128xf32, #tpu.memory_space<vmem>> -> memref<16x128xf32, #tpu.memory_space<vmem>>
      tpu.enqueue_dma source(%dma_start3A_85 : memref<16x128xf32, #tpu.memory_space<vmem>>) target(%dma_start3A_82 : memref<16x128xf32, #tpu.memory_space<hbm>>) target_semaphore(%run_scoped3A : memref<!tpu.dma_semaphore, #tpu.memory_space<semaphore_mem>>)
      %dma_wait3A_86 = arith.constant 0 : i32
      %dma_wait3A_87 = arith.constant 0 : i32
      %dma_wait3A_88 = tpu.memref_slice %arg8[%dma_wait3A_86, %dma_wait3A_87] : memref<48x128xf32, #tpu.memory_space<vmem>> -> memref<16x128xf32, #tpu.memory_space<vmem>>
      %dma_wait3A_89 = arith.constant 0 : i32
      %dma_wait3A_90 = tpu.memref_slice %arg7[%add3A_63, %dma_wait3A_89] : memref<320000x128xf32, #tpu.memory_space<hbm>> -> memref<16x128xf32, #tpu.memory_space<hbm>>
      %dma_wait3A_91 = arith.constant 0 : i32
      %dma_wait3A_92 = tpu.memref_slice %arg7[%add3A_63, %dma_wait3A_91] : memref<320000x128xf32, #tpu.memory_space<hbm>> -> memref<16x128xf32, #tpu.memory_space<hbm>>
      %dma_wait3A_93 = arith.constant 0 : i32
      %dma_wait3A_94 = arith.constant 0 : i32
      %dma_wait3A_95 = tpu.memref_slice %arg8[%dma_wait3A_93, %dma_wait3A_94] : memref<48x128xf32, #tpu.memory_space<vmem>> -> memref<16x128xf32, #tpu.memory_space<vmem>>
      tpu.wait_dma2 semaphore(%run_scoped3A : memref<!tpu.dma_semaphore, #tpu.memory_space<semaphore_mem>>) src(%dma_wait3A_95 : memref<16x128xf32, #tpu.memory_space<vmem>>) dst(%dma_wait3A_92 : memref<16x128xf32, #tpu.memory_space<hbm>>)
      tpu.yield
    }) : () -> ()
    %parallel_loop3A = arith.constant 0 : i32
    %parallel_loop3A_64 = arith.constant 16 : i32
    %parallel_loop3A_65 = arith.constant 1 : i32
    scf.for %parallel_loop3A_76 = %parallel_loop3A to %parallel_loop3A_64 step %parallel_loop3A_65  : i32 {
      %parallel_loop3A_77 = vector.broadcast %parallel_loop3A_76 : i32 to vector<16xi32>
      %parallel_loop3A_78 = tpu.vector_load_idx %arg16[%parallel_loop3A_77] : memref<48xf32, #tpu.memory_space<vmem>>[vector<16xi32>], vector<16xf32>,
      %parallel_loop3A_79 = arith.index_cast %parallel_loop3A_76 : i32 to index
      %parallel_loop3A_80 = arith.constant 0 : index
      %parallel_loop3A_81 = tpu.vector_load %arg8[%parallel_loop3A_79, %parallel_loop3A_80] {strides = array<i32>} : memref<48x128xf32, #tpu.memory_space<vmem>>, vector<16xf32>,
      %parallel_loop3A_82 = arith.mulf %parallel_loop3A_81, %parallel_loop3A_78 : vector<16xf32>
      %parallel_loop3A_83 = arith.index_cast %parallel_loop3A_76 : i32 to index
      %parallel_loop3A_84 = arith.constant 0 : index
      %parallel_loop3A_85 = tpu.vector_load %arg12[%parallel_loop3A_83, %parallel_loop3A_84] {strides = array<i32>} : memref<48x128xf32, #tpu.memory_space<vmem>>, vector<16xf32>,
      tpu.vector_store %arg12[%parallel_loop3A_83, %parallel_loop3A_84], %parallel_loop3A_82 {strides = array<i32>} : memref<48x128xf32, #tpu.memory_space<vmem>>, vector<16xf32>,
      %parallel_loop3A_86 = arith.index_cast %parallel_loop3A_76 : i32 to index
      %parallel_loop3A_87 = arith.constant 16 : index
      %parallel_loop3A_88 = tpu.vector_load %arg8[%parallel_loop3A_86, %parallel_loop3A_87] {strides = array<i32>} : memref<48x128xf32, #tpu.memory_space<vmem>>, vector<16xf32>,
      %parallel_loop3A_89 = arith.mulf %parallel_loop3A_88, %parallel_loop3A_78 : vector<16xf32>
      %parallel_loop3A_90 = arith.index_cast %parallel_loop3A_76 : i32 to index
      %parallel_loop3A_91 = arith.constant 16 : index
      %parallel_loop3A_92 = tpu.vector_load %arg12[%parallel_loop3A_90, %parallel_loop3A_91] {strides = array<i32>} : memref<48x128xf32, #tpu.memory_space<vmem>>, vector<16xf32>,
      tpu.vector_store %arg12[%parallel_loop3A_90, %parallel_loop3A_91], %parallel_loop3A_89 {strides = array<i32>} : memref<48x128xf32, #tpu.memory_space<vmem>>, vector<16xf32>,
      %parallel_loop3A_93 = arith.index_cast %parallel_loop3A_76 : i32 to index
      %parallel_loop3A_94 = arith.constant 32 : index
      %parallel_loop3A_95 = tpu.vector_load %arg8[%parallel_loop3A_93, %parallel_loop3A_94] {strides = array<i32>} : memref<48x128xf32, #tpu.memory_space<vmem>>, vector<16xf32>,
      %parallel_loop3A_96 = arith.mulf %parallel_loop3A_95, %parallel_loop3A_78 : vector<16xf32>
      %parallel_loop3A_97 = arith.index_cast %parallel_loop3A_76 : i32 to index
      %parallel_loop3A_98 = arith.constant 32 : index
      %parallel_loop3A_99 = tpu.vector_load %arg12[%parallel_loop3A_97, %parallel_loop3A_98] {strides = array<i32>} : memref<48x128xf32, #tpu.memory_space<vmem>>, vector<16xf32>,
      tpu.vector_store %arg12[%parallel_loop3A_97, %parallel_loop3A_98], %parallel_loop3A_96 {strides = array<i32>} : memref<48x128xf32, #tpu.memory_space<vmem>>, vector<16xf32>,
      %parallel_loop3A_100 = arith.index_cast %parallel_loop3A_76 : i32 to index
      %parallel_loop3A_101 = arith.constant 48 : index
      %parallel_loop3A_102 = tpu.vector_load %arg8[%parallel_loop3A_100, %parallel_loop3A_101] {strides = array<i32>} : memref<48x128xf32, #tpu.memory_space<vmem>>, vector<16xf32>,
      %parallel_loop3A_103 = arith.mulf %parallel_loop3A_102, %parallel_loop3A_78 : vector<16xf32>
      %parallel_loop3A_104 = arith.index_cast %parallel_loop3A_76 : i32 to index
      %parallel_loop3A_105 = arith.constant 48 : index
      %parallel_loop3A_106 = tpu.vector_load %arg12[%parallel_loop3A_104, %parallel_loop3A_105] {strides = array<i32>} : memref<48x128xf32, #tpu.memory_space<vmem>>, vector<16xf32>,
      tpu.vector_store %arg12[%parallel_loop3A_104, %parallel_loop3A_105], %parallel_loop3A_103 {strides = array<i32>} : memref<48x128xf32, #tpu.memory_space<vmem>>, vector<16xf32>,
      %parallel_loop3A_107 = arith.index_cast %parallel_loop3A_76 : i32 to index
      %parallel_loop3A_108 = arith.constant 64 : index
      %parallel_loop3A_109 = tpu.vector_load %arg8[%parallel_loop3A_107, %parallel_loop3A_108] {strides = array<i32>} : memref<48x128xf32, #tpu.memory_space<vmem>>, vector<16xf32>,
      %parallel_loop3A_110 = arith.mulf %parallel_loop3A_109, %parallel_loop3A_78 : vector<16xf32>
      %parallel_loop3A_111 = arith.index_cast %parallel_loop3A_76 : i32 to index
      %parallel_loop3A_112 = arith.constant 64 : index
      %parallel_loop3A_113 = tpu.vector_load %arg12[%parallel_loop3A_111, %parallel_loop3A_112] {strides = array<i32>} : memref<48x128xf32, #tpu.memory_space<vmem>>, vector<16xf32>,
      tpu.vector_store %arg12[%parallel_loop3A_111, %parallel_loop3A_112], %parallel_loop3A_110 {strides = array<i32>} : memref<48x128xf32, #tpu.memory_space<vmem>>, vector<16xf32>,
      %parallel_loop3A_114 = arith.index_cast %parallel_loop3A_76 : i32 to index
      %parallel_loop3A_115 = arith.constant 80 : index
      %parallel_loop3A_116 = tpu.vector_load %arg8[%parallel_loop3A_114, %parallel_loop3A_115] {strides = array<i32>} : memref<48x128xf32, #tpu.memory_space<vmem>>, vector<16xf32>,
      %parallel_loop3A_117 = arith.mulf %parallel_loop3A_116, %parallel_loop3A_78 : vector<16xf32>
      %parallel_loop3A_118 = arith.index_cast %parallel_loop3A_76 : i32 to index
      %parallel_loop3A_119 = arith.constant 80 : index
      %parallel_loop3A_120 = tpu.vector_load %arg12[%parallel_loop3A_118, %parallel_loop3A_119] {strides = array<i32>} : memref<48x128xf32, #tpu.memory_space<vmem>>, vector<16xf32>,
      tpu.vector_store %arg12[%parallel_loop3A_118, %parallel_loop3A_119], %parallel_loop3A_117 {strides = array<i32>} : memref<48x128xf32, #tpu.memory_space<vmem>>, vector<16xf32>,
      %parallel_loop3A_121 = arith.index_cast %parallel_loop3A_76 : i32 to index
      %parallel_loop3A_122 = arith.constant 96 : index
      %parallel_loop3A_123 = tpu.vector_load %arg8[%parallel_loop3A_121, %parallel_loop3A_122] {strides = array<i32>} : memref<48x128xf32, #tpu.memory_space<vmem>>, vector<16xf32>,
      %parallel_loop3A_124 = arith.mulf %parallel_loop3A_123, %parallel_loop3A_78 : vector<16xf32>
      %parallel_loop3A_125 = arith.index_cast %parallel_loop3A_76 : i32 to index
      %parallel_loop3A_126 = arith.constant 96 : index
      %parallel_loop3A_127 = tpu.vector_load %arg12[%parallel_loop3A_125, %parallel_loop3A_126] {strides = array<i32>} : memref<48x128xf32, #tpu.memory_space<vmem>>, vector<16xf32>,
      tpu.vector_store %arg12[%parallel_loop3A_125, %parallel_loop3A_126], %parallel_loop3A_124 {strides = array<i32>} : memref<48x128xf32, #tpu.memory_space<vmem>>, vector<16xf32>,
      %parallel_loop3A_128 = arith.index_cast %parallel_loop3A_76 : i32 to index
      %parallel_loop3A_129 = arith.constant 112 : index
      %parallel_loop3A_130 = tpu.vector_load %arg8[%parallel_loop3A_128, %parallel_loop3A_129] {strides = array<i32>} : memref<48x128xf32, #tpu.memory_space<vmem>>, vector<16xf32>,
      %parallel_loop3A_131 = arith.mulf %parallel_loop3A_130, %parallel_loop3A_78 : vector<16xf32>
      %parallel_loop3A_132 = arith.index_cast %parallel_loop3A_76 : i32 to index
      %parallel_loop3A_133 = arith.constant 112 : index
      %parallel_loop3A_134 = tpu.vector_load %arg12[%parallel_loop3A_132, %parallel_loop3A_133] {strides = array<i32>} : memref<48x128xf32, #tpu.memory_space<vmem>>, vector<16xf32>,
      tpu.vector_store %arg12[%parallel_loop3A_132, %parallel_loop3A_133], %parallel_loop3A_131 {strides = array<i32>} : memref<48x128xf32, #tpu.memory_space<vmem>>, vector<16xf32>,
    } {sc.loop_unroll_factor = 4 : i64, sc.parallel_access}
    "tpu.region"() ({
      %run_scoped3A = tpu.sem_alloc : memref<!tpu.dma_semaphore, #tpu.memory_space<semaphore_mem>>
      %dma_start3A_76 = arith.constant 0 : i32
      %dma_start3A_77 = arith.constant 0 : i32
      %dma_start3A_78 = tpu.memref_slice %arg12[%dma_start3A_76, %dma_start3A_77] : memref<48x128xf32, #tpu.memory_space<vmem>> -> memref<16x128xf32, #tpu.memory_space<vmem>>
      %dma_start3A_79 = arith.constant 0 : i32
      %dma_start3A_80 = arith.constant 0 : i32
      %dma_start3A_81 = tpu.memref_slice %arg25[%dma_start3A_79, %dma_start3A_80] : memref<10000x128xf32, #tpu.memory_space<vmem_shared>> -> memref<10000x128xf32, #tpu.memory_space<vmem_shared>>
      tpu.enqueue_indirect_dma source(%dma_start3A_78 : memref<16x128xf32, #tpu.memory_space<vmem>>) target(%dma_start3A_81 : memref<10000x128xf32, #tpu.memory_space<vmem_shared>>) offsets(%arg24 : memref<16xi32, #tpu.memory_space<vmem>>) semaphore(%run_scoped3A : memref<!tpu.dma_semaphore, #tpu.memory_space<semaphore_mem>>) {add = true}
      %dma_wait3A_82 = arith.constant 0 : i32
      %dma_wait3A_83 = arith.constant 0 : i32
      %dma_wait3A_84 = tpu.memref_slice %arg12[%dma_wait3A_82, %dma_wait3A_83] : memref<48x128xf32, #tpu.memory_space<vmem>> -> memref<16x128xf32, #tpu.memory_space<vmem>>
      %dma_wait3A_85 = arith.constant 0 : i32
      %dma_wait3A_86 = arith.constant 0 : i32
      %dma_wait3A_87 = tpu.memref_slice %arg25[%dma_wait3A_85, %dma_wait3A_86] : memref<10000x128xf32, #tpu.memory_space<vmem_shared>> -> memref<10000x128xf32, #tpu.memory_space<vmem_shared>>
      tpu.wait_indirect_dma semaphore(%run_scoped3A : memref<!tpu.dma_semaphore, #tpu.memory_space<semaphore_mem>>) src(%dma_wait3A_84 : memref<16x128xf32, #tpu.memory_space<vmem>>) dst(%dma_wait3A_87 : memref<10000x128xf32, #tpu.memory_space<vmem_shared>>)
      tpu.yield
    }) : () -> ()
    %barrier3A_66 = arith.constant 0 : index
    tpu.barrier barrier_id(%barrier3A_66)
    %mul3A_67 = arith.constant 624 : i32
    %mul3A_68 = arith.muli %arg1, %mul3A_67 : i32
    %mul3A_69 = arith.constant 624 : i32
    %mul3A_70 = arith.muli %arg1, %mul3A_69 : i32
    "tpu.region"() ({
      %run_scoped3A = tpu.sem_alloc : memref<!tpu.dma_semaphore, #tpu.memory_space<semaphore_mem>>
      %dma_start3A_76 = arith.constant 0 : i32
      %dma_start3A_77 = tpu.memref_slice %arg6[%arg0, %mul3A_70, %dma_start3A_76] : memref<2x10000x128xf32, #tpu.memory_space<hbm>> -> memref<1x624x128xf32, #tpu.memory_space<hbm>>
      %dma_start3A_78 = tpu.memref_squeeze %dma_start3A_77 : memref<1x624x128xf32, #tpu.memory_space<hbm>> -> memref<624x128xf32, #tpu.memory_space<hbm>>
      %dma_start3A_79 = arith.constant 0 : i32
      %dma_start3A_80 = tpu.memref_slice %arg25[%mul3A_68, %dma_start3A_79] : memref<10000x128xf32, #tpu.memory_space<vmem_shared>> -> memref<624x128xf32, #tpu.memory_space<vmem_shared>>
      tpu.enqueue_dma source(%dma_start3A_80 : memref<624x128xf32, #tpu.memory_space<vmem_shared>>) target(%dma_start3A_78 : memref<624x128xf32, #tpu.memory_space<hbm>>) target_semaphore(%run_scoped3A : memref<!tpu.dma_semaphore, #tpu.memory_space<semaphore_mem>>)
      %dma_wait3A_81 = arith.constant 0 : i32
      %dma_wait3A_82 = tpu.memref_slice %arg6[%arg0, %mul3A_70, %dma_wait3A_81] : memref<2x10000x128xf32, #tpu.memory_space<hbm>> -> memref<1x624x128xf32, #tpu.memory_space<hbm>>
      %dma_wait3A_83 = tpu.memref_squeeze %dma_wait3A_82 : memref<1x624x128xf32, #tpu.memory_space<hbm>> -> memref<624x128xf32, #tpu.memory_space<hbm>>
      %dma_wait3A_84 = arith.constant 0 : i32
      %dma_wait3A_85 = tpu.memref_slice %arg25[%mul3A_68, %dma_wait3A_84] : memref<10000x128xf32, #tpu.memory_space<vmem_shared>> -> memref<624x128xf32, #tpu.memory_space<vmem_shared>>
      tpu.wait_dma2 semaphore(%run_scoped3A : memref<!tpu.dma_semaphore, #tpu.memory_space<semaphore_mem>>) src(%dma_wait3A_85 : memref<624x128xf32, #tpu.memory_space<vmem_shared>>) dst(%dma_wait3A_83 : memref<624x128xf32, #tpu.memory_space<hbm>>)
      tpu.yield
    }) : () -> ()
    %eq3A_71 = arith.constant 0 : i32
    %eq3A_72 = arith.cmpi eq, %arg1, %eq3A_71 : i32
    %convert_element_type3A_73 = arith.extui %eq3A_72 : i1 to i32
    %cond3A_74 = arith.constant 0 : i32
    %cond3A_75 = arith.cmpi ne, %convert_element_type3A_73, %cond3A_74 : i32
    scf.if %cond3A_75 {
      "tpu.region"() ({
        %run_scoped3A = tpu.sem_alloc : memref<!tpu.dma_semaphore, #tpu.memory_space<semaphore_mem>>
        %dma_start3A_76 = arith.constant 9984 : i32
        %dma_start3A_77 = arith.constant 0 : i32
        %dma_start3A_78 = tpu.memref_slice %arg6[%arg0, %dma_start3A_76, %dma_start3A_77] : memref<2x10000x128xf32, #tpu.memory_space<hbm>> -> memref<1x16x128xf32, #tpu.memory_space<hbm>>
        %dma_start3A_79 = tpu.memref_squeeze %dma_start3A_78 : memref<1x16x128xf32, #tpu.memory_space<hbm>> -> memref<16x128xf32, #tpu.memory_space<hbm>>
        %dma_start3A_80 = arith.constant 9984 : i32
        %dma_start3A_81 = arith.constant 0 : i32
        %dma_start3A_82 = tpu.memref_slice %arg25[%dma_start3A_80, %dma_start3A_81] : memref<10000x128xf32, #tpu.memory_space<vmem_shared>> -> memref<16x128xf32, #tpu.memory_space<vmem_shared>>
        tpu.enqueue_dma source(%dma_start3A_82 : memref<16x128xf32, #tpu.memory_space<vmem_shared>>) target(%dma_start3A_79 : memref<16x128xf32, #tpu.memory_space<hbm>>) target_semaphore(%run_scoped3A : memref<!tpu.dma_semaphore, #tpu.memory_space<semaphore_mem>>)
        %dma_wait3A_83 = arith.constant 9984 : i32
        %dma_wait3A_84 = arith.constant 0 : i32
        %dma_wait3A_85 = tpu.memref_slice %arg6[%arg0, %dma_wait3A_83, %dma_wait3A_84] : memref<2x10000x128xf32, #tpu.memory_space<hbm>> -> memref<1x16x128xf32, #tpu.memory_space<hbm>>
        %dma_wait3A_86 = tpu.memref_squeeze %dma_wait3A_85 : memref<1x16x128xf32, #tpu.memory_space<hbm>> -> memref<16x128xf32, #tpu.memory_space<hbm>>
        %dma_wait3A_87 = arith.constant 9984 : i32
        %dma_wait3A_88 = arith.constant 0 : i32
        %dma_wait3A_89 = tpu.memref_slice %arg25[%dma_wait3A_87, %dma_wait3A_88] : memref<10000x128xf32, #tpu.memory_space<vmem_shared>> -> memref<16x128xf32, #tpu.memory_space<vmem_shared>>
        tpu.wait_dma2 semaphore(%run_scoped3A : memref<!tpu.dma_semaphore, #tpu.memory_space<semaphore_mem>>) src(%dma_wait3A_89 : memref<16x128xf32, #tpu.memory_space<vmem_shared>>) dst(%dma_wait3A_86 : memref<16x128xf32, #tpu.memory_space<hbm>>)
        tpu.yield
      }) : () -> ()
    } else {
    }
    return
  }
}

</mosaic_0001>

<sc_bundles>
// kernel: _sc_call.3.cloned.1.call-start
scs
__scs_entry_jumppad:
0x0: {  	(pc) =	sbr.rel $0x88, $3  }
0x1: {  	(tag) =	ssettag $0x0;
	lr =	simm.s32 $0x1  }
0x2: {  	[smem:$0x3F9D] =	sst lr;
	_ =	strace $0xD0000000  }
0x3: {  	_ = 	snop  }
0x4: {  	_ = 	snop  }
0x5: {  	_ = 	snop  }
0x6: {  	_ = 	snop  }
0x7: {  	_ = 	snop  }
__scs_overlays_trampoline_lowered:
0x8: {  	[smem:$0x3FAC] =	sst s0  }
0x9: {  	[smem:$0x3FAD] =	sst s1  }
0xa: {  	[smem:$0x3FAE] =	sst s2  }
0xb: {  	[smem:$0x3FAF] =	sst s3  }
0xc: {  	[smem:$0x3FB0] =	sst s4  }
0xd: {  	[smem:$0x3FB1] =	sst s5  }
0xe: {  	[smem:$0x3FB2] =	sst s6  }
0xf: {  	[smem:$0x3FB3] =	sst s7  }
0x10: {  	[smem:$0x3FB4] =	sst s8  }
0x11: {  	[smem:$0x3FB5] =	sst s9;
	s0 =	simm.s32 @!p0 $0x0  }
0x12: {  	s1 =	sld [smem:$0x3F9B];
	s0 =	simm.s32 @p0 $0x1  }
0x13: {  	[smem:$0x3FB6] =	sst s0;
	s0 =	simm.s32 @!p1 $0x0  }
0x14: {  	s2 =	sld [smem:$0x3F9A];
	s0 =	simm.s32 @p1 $0x1  }
0x15: {  	[smem:$0x3FB7] =	sst s0;
	s0 =	simm.s32 @!p2 $0x0  }
0x16: {  	s3 =	sld [smem:$0x3FDB];
	s0 =	simm.s32 @p2 $0x1  }
0x17: {  	s4 =	simm.s32 $0x1BF5;
	[smem:$0x3FB9] =	sst s0  }
0x18: {  	s0 =	sld [smem:$0x3F9C];
	_ =	swait.ge [sflag:s4], $0x0  }
0x19: {  	s7 =	sld [smem:$0x3F9D]  }
0x1a: {  	s8 =	sadd.s32 $0xFFFFE003, lr  }
0x1b: {  	s9 =	sadd.s32 $0xFFFFFEF7, lr;
	s5 =	simm.s32 $0xFFFFFFFF;
	p2 =	slt.u32 s8, $0xFFFFF086  }
0x1c: {  	p1 =	slt.u32 s9, $0xF7A;
	s5 =	simm.s32 @!p2 $0x0  }
0x1d: {  	s5 =	simm.s32 @p1 $0x1;
	p0 =	seq.s32 s7, s2  }
0x1e: {  	s7 =	smul.u32 @!p0 $0xF7A, s2;
	p2 =	seq.s32 @!p0 s5, $0x0  }
0x1f: {  	s9 =	smul.u32 $0xF7A, s1;
	s8 =	simm.s32 @!p0 $0x1BF5;
	p2 =	por !p2, p0  }
0x20: {  	[sflag:s8] =	ssyncset.s32 @!p0 $0xFFFFF086;
	s6 =	sadd.s32 @!p0 s3, s7;
	s7 =	simm.s32 @!p0 $0x108  }
0x21: {  	s3 =	sadd.s32 s3, s9;
	s6 =	sadd.s32 @!p0 $0x88, s6;
	s7 =	simm.s32 @p2 $0x1082  }
0x22: {  	[simem:s7], [sflag:s8] =	dma.local @!p0 [hbm:s6], $0xF7A  }
0x23: {  	s9 =	sor.u32 $0xD0000000, s2;
	s6 =	simm.s32 $0x108;
	_ =	swait.ge @!p0 [sflag:s8], $0x0  }
0x24: {  	s3 =	sadd.s32 $0x88, s3;
	s6 =	simm.s32 @!p1 $0x1082;
	[sflag:s4] =	ssyncset.s32 $0xFFFFF086  }
0x25: {  	[simem:s6], [sflag:s4] =	dma.local [hbm:s3], $0xF7A  }
0x26: {  	[smem:$0x3F9D] =	sst s1;
	(tag) =	ssettag s2;
	_ =	strace s9  }
0x27: {  	s1 =	sld [smem:$0x3FAD]  }
0x28: {  	s2 =	sld [smem:$0x3FAE]  }
0x29: {  	s4 =	sld [smem:$0x3FB0]  }
0x2a: {  	p0 =	seq.s32 s5, $0x0;
	s5 =	sld [smem:$0x3FB1]  }
0x2b: {  	s6 =	sld [smem:$0x3FB2]  }
0x2c: {  	s7 =	sld [smem:$0x3FB3]  }
0x2d: {  	s3 =	simm.s32 $0x108;
	s8 =	sld [smem:$0x3FB4]  }
0x2e: {  	s3 =	simm.s32 @!p0 $0x1082;
	s9 =	sld [smem:$0x3FB5]  }
0x2f: {  	lr =	sadd.s32 s0, s3;
	s0 =	sld [smem:$0x3FAC]  }
0x30: {  	s3 =	sld [smem:$0x3FAF]  }
0x31: {  	[smem:$0x3FB8] =	sst s10  }
0x32: {  	s10 =	sld [smem:$0x3FB6];
	_ =	sdelay $0x3  }
0x33: {  	p0 =	seq.s32 s10, $0x1;
	s10 =	sld [smem:$0x3FB8];
	_ =	sdelay $0x3  }
0x34: {  	[smem:$0x3FB8] =	sst s10  }
0x35: {  	s10 =	sld [smem:$0x3FB7];
	_ =	sdelay $0x3  }
0x36: {  	p1 =	seq.s32 s10, $0x1;
	s10 =	sld [smem:$0x3FB8];
	_ =	sdelay $0x3  }
0x37: {  	[smem:$0x3FB8] =	sst s10  }
0x38: {  	s10 =	sld [smem:$0x3FB9]  }
0x39: {  	_ = 	snop;
	(pc) =	sbr.ind lr, $3  }
0x3a: {  	_ = 	snop  }
0x3b: {  	_ = 	snop  }
0x3c: {  	p2 =	seq.s32 s10, $0x1;
	s10 =	sld [smem:$0x3FB8]  }
0x3d: {  	_ =	shalt  }
0x3e: {  	_ =	shalt  }
0x3f: {  	_ =	shalt  }
0x40: {  	_ =	shalt  }
0x41: {  	_ =	shalt  }
0x42: {  	_ =	shalt  }
0x43: {  	_ =	shalt  }
0x44: {  	_ =	shalt  }
0x45: {  	_ =	shalt  }
0x46: {  	_ =	shalt  }
0x47: {  	_ =	shalt  }
0x48: {  	_ =	shalt  }
0x49: {  	_ =	shalt  }
0x4a: {  	_ =	shalt  }
0x4b: {  	_ =	shalt  }
0x4c: {  	_ =	shalt  }
0x4d: {  	_ =	shalt  }
0x4e: {  	_ =	shalt  }
0x4f: {  	_ =	shalt  }
0x50: {  	_ =	shalt  }
0x51: {  	_ =	shalt  }
0x52: {  	_ =	shalt  }
0x53: {  	_ =	shalt  }
0x54: {  	_ =	shalt  }
0x55: {  	_ =	shalt  }
0x56: {  	_ =	shalt  }
0x57: {  	_ =	shalt  }
0x58: {  	_ =	shalt  }
0x59: {  	_ =	shalt  }
0x5a: {  	_ =	shalt  }
0x5b: {  	_ =	shalt  }
0x5c: {  	_ =	shalt  }
0x5d: {  	_ =	shalt  }
0x5e: {  	_ =	shalt  }
0x5f: {  	_ =	shalt  }
0x60: {  	_ =	shalt  }
0x61: {  	_ =	shalt  }
0x62: {  	_ =	shalt  }
0x63: {  	_ =	shalt  }
0x64: {  	_ =	shalt  }
0x65: {  	_ =	shalt  }
0x66: {  	_ =	shalt  }
0x67: {  	_ =	shalt  }
0x68: {  	_ =	shalt  }
0x69: {  	_ =	shalt  }
0x6a: {  	_ =	shalt  }
0x6b: {  	_ =	shalt  }
0x6c: {  	_ =	shalt  }
0x6d: {  	_ =	shalt  }
0x6e: {  	_ =	shalt  }
0x6f: {  	_ =	shalt  }
0x70: {  	_ =	shalt  }
0x71: {  	_ =	shalt  }
0x72: {  	_ =	shalt  }
0x73: {  	_ =	shalt  }
0x74: {  	_ =	shalt  }
0x75: {  	_ =	shalt  }
0x76: {  	_ =	shalt  }
0x77: {  	_ =	shalt  }
0x78: {  	_ =	shalt  }
0x79: {  	_ =	shalt  }
0x7a: {  	_ =	shalt  }
0x7b: {  	_ =	shalt  }
0x7c: {  	_ =	shalt  }
0x7d: {  	_ =	shalt  }
0x7e: {  	_ =	shalt  }
0x7f: {  	_ =	shalt  }
0x80: {  	_ =	shalt  }
0x81: {  	_ =	shalt  }
0x82: {  	_ =	shalt  }
0x83: {  	_ =	shalt  }
0x84: {  	_ =	shalt  }
0x85: {  	_ =	shalt  }
0x86: {  	_ =	shalt  }
0x87: {  	_ =	shalt  }
.Lfunc_end0:
.L_simem_size_0:
called_computation_lowered:
.L_overlay_start_0:
0x88: {  	s2 =	sld [smem:$0x3FD9]  }
0x89: {  	s3 =	sld [smem:$0x3FFE];
	_ =	sdelay $0x1  }
0x8a: {  	s1 =	srdreg.scid  }
0x8b: {  	s0 =	sand.u32 $0x1, s1  }
0x8c: {  	s15 =	sshll.u32 s0, $0xA;
	s2 =	sadd.s32 s3, s2  }
0x8d: {  	s2 =	sadd.s32 s2, s15  }
0x8e: {  	[smem:$0x3FC4] =	sst s2  }
0x8f: {  	_ = 	snop  }
0x90: {  	s2 =	sld [smem:$0x3FC9]  }
0x91: {  	s16 =	sld [smem:$0x3FD0]  }
0x92: {  	s4 =	sld [smem:$0x3FC8]  }
0x93: {  	s5 =	sld [smem:$0x3FC7]  }
0x94: {  	s7 =	simm.s32 $0xA;
	s8 =	simm.s32 $0x10;
	s6 =	sld [smem:$0x3FC6]  }
0x95: {  	[smem:s8], [sflag:s7] =	dma.local [hbm:s16], $0x1  }
0x96: {  	_ =	swait.eq [sflag:s7], $0x1  }
0x97: {  	[sflag:s7] =	ssyncset.done $0x0  }
0x98: {  	s17 =	sld [smem:$0x10];
	[sflag:s7] =	ssyncadd.s32 $0xFFFFFFFF  }
0x99: {  	s18 =	sld [smem:$0x11];
	(tm) =	ssettm $0x1  }
0x9a: {  	s19 =	sld [smem:$0x3FFB];
	_ =	sdelay $0x3  }
0x9b: {  	_ =	strace s19  }
0x9c: {  	s8 =	sld [smem:$0x3FFC];
	_ =	sdelay $0x3  }
0x9d: {  	_ =	strace s8  }
0x9e: {  	s8 =	sld [smem:$0x3FFD];
	_ =	sdelay $0x3  }
0x9f: {  	_ =	strace s8  }
0xa0: {  	_ =	strace $0x8FFFFFFF  }
0xa1: {  	s20 =	sld [smem:$0x3FDB];
	_ =	sdelay $0x1  }
0xa2: {  	s9 =	simm.s32 $_scs_section_size  }
0xa3: {  	s10 =	simm.s32 $_size__tile_overlayer_lowered;
	s11 =	simm.s32 $_tile_overlayer_lowered  }
0xa4: {  	s23 =	simm.s32 $0x1BFF;
	s22 =	sshll.u32 s11, $0x1;
	s8 =	sadd.s32 s9, s20  }
0xa5: {  	s12 =	simm.s32 $0x0;
	s21 =	sshll.u32 s10, $0x1;
	s10 =	sadd.s32 s22, s8  }
0xa6: {  	[timem:s12], [sflag:s23] =	dma.local [hbm:s10], s21  }
0xa7: {  	_ =	swait.ge [sflag:s23], s21  }
0xa8: {  	s9 =	ssub.s32 $0x0, s21;
	[sflag:s23] =	ssyncset.done $0x0  }
0xa9: {  	[sflag:s23] =	ssyncadd.s32 s9;
	_ =	sdelay $0x1  }
0xaa: {  	s24 =	simm.s32 $0x1B8B  }
0xab: {  	_ =	swait.ge [sflag:s24], $0x1  }
0xac: {  	[sflag:s24] =	ssyncset.done $0x0  }
0xad: {  	s25 =	simm.s32 $0x1B8E;
	[sflag:s24] =	ssyncadd.s32 $0xFFFFFFFF  }
0xae: {  	s26 =	simm.s32 $execute0_lowered;
	[smem:$0x3FD2] =	sst s25  }
0xaf: {  	s9 =	sshll.u32 s26, $0x1;
	_ =	strace $0x80000046;
	[dreg:$0x1] =	wrdreg $0xFFFFFFFF  }
0xb0: {  	s28 =	simm.s32 $_size_execute0_lowered;
	s8 =	sadd.s32 s8, s9;
	[dreg:$0x0] =	wrdreg $0x0  }
0xb1: {  	s9 =	sshll.u32 s28, $0x1;
	[dreg:$0x2] =	wrdreg s8  }
0xb2: {  	[dreg:$0x3] =	wrdreg s9  }
0xb3: {  	[dreg:$0x4] =	wrdreg $0xC0  }
0xb4: {  	_ =	task [dreg:s12], $0x5FFFF  }
0xb5: {  	[dreg:$0x1] =	wrdreg $0xFFFFFFFF  }
0xb6: {  	[dreg:$0x0] =	wrdreg $0x60  }
0xb7: {  	[dreg:$0x2] =	wrdreg s2  }
0xb8: {  	[dreg:$0x3] =	wrdreg s4  }
0xb9: {  	[dreg:$0x4] =	wrdreg s5  }
0xba: {  	[dreg:$0x5] =	wrdreg s6  }
0xbb: {  	[dreg:$0x6] =	wrdreg s17  }
0xbc: {  	[dreg:$0x7] =	wrdreg s18  }
0xbd: {  	[dreg:$0x8] =	wrdreg $0xC4800  }
0xbe: {  	[dreg:$0x9] =	wrdreg $0x9  }
0xbf: {  	_ =	task.clear_ibuf [dreg:s12], $0xAFFFF;
	_ =	strace $0x90000046  }
0xc0: {  	s29 =	simm.s32 $0x9;
	_ =	strace $0x80000048  }
0xc1: {  	_ =	swait.ge [sflag:s29], $0x1  }
0xc2: {  	[sflag:s29] =	ssyncadd.s32 $0xFFFFFFFF  }
0xc3: {  	_ =	strace $0x90000048  }
0xc4: {  	_ =	sfence  }
0xc5: {  	s30 =	sld [smem:$0x0];
	_ =	sdelay $0x2  }
0xc6: {  	s31 =	sshll.u32 s1, $0xD;
	s1 =	sshrl.u32 s1, $0x2  }
0xc7: {  	s3 =	sand.u32 $0x4000, s31;
	s1 =	sadd.s32 s1, s30  }
0xc8: {  	s0 =	sor.u32 s3, s0;
	s1 =	sshll.u32 s1, $0x11  }
0xc9: {  	s0 =	sor.u32 s1, s0  }
0xca: {  	s0 =	sadd.s32 $0x8F2B, s0  }
0xcb: {  	[sflag:s0] =	ssyncadd.remote.s32 $0x1  }
0xcc: {  	_ =	sfence.sel $0xFFFF  }
0xcd: {  	[dreg:$0x0] =	wrdreg $0xFFFFFFFF;
	(pc) =	sbr.abs _section_cstart, $3  }
0xce: {  	[dreg:$0x1] =	wrdreg $0xFFFFFFFF  }
0xcf: {  	_ =	task.clear_ibuf [dreg:s12], $0x2FFFF;
	_ =	strace $0x9FFFFFFF  }
0xd0: {  	(tm) =	ssettm $0x7FFFFFFF  }
0xd1: {  	_ =	shalt  }
tec
execute0_lowered:
.L_overlay_start_1:
0x0: {  	(tag) =	ssettag $0x1  }
0x1: {  	s0 =	rddreg [dreg:$0x0]  }
0x2: {  	s1 =	rddreg [dreg:$0x1]  }
0x3: {  	s3 =	rddreg [dreg:$0x2]  }
0x4: {  	s2 =	rddreg [dreg:$0x3]  }
0x5: {  	s7 =	rddreg [dreg:$0x4]  }
0x6: {  	s4 =	rddreg [dreg:$0x5]  }
0x7: {  	s5 =	rddreg [dreg:$0x6]  }
0x8: {  	s6 =	simm.s32 $0x0;
	s8 =	srdreg.scid;
	s9 =	stileid.u32  }
0x9: {  	s29 =	simm.s32 $0xC180;
	s31 =	simm.s32 $0x1;
	s28 =	simm.s32 $0xB  }
0xa: {  	s30 =	simm.s32 $0x7;
	[smem:$0x7FF] =	sst s6;
	s12 =	smul.u32 $0x4E000, s9  }
0xb: {  	s8 =	sand.u32 $0x1, s8;
	s14 =	smul.u32 $0x13800, s9;
	s15 =	sshll.u32 s9, $0x6  }
0xc: {  	p0 =	sne.s32 s9, $0x0;
	_ =	strace $0x80000047;
	s10 =	ssub.s32 $0x2, s8  }
0xd: {  	s11 =	sshll.u32 s8, $0x4;
	s8 =	smul.u32 $0x138800, s8;
	s12 =	sshrl.u32 s12, $0x2  }
0xe: {  	s13 =	sshrl.u32 s10, $0x1;
	s25 =	sshrl.u32 s14, $0x3;
	s12 =	sadd.s32 s12, s5  }
0xf: {  	s11 =	sor.u32 s9, s11;
	s26 =	sadd.s32 s2, s25;
	[dreg:$0x9] =	wrdreg s12  }
0x10: {  	s16 =	smul.u32 $0x2710, s11;
	s2 =	sadd.s32 $0x27000, s2;
	[dreg:$0xa] =	wrdreg s26  }
0x11: {  	s10 =	ssub.s32 s10, s13;
	s11 =	smul.u32 $0x27100, s11;
	[dreg:$0xc] =	wrdreg s2  }
0x12: {  	s23 =	sadd.s32 s14, s8;
	s12 =	sor.u32 $0x1C0D, s15;
	[dreg:$0x8] =	wrdreg s16  }
0x13: {  	s8 =	sshrl.u32 s8, $0x3;
	s11 =	sadd.s32 s0, s11;
	[dreg:$0xb] =	wrdreg s12  }
0x14: {  	s24 =	sshrl.u32 s23, $0x3;
	s17 =	sadd.s32 $0x30, s16;
	[dreg:$0xd] =	wrdreg s11  }
0x15: {  	s13 =	sshrl.u32 s16, $0x3;
	s20 =	sadd.s32 $0x60, s16;
	[dreg:$0x10] =	wrdreg s17  }
0x16: {  	s25 =	sadd.s32 s7, s8;
	s15 =	sadd.s32 s1, s13;
	[dreg:$0x13] =	wrdreg s20  }
0x17: {  	s2 =	sadd.s32 s3, s13;
	s18 =	sshll.u32 s17, $0x4;
	[dreg:$0xe] =	wrdreg s15  }
0x18: {  	s11 =	sshrl.u32 s17, $0x3;
	[dreg:$0xf] =	wrdreg s2;
	s2 =	sadd.s32 s0, s18  }
0x19: {  	s23 =	sadd.s32 $0x90, s16;
	s19 =	sadd.s32 s1, s11;
	[dreg:$0x11] =	wrdreg s2  }
0x1a: {  	s26 =	sshrl.u32 s20, $0x3;
	s21 =	sadd.s32 s3, s11;
	[dreg:$0x12] =	wrdreg s19  }
0x1b: {  	s13 =	sshrl.u32 s23, $0x3;
	s9 =	sadd.s32 s1, s26;
	[dreg:$0x14] =	wrdreg s21  }
0x1c: {  	s22 =	sshll.u32 s20, $0x4;
	s14 =	sadd.s32 s1, s13;
	[dreg:$0x17] =	wrdreg s9  }
0x1d: {  	s11 =	sshll.u32 s23, $0x4;
	s8 =	sadd.s32 s3, s13;
	[dreg:$0x1a] =	wrdreg s14  }
0x1e: {  	s15 =	sadd.s32 $0x2700, s16;
	s2 =	sadd.s32 s0, s22;
	[dreg:$0x1b] =	wrdreg s8  }
0x1f: {  	s13 =	simm.s32 $0x0;
	s21 =	smax.u32 s10, $0x1;
	[dreg:$0x15] =	wrdreg s2  }
0x20: {  	s17 =	sshll.u32 s15, $0x4;
	s22 =	sadd.s32 $0x138000, s5;
	[smem:$0x7F9] =	sst s21  }
0x21: {  	s9 =	simm.s32 $0x2;
	s2 =	sadd.s32 s7, s24;
	[smem:$0x7FA] =	sst s22  }
0x22: {  	s10 =	simm.s32 $0x9;
	s7 =	sadd.s32 s3, s26;
	[dreg:$0x16] =	wrdreg s2  }
0x23: {  	s19 =	sadd.s32 s0, s17;
	s20 =	sadd.s32 s4, s17;
	[dreg:$0x18] =	wrdreg s7  }
0x24: {  	s24 =	sadd.s32 $0xC0, s16;
	s26 =	sadd.s32 $0x120, s16;
	[dreg:$0x1e] =	wrdreg s19  }
0x25: {  	s17 =	simm.s32 $0xC000;
	s21 =	simm.s32 $0xC080;
	[dreg:$0x1f] =	wrdreg s20  }
0x26: {  	s22 =	simm.s32 $0x4;
	s7 =	sadd.s32 s0, s11;
	[smem:$0x7FB] =	sst s24  }
0x27: {  	s2 =	sadd.s32 $0x27000, s25;
	s25 =	sadd.s32 $0xF0, s16;
	[smem:$0x7FD] =	sst s26  }
0x28: {  	s24 =	simm.s32 $0xD;
	s16 =	simm.s32 $0x5;
	[dreg:$0x19] =	wrdreg s7  }
0x29: {  	s11 =	simm.s32 $0x3;
	s7 =	sshrl.u32 s15, $0x3;
	[smem:$0x7F8] =	sst s2  }
0x2a: {  	s19 =	simm.s32 $0xA;
	[smem:$0x7FC] =	sst s25;
	s18 =	sadd.s32 s1, s7  }
0x2b: {  	s20 =	simm.s32 $0x6;
	s7 =	sadd.s32 s3, s7;
	[dreg:$0x1c] =	wrdreg s18  }
0x2c: {  	s25 =	simm.s32 $0xC100;
	s2 =	simm.s32 $0x30;
	[dreg:$0x1d] =	wrdreg s7  }
.LBB2_1:
0x2d: {  	[smem:$0x7F5] =	sst s13  }
0x2e: {  	s7 =	rddreg [dreg:$0x9]  }
0x2f: {  	s14 =	rddreg [dreg:$0xa];
	s8 =	sshrl.u32 s7, $0x3  }
0x30: {  	[smem:$0x7F6] =	sst s8  }
0x31: {  	[spmem:s8], [sflag:s12] =	dma.local [hbm:s14], $0x2700  }
0x32: {  	_ =	swait.ge [sflag:s24], $0x2700  }
0x33: {  	s7 =	sld [smem:$0x7FA];
	_ =	sdelay $0x2  }
0x34: {  	[sflag:s24] =	ssyncset.done $0x0;
	s8 =	sshrl.u32 @!p0 s7, $0x3;
	s7 =	rddreg [dreg:$0xc]  }
0x35: {  	[sflag:s24] =	ssyncadd.s32 $0xFFFFD900;
	[smem:$0x7F7] =	sst s8  }
0x36: {  	[spmem:s8], [sflag:s12] =	dma.local @!p0 [hbm:s7], $0x100  }
0x37: {  	s7 =	simm.s32 @!p0 $0xD  }
0x38: {  	_ =	swait.ge @!p0 [sflag:s7], $0x100  }
0x39: {  	[sflag:s7] =	ssyncset.done @!p0 $0x0  }
0x3a: {  	[sflag:s7] =	ssyncadd.s32 @!p0 $0xFFFFFF00  }
0x3b: {  	[bflag:$0x0] =	sbarrier.arrive $0xFFFF  }
0x3c: {  	s15 =	rddreg [dreg:$0xd]  }
0x3d: {  	[tilespmem:s6], [sflag:$0x1] =	stream.linear.gather [hbm4b:s15+s6], $0x1800, $0x38;
	[tilespmem:$0x1FD00] =	vst v63  }
0x3e: {  	s18 =	rddreg [dreg:$0xe]  }
0x3f: {  	[tilespmem:s17], [sflag:$0x1] =	stream.linear.gather [hbm4b:s18+s6], $0x30, $0x38;
	[tilespmem:$0x1FD00] =	vst v63  }
0x40: {  	s26 =	simm.s32 $0xC200;
	s24 =	rddreg [dreg:$0xf]  }
0x41: {  	[tilespmem:s26], [sflag:$0x1] =	stream.linear.gather [hbm4b:s24+s6], $0x30, $0x38;
	[tilespmem:$0x1FD00] =	vst v63  }
0x42: {  	s13 =	simm.s32 $0x1800;
	s12 =	rddreg [dreg:$0x11]  }
0x43: {  	[tilespmem:s13], [sflag:$0x2] =	stream.linear.gather [hbm4b:s12+s6], $0x1800, $0x38;
	[tilespmem:$0x1FD00] =	vst v63  }
0x44: {  	s14 =	rddreg [dreg:$0x12]  }
0x45: {  	[tilespmem:s21], [sflag:$0x2] =	stream.linear.gather [hbm4b:s14+s6], $0x30, $0x38;
	[tilespmem:$0x1FD00] =	vst v63  }
0x46: {  	s15 =	rddreg [dreg:$0x14];
	s18 =	simm.s32 $0xC280  }
0x47: {  	[tilespmem:s18], [sflag:$0x2] =	stream.linear.gather [hbm4b:s15+s6], $0x30, $0x38;
	[tilespmem:$0x1FD00] =	vst v63  }
0x48: {  	s24 =	rddreg [dreg:$0x15];
	s26 =	simm.s32 $0x3000  }
0x49: {  	[tilespmem:s26], [sflag:$0x3] =	stream.linear.gather [hbm4b:s24+s6], $0x1800, $0x38;
	[tilespmem:$0x1FD00] =	vst v63  }
0x4a: {  	s8 =	rddreg [dreg:$0x17]  }
0x4b: {  	[tilespmem:s25], [sflag:$0x3] =	stream.linear.gather [hbm4b:s8+s6], $0x30, $0x38;
	[tilespmem:$0x1FD00] =	vst v63  }
0x4c: {  	s12 =	rddreg [dreg:$0x18];
	s13 =	simm.s32 $0xC300  }
0x4d: {  	[tilespmem:s13], [sflag:$0x3] =	stream.linear.gather [hbm4b:s12+s6], $0x30, $0x38;
	[tilespmem:$0x1FD00] =	vst v63  }
0x4e: {  	s14 =	rddreg [dreg:$0x19];
	s15 =	simm.s32 $0x4800  }
0x4f: {  	[tilespmem:s15], [sflag:$0x4] =	stream.linear.gather [hbm4b:s14+s6], $0x1800, $0x38;
	[tilespmem:$0x1FD00] =	vst v63  }
0x50: {  	s18 =	rddreg [dreg:$0x1a]  }
0x51: {  	[tilespmem:s29], [sflag:$0x4] =	stream.linear.gather [hbm4b:s18+s6], $0x30, $0x38;
	[tilespmem:$0x1FD00] =	vst v63  }
0x52: {  	s24 =	rddreg [dreg:$0x1b];
	s26 =	simm.s32 $0xC380;
	s8 =	simm.s32 $0x0  }
0x53: {  	[tilespmem:s26], [sflag:$0x4] =	stream.linear.gather [hbm4b:s24+s6], $0x30, $0x38;
	[tilespmem:$0x1FD00] =	vst v63  }
.LBB2_2:
0x54: {  	_ =	swait.ge [sflag:s31], $0x1800  }
0x55: {  	[sflag:s31] =	ssyncset.done $0x0  }
0x56: {  	[sflag:s31] =	ssyncadd.s32 $0xFFFFE800  }
0x57: {  	s7 =	simm.s32 $0x0;
	_ =	swait.ge [sflag:s31], $0x30  }
0x58: {  	s12 =	simm.s32 $0x1;
	v0 =	vmov s7;
	[sflag:s31] =	ssyncset.done $0x0  }
0x59: {  	s24 =	simm.s32 $0x2;
	v1 =	vmov s12;
	v0 =	vand.u32 $0xFFFFFFFC, v0;
	[sflag:s31] =	ssyncadd.s32 $0xFFFFFFD0  }
0x5a: {  	s14 =	smul.u32 $0xC0, s8;
	v2 =	vmov s24;
	v1 =	vand.u32 $0xFFFFFFFD, v1;
	v0 =	vbroadcast v0, $0x0;
	_ =	swait.ge [sflag:s31], $0x30  }
0x5b: {  	v2 =	vand.u32 $0xFFFFFFFE, v2;
	v1 =	vbroadcast v1, $0x0;
	s26 =	rddreg [dreg:$0x8]  }
0x5c: {  	v2 =	vbroadcast v2, $0x0;
	s12 =	sadd.s32 s26, s14  }
0x5d: {  	[sflag:s31] =	ssyncset.done $0x0;
	s12 =	sshll.u32 s12, $0x4  }
0x5e: {  	[sflag:s31] =	ssyncadd.s32 $0xFFFFFFD0;
	s12 =	sadd.s32 s4, s12  }
0x5f: {  	[hbm4b:s12+s7] =	stream.linear.scatter [tilespmem:s7], [sflag:$0x9], $0x1800, $0x38;
	[tilespmem:$0x1FD00] =	vst v63  }
0x60: {  	v5 =	vld.idx.msk [tilespmem:v0+s17+$0x0], $0xffff  }
0x61: {  	s12 =	simm.s32 $0x3;
	v6 =	vld.idx.msk [tilespmem:v1+s17+$0x0], $0xffff  }
0x62: {  	v0 =	vmov s12;
	s12 =	simm.s32 $0x100;
	v7 =	vld.idx.msk [tilespmem:v2+s17+$0x0], $0xffff  }
0x63: {  	v1 =	vld [tilespmem:s12+$0x0]  }
0x64: {  	v2 =	vld [tilespmem:s12+$0xFFFFFF00]  }
0x65: {  	v3 =	vld [tilespmem:s12+$0xFFFFFF80];
	_ =	sdelay $0x1  }
0x66: {  	v4 =	vld.idx.msk [tilespmem:v0+s17+$0x0], $0xffff  }
0x67: {  	v0 =	vld [tilespmem:s12+$0x80];
	v1 =	vmul.f32 v1, v7  }
0x68: {  	s18 =	simm.s32 $0x6100;
	v2 =	vmul.f32 v2, v5  }
0x69: {  	v3 =	vmul.f32 v3, v6;
	[tilespmem:s18+$0x0] =	vst v1  }
0x6a: {  	[tilespmem:s18+$0xFFFFFF00] =	vst v2;
	v1 =	vld [tilespmem:s12+$0x10]  }
0x6b: {  	[tilespmem:s18+$0xFFFFFF80] =	vst v3;
	v2 =	vld [tilespmem:s12+$0xFFFFFF10]  }
0x6c: {  	v3 =	vld [tilespmem:s12+$0xFFFFFF90];
	v0 =	vmul.f32 v0, v4;
	_ =	sdelay $0x1  }
0x6d: {  	[tilespmem:s18+$0x80] =	vst v0  }
0x6e: {  	v0 =	vld [tilespmem:s12+$0x90];
	v1 =	vmul.f32 v1, v7  }
0x6f: {  	v2 =	vmul.f32 v2, v5  }
0x70: {  	v3 =	vmul.f32 v3, v6;
	[tilespmem:s18+$0x10] =	vst v1  }
0x71: {  	[tilespmem:s18+$0xFFFFFF10] =	vst v2;
	v1 =	vld [tilespmem:s12+$0x20]  }
0x72: {  	[tilespmem:s18+$0xFFFFFF90] =	vst v3;
	v2 =	vld [tilespmem:s12+$0xFFFFFF20]  }
0x73: {  	v3 =	vld [tilespmem:s12+$0xFFFFFFA0];
	v0 =	vmul.f32 v0, v4;
	_ =	sdelay $0x1  }
0x74: {  	[tilespmem:s18+$0x90] =	vst v0  }
0x75: {  	s13 =	simm.s32 $0x4;
	v0 =	vld [tilespmem:s12+$0xA0];
	v1 =	vmul.f32 v1, v7  }
0x76: {  	s15 =	simm.s32 $0x5;
	v8 =	vmov s13;
	v2 =	vmul.f32 v2, v5  }
0x77: {  	s13 =	simm.s32 $0x7;
	v9 =	vmov s15;
	v8 =	vand.u32 $0xFFFFFFFC, v8;
	v3 =	vmul.f32 v3, v6;
	[tilespmem:s18+$0x20] =	vst v1  }
0x78: {  	v9 =	vand.u32 $0xFFFFFFFD, v9;
	v8 =	vbroadcast v8, $0x0;
	v1 =	vmov s13;
	[tilespmem:s18+$0xFFFFFF20] =	vst v2;
	v2 =	vld [tilespmem:s12+$0x30]  }
0x79: {  	v9 =	vbroadcast v9, $0x0;
	[tilespmem:s18+$0xFFFFFFA0] =	vst v3;
	v10 =	vld [tilespmem:s12+$0xFFFFFF30]  }
0x7a: {  	v11 =	vld [tilespmem:s12+$0xFFFFFFB0];
	v0 =	vmul.f32 v0, v4  }
0x7b: {  	s24 =	simm.s32 $0x6  }
0x7c: {  	[tilespmem:s18+$0xA0] =	vst v0;
	v0 =	vmov s24  }
0x7d: {  	v3 =	vand.u32 $0xFFFFFFFE, v0;
	v0 =	vld.idx.msk [tilespmem:v1+s17+$0x0], $0xffff;
	v2 =	vmul.f32 v2, v7  }
0x7e: {  	v1 =	vld.idx.msk [tilespmem:v8+s17+$0x0], $0xffff;
	v8 =	vmul.f32 v10, v5  }
0x7f: {  	v13 =	vbroadcast v3, $0x0;
	v3 =	vld.idx.msk [tilespmem:v9+s17+$0x0], $0xffff;
	v9 =	vmul.f32 v11, v6;
	[tilespmem:s18+$0x30] =	vst v2  }
0x80: {  	v12 =	vld [tilespmem:s12+$0xB0];
	[tilespmem:s18+$0xFFFFFF30] =	vst v8  }
0x81: {  	[tilespmem:s18+$0xFFFFFFB0] =	vst v9;
	v8 =	vld [tilespmem:s12+$0x40]  }
0x82: {  	s7 =	simm.s32 $0x300;
	v9 =	vld [tilespmem:s12+$0xFFFFFFC0]  }
0x83: {  	v11 =	vld [tilespmem:s7+$0x0]  }
0x84: {  	v10 =	vld [tilespmem:s12+$0xFFFFFF40]  }
0x85: {  	v12 =	vmul.f32 v12, v4;
	v2 =	vld.idx.msk [tilespmem:v13+s17+$0x0], $0xffff  }
0x86: {  	v13 =	vld [tilespmem:s7+$0xFFFFFF00];
	v8 =	vmul.f32 v8, v7  }
0x87: {  	v14 =	vld [tilespmem:s7+$0xFFFFFF80];
	[tilespmem:s18+$0xB0] =	vst v12;
	v9 =	vmul.f32 v9, v6  }
0x88: {  	v15 =	vld [tilespmem:s7+$0x80];
	[tilespmem:s18+$0x40] =	vst v8  }
0x89: {  	v8 =	vmul.f32 v10, v5;
	[tilespmem:s18+$0xFFFFFFC0] =	vst v9;
	v9 =	vld [tilespmem:s12+$0xC0]  }
0x8a: {  	v10 =	vld [tilespmem:s12+$0x50];
	v11 =	vmul.f32 v11, v2  }
0x8b: {  	s15 =	simm.s32 $0x6300;
	v12 =	vld [tilespmem:s12+$0xFFFFFFD0];
	[tilespmem:s18+$0xFFFFFF40] =	vst v8;
	v8 =	vmul.f32 v13, v1  }
0x8c: {  	v13 =	vmul.f32 v14, v3;
	[tilespmem:s15+$0x0] =	vst v11;
	v11 =	vld [tilespmem:s12+$0xFFFFFF50]  }
0x8d: {  	v14 =	vmul.f32 v15, v0;
	[tilespmem:s15+$0xFFFFFF00] =	vst v8;
	v8 =	vld [tilespmem:s7+$0x10]  }
0x8e: {  	[tilespmem:s15+$0xFFFFFF80] =	vst v13;
	v15 =	vld [tilespmem:s7+$0xFFFFFF10];
	v9 =	vmul.f32 v9, v4  }
0x8f: {  	[tilespmem:s15+$0x80] =	vst v14;
	v13 =	vld [tilespmem:s7+$0xFFFFFF90];
	v10 =	vmul.f32 v10, v7  }
0x90: {  	v14 =	vld [tilespmem:s7+$0x90];
	v12 =	vmul.f32 v12, v6;
	[tilespmem:s18+$0xC0] =	vst v9  }
0x91: {  	[tilespmem:s18+$0x50] =	vst v10;
	v10 =	vmul.f32 v11, v5;
	v9 =	vld [tilespmem:s12+$0xD0]  }
0x92: {  	[tilespmem:s18+$0xFFFFFFD0] =	vst v12;
	v11 =	vld [tilespmem:s12+$0x60];
	v8 =	vmul.f32 v8, v2  }
0x93: {  	v12 =	vmul.f32 v15, v1;
	[tilespmem:s18+$0xFFFFFF50] =	vst v10;
	v10 =	vld [tilespmem:s12+$0xFFFFFFE0]  }
0x94: {  	v13 =	vmul.f32 v13, v3;
	[tilespmem:s15+$0x10] =	vst v8;
	v8 =	vld [tilespmem:s12+$0xFFFFFF60]  }
0x95: {  	v14 =	vmul.f32 v14, v0;
	[tilespmem:s15+$0xFFFFFF10] =	vst v12;
	v12 =	vld [tilespmem:s7+$0x20]  }
0x96: {  	[tilespmem:s15+$0xFFFFFF90] =	vst v13;
	v15 =	vld [tilespmem:s7+$0xFFFFFF20];
	v9 =	vmul.f32 v9, v4  }
0x97: {  	[tilespmem:s15+$0x90] =	vst v14;
	v11 =	vmul.f32 v11, v7  }
0x98: {  	v16 =	vld [tilespmem:s7+$0xFFFFFFA0];
	v10 =	vmul.f32 v10, v6;
	[tilespmem:s18+$0xD0] =	vst v9  }
0x99: {  	v17 =	vld [tilespmem:s7+$0xA0];
	[tilespmem:s18+$0x60] =	vst v11;
	v8 =	vmul.f32 v8, v5  }
0x9a: {  	v18 =	vld [tilespmem:s12+$0x70];
	v9 =	vmul.f32 v12, v2;
	[tilespmem:s18+$0xFFFFFFE0] =	vst v10  }
0x9b: {  	s26 =	simm.s32 $0x8;
	s24 =	simm.s32 $0x9;
	v19 =	vld [tilespmem:s12+$0xE0];
	v10 =	vmul.f32 v15, v1;
	[tilespmem:s18+$0xFFFFFF60] =	vst v8  }
0x9c: {  	v11 =	vmov s24;
	v13 =	vld [tilespmem:s12+$0xFFFFFFF0];
	v8 =	vmov s26;
	s26 =	simm.s32 $0xB;
	[tilespmem:s15+$0x20] =	vst v9  }
0x9d: {  	v12 =	vmul.f32 v16, v3;
	v14 =	vld [tilespmem:s12+$0xFFFFFF70];
	v8 =	vand.u32 $0xFFFFFFFC, v8;
	[tilespmem:s15+$0xFFFFFF20] =	vst v10;
	v10 =	vmov s26  }
0x9e: {  	v16 =	vmul.f32 v17, v0;
	v9 =	vand.u32 $0xFFFFFFFD, v11;
	v15 =	vld [tilespmem:s7+$0x30];
	v8 =	vbroadcast v8, $0x0  }
0x9f: {  	v9 =	vbroadcast v9, $0x0;
	[tilespmem:s15+$0xFFFFFFA0] =	vst v12;
	v11 =	vld [tilespmem:s7+$0xFFFFFF30];
	v17 =	vmul.f32 v18, v7  }
0xa0: {  	s13 =	simm.s32 $0xC;
	s24 =	simm.s32 $0xA;
	[tilespmem:s15+$0xA0] =	vst v16;
	v12 =	vld [tilespmem:s7+$0xFFFFFFB0];
	v16 =	vmul.f32 v19, v4  }
.LBB2_3:
0xa1: {  	p1 =	slt.u32 s13, $0x2C;
	v7 =	vmov s24;
	v18 =	vld [tilespmem:s7+$0xB0];
	v13 =	vmul.f32 v13, v6;
	[tilespmem:s18+$0x70] =	vst v17;
	v6 =	vmov v3  }
0xa2: {  	v3 =	vand.u32 $0xFFFFFFFE, v7;
	v7 =	vld.idx.msk [tilespmem:v10+s17+$0x0], $0xffff;
	v10 =	vmul.f32 v14, v5;
	[tilespmem:s18+$0xE0] =	vst v16;
	v5 =	vmov v1  }
0xa3: {  	v14 =	vbroadcast v3, $0x0;
	v15 =	vmul.f32 v15, v2;
	[tilespmem:s18+$0xFFFFFFF0] =	vst v13;
	v13 =	vld [tilespmem:s12+$0xF0];
	s12 =	smov.u32 s7  }
0xa4: {  	v1 =	vld.idx.msk [tilespmem:v8+s17+$0x0], $0xffff;
	v8 =	vmul.f32 v11, v5;
	[tilespmem:s18+$0xFFFFFF70] =	vst v10  }
0xa5: {  	v3 =	vld.idx.msk [tilespmem:v9+s17+$0x0], $0xffff;
	v9 =	vmul.f32 v12, v6;
	[tilespmem:s15+$0x30] =	vst v15  }
0xa6: {  	[tilespmem:s15+$0xFFFFFF30] =	vst v8;
	v8 =	vld [tilespmem:s7+$0x40];
	v10 =	vmul.f32 v18, v0  }
0xa7: {  	v11 =	vld [tilespmem:s7+$0xFFFFFF40];
	[tilespmem:s15+$0xFFFFFFB0] =	vst v9  }
0xa8: {  	v9 =	vld [tilespmem:s7+$0xFFFFFFC0];
	[tilespmem:s15+$0xB0] =	vst v10;
	v10 =	vmul.f32 v13, v4;
	v4 =	vmov v0;
	v0 =	vmov v7  }
0xa9: {  	s7 =	sadd.s32 $0x200, s7;
	v7 =	vld.idx.msk [tilespmem:v14+s17+$0x0], $0xffff  }
0xaa: {  	v12 =	vld [tilespmem:s7+$0x0];
	[tilespmem:s18+$0xF0] =	vst v10;
	s18 =	smov.u32 s15  }
0xab: {  	v10 =	vld [tilespmem:s7+$0xFFFFFF00];
	v8 =	vmul.f32 v8, v2  }
0xac: {  	v13 =	vld [tilespmem:s7+$0xFFFFFF80];
	v11 =	vmul.f32 v11, v5  }
0xad: {  	v14 =	vld [tilespmem:s7+$0x80];
	v9 =	vmul.f32 v9, v6;
	[tilespmem:s15+$0x40] =	vst v8  }
0xae: {  	[tilespmem:s15+$0xFFFFFF40] =	vst v11;
	v8 =	vld [tilespmem:s12+$0x50]  }
0xaf: {  	v11 =	vmul.f32 v12, v7;
	[tilespmem:s15+$0xFFFFFFC0] =	vst v9;
	v9 =	vld [tilespmem:s12+$0xC0]  }
0xb0: {  	s15 =	sadd.s32 $0x200, s15;
	v10 =	vmul.f32 v10, v1;
	v12 =	vld [tilespmem:s12+$0xFFFFFFD0]  }
0xb1: {  	v13 =	vmul.f32 v13, v3;
	[tilespmem:s15+$0x0] =	vst v11;
	v11 =	vld [tilespmem:s12+$0xFFFFFF50]  }
0xb2: {  	[tilespmem:s15+$0xFFFFFF00] =	vst v10;
	v10 =	vld [tilespmem:s7+$0x10];
	v14 =	vmul.f32 v14, v0  }
0xb3: {  	v15 =	vld [tilespmem:s7+$0xFFFFFF10];
	[tilespmem:s15+$0xFFFFFF80] =	vst v13;
	v8 =	vmul.f32 v8, v2  }
0xb4: {  	v13 =	vld [tilespmem:s7+$0xFFFFFF90];
	[tilespmem:s15+$0x80] =	vst v14;
	v9 =	vmul.f32 v9, v4  }
0xb5: {  	v14 =	vld [tilespmem:s7+$0x90];
	v12 =	vmul.f32 v12, v6;
	[tilespmem:s18+$0x50] =	vst v8  }
0xb6: {  	v8 =	vmul.f32 v11, v5;
	v11 =	vld [tilespmem:s12+$0x60];
	[tilespmem:s18+$0xC0] =	vst v9  }
0xb7: {  	v9 =	vmul.f32 v10, v7;
	[tilespmem:s18+$0xFFFFFFD0] =	vst v12;
	v10 =	vld [tilespmem:s12+$0xD0]  }
0xb8: {  	v12 =	vmul.f32 v15, v1;
	[tilespmem:s18+$0xFFFFFF50] =	vst v8;
	v8 =	vld [tilespmem:s12+$0xFFFFFFE0]  }
0xb9: {  	v13 =	vmul.f32 v13, v3;
	[tilespmem:s15+$0x10] =	vst v9;
	v9 =	vld [tilespmem:s12+$0xFFFFFF60]  }
0xba: {  	[tilespmem:s15+$0xFFFFFF10] =	vst v12;
	v12 =	vld [tilespmem:s7+$0x20];
	v14 =	vmul.f32 v14, v0  }
0xbb: {  	v15 =	vld [tilespmem:s7+$0xFFFFFF20];
	[tilespmem:s15+$0xFFFFFF90] =	vst v13;
	v11 =	vmul.f32 v11, v2  }
0xbc: {  	v16 =	vld [tilespmem:s7+$0xFFFFFFA0];
	[tilespmem:s15+$0x90] =	vst v14;
	v10 =	vmul.f32 v10, v4  }
0xbd: {  	v17 =	vld [tilespmem:s7+$0xA0];
	v8 =	vmul.f32 v8, v6;
	[tilespmem:s18+$0x60] =	vst v11  }
0xbe: {  	v9 =	vmul.f32 v9, v5;
	v18 =	vld [tilespmem:s12+$0x70];
	[tilespmem:s18+$0xD0] =	vst v10  }
0xbf: {  	s24 =	sadd.s32 $0x3, s13;
	v11 =	vmul.f32 v12, v7;
	[tilespmem:s18+$0xFFFFFFE0] =	vst v8;
	v19 =	vld [tilespmem:s12+$0xE0]  }
.Ltmp0:
0xc0: {  	s26 =	sadd.s32 $0x1, s13;
	v10 =	vmov s24;
	v8 =	vmov s13;
	v12 =	vmul.f32 v15, v1;
	[tilespmem:s18+$0xFFFFFF60] =	vst v9;
	v13 =	vld [tilespmem:s12+$0xFFFFFFF0];
	(pc) =	sbr.rel @p1 .LBB2_3-.Ltmp0, $4  }
0xc1: {  	v8 =	vand.u32 $0xFFFFFFFC, v8;
	v9 =	vmov s26;
	v16 =	vmul.f32 v16, v3;
	[tilespmem:s15+$0x20] =	vst v11;
	v14 =	vld [tilespmem:s12+$0xFFFFFF70]  }
0xc2: {  	v8 =	vbroadcast v8, $0x0;
	v9 =	vand.u32 $0xFFFFFFFD, v9;
	[tilespmem:s15+$0xFFFFFF20] =	vst v12;
	v15 =	vld [tilespmem:s7+$0x30];
	v20 =	vmul.f32 v17, v0  }
0xc3: {  	v9 =	vbroadcast v9, $0x0;
	v11 =	vld [tilespmem:s7+$0xFFFFFF30];
	[tilespmem:s15+$0xFFFFFFA0] =	vst v16;
	v17 =	vmul.f32 v18, v2;
	v2 =	vmov v7  }
0xc4: {  	s24 =	sadd.s32 $0x2, s13;
	s13 =	sadd.s32 $0x4, s13;
	v12 =	vld [tilespmem:s7+$0xFFFFFFB0];
	[tilespmem:s15+$0xA0] =	vst v20;
	v16 =	vmul.f32 v19, v4  }
0xc5: {  	v7 =	vmov s24  }
0xc6: {  	v7 =	vand.u32 $0xFFFFFFFE, v7  }
0xc7: {  	v18 =	vbroadcast v7, $0x0;
	_ =	sdelay $0x2  }
0xc8: {  	v8 =	vld.idx.msk [tilespmem:v8+s17+$0x0], $0xffff  }
0xc9: {  	v9 =	vld.idx.msk [tilespmem:v9+s17+$0x0], $0xffff  }
0xca: {  	v7 =	vld.idx.msk [tilespmem:v10+s17+$0x0], $0xffff  }
0xcb: {  	s26 =	sadd.s32 $0x200, s7;
	v10 =	vld.idx.msk [tilespmem:v18+s17+$0x0], $0xffff  }
0xcc: {  	v18 =	vld [tilespmem:s26+$0x0]  }
0xcd: {  	v19 =	vld [tilespmem:s26+$0xFFFFFF80]  }
0xce: {  	v20 =	vld [tilespmem:s26+$0xFFFFFF00]  }
0xcf: {  	v21 =	vld [tilespmem:s26+$0x80];
	_ =	sdelay $0x1  }
0xd0: {  	v18 =	vmul.f32 v18, v10  }
0xd1: {  	s13 =	sadd.s32 $0x200, s15;
	v19 =	vmul.f32 v19, v9  }
0xd2: {  	v20 =	vmul.f32 v20, v8;
	[tilespmem:s13+$0x0] =	vst v18  }
0xd3: {  	v21 =	vmul.f32 v21, v7;
	[tilespmem:s13+$0xFFFFFF80] =	vst v19;
	v18 =	vld [tilespmem:s26+$0x10]  }
0xd4: {  	[tilespmem:s13+$0xFFFFFF00] =	vst v20;
	v19 =	vld [tilespmem:s26+$0xFFFFFF90]  }
0xd5: {  	v20 =	vld [tilespmem:s26+$0xFFFFFF10];
	[tilespmem:s13+$0x80] =	vst v21  }
0xd6: {  	v21 =	vld [tilespmem:s26+$0x90];
	_ =	sdelay $0x1  }
0xd7: {  	v18 =	vmul.f32 v18, v10  }
0xd8: {  	[tilespmem:s18+$0x70] =	vst v17;
	v17 =	vmul.f32 v19, v9  }
0xd9: {  	[tilespmem:s13+$0x10] =	vst v18;
	v18 =	vmul.f32 v20, v8  }
0xda: {  	v19 =	vmul.f32 v21, v7;
	[tilespmem:s13+$0xFFFFFF90] =	vst v17;
	v17 =	vld [tilespmem:s26+$0x20]  }
0xdb: {  	[tilespmem:s13+$0xFFFFFF10] =	vst v18;
	v18 =	vld [tilespmem:s26+$0xFFFFFFA0]  }
0xdc: {  	v6 =	vmul.f32 v13, v6;
	[tilespmem:s13+$0x90] =	vst v19;
	v13 =	vld [tilespmem:s26+$0xFFFFFF20]  }
0xdd: {  	v5 =	vmul.f32 v14, v5;
	[tilespmem:s18+$0xE0] =	vst v16;
	v14 =	vld [tilespmem:s26+$0xA0]  }
0xde: {  	v15 =	vmul.f32 v15, v2;
	[tilespmem:s18+$0xFFFFFFF0] =	vst v6  }
0xdf: {  	[tilespmem:s18+$0xFFFFFF70] =	vst v5;
	v5 =	vmul.f32 v17, v10  }
0xe0: {  	v6 =	vld [tilespmem:s7+$0xB0];
	[tilespmem:s15+$0x30] =	vst v15;
	v15 =	vmul.f32 v18, v9  }
0xe1: {  	v16 =	vld [tilespmem:s12+$0xF0];
	v13 =	vmul.f32 v13, v8;
	[tilespmem:s13+$0x20] =	vst v5  }
0xe2: {  	v14 =	vmul.f32 v14, v7;
	v5 =	vld [tilespmem:s26+$0x30];
	[tilespmem:s13+$0xFFFFFFA0] =	vst v15  }
0xe3: {  	v11 =	vmul.f32 v11, v1;
	[tilespmem:s13+$0xFFFFFF20] =	vst v13;
	v13 =	vld [tilespmem:s26+$0xFFFFFFB0]  }
0xe4: {  	v12 =	vmul.f32 v12, v3;
	[tilespmem:s13+$0xA0] =	vst v14;
	v15 =	vld [tilespmem:s26+$0xFFFFFF30]  }
0xe5: {  	[tilespmem:s15+$0xFFFFFF30] =	vst v11;
	v6 =	vmul.f32 v6, v0;
	v11 =	vld [tilespmem:s26+$0xB0]  }
0xe6: {  	[tilespmem:s15+$0xFFFFFFB0] =	vst v12;
	v4 =	vmul.f32 v16, v4;
	v14 =	vld [tilespmem:s7+$0x40]  }
0xe7: {  	v12 =	vld [tilespmem:s7+$0xFFFFFFC0];
	[tilespmem:s15+$0xB0] =	vst v6;
	v5 =	vmul.f32 v5, v10  }
0xe8: {  	v6 =	vld [tilespmem:s7+$0xFFFFFF40];
	[tilespmem:s18+$0xF0] =	vst v4;
	v4 =	vmul.f32 v13, v9  }
0xe9: {  	v13 =	vld [tilespmem:s7+$0xC0];
	v15 =	vmul.f32 v15, v8;
	[tilespmem:s13+$0x30] =	vst v5  }
0xea: {  	v11 =	vmul.f32 v11, v7;
	v5 =	vld [tilespmem:s26+$0x40];
	[tilespmem:s13+$0xFFFFFFB0] =	vst v4  }
0xeb: {  	v4 =	vmul.f32 v14, v2;
	[tilespmem:s13+$0xFFFFFF30] =	vst v15;
	v14 =	vld [tilespmem:s26+$0xFFFFFFC0]  }
0xec: {  	v12 =	vmul.f32 v12, v3;
	[tilespmem:s13+$0xB0] =	vst v11;
	v15 =	vld [tilespmem:s26+$0xFFFFFF40]  }
0xed: {  	v6 =	vmul.f32 v6, v1;
	[tilespmem:s15+$0x40] =	vst v4;
	v4 =	vld [tilespmem:s26+$0xC0]  }
0xee: {  	[tilespmem:s15+$0xFFFFFFC0] =	vst v12;
	v11 =	vld [tilespmem:s7+$0x50];
	v12 =	vmul.f32 v13, v0  }
0xef: {  	[tilespmem:s15+$0xFFFFFF40] =	vst v6;
	v6 =	vld [tilespmem:s7+$0xFFFFFFD0];
	v5 =	vmul.f32 v5, v10  }
0xf0: {  	v13 =	vld [tilespmem:s7+$0xFFFFFF50];
	[tilespmem:s15+$0xC0] =	vst v12;
	v12 =	vmul.f32 v14, v9  }
0xf1: {  	v14 =	vld [tilespmem:s7+$0xD0];
	v15 =	vmul.f32 v15, v8;
	[tilespmem:s13+$0x40] =	vst v5  }
0xf2: {  	v4 =	vmul.f32 v4, v7;
	v5 =	vld [tilespmem:s26+$0x50];
	[tilespmem:s13+$0xFFFFFFC0] =	vst v12  }
0xf3: {  	v11 =	vmul.f32 v11, v2;
	[tilespmem:s13+$0xFFFFFF40] =	vst v15;
	v12 =	vld [tilespmem:s26+$0xFFFFFFD0]  }
0xf4: {  	v6 =	vmul.f32 v6, v3;
	[tilespmem:s13+$0xC0] =	vst v4;
	v15 =	vld [tilespmem:s26+$0xFFFFFF50]  }
0xf5: {  	v4 =	vmul.f32 v13, v1;
	[tilespmem:s15+$0x50] =	vst v11;
	v11 =	vld [tilespmem:s26+$0xD0]  }
0xf6: {  	[tilespmem:s15+$0xFFFFFFD0] =	vst v6;
	v13 =	vld [tilespmem:s7+$0x60];
	v6 =	vmul.f32 v14, v0  }
0xf7: {  	[tilespmem:s15+$0xFFFFFF50] =	vst v4;
	v4 =	vld [tilespmem:s7+$0xFFFFFFE0];
	v5 =	vmul.f32 v5, v10  }
0xf8: {  	v14 =	vld [tilespmem:s7+$0xFFFFFF60];
	[tilespmem:s15+$0xD0] =	vst v6;
	v6 =	vmul.f32 v12, v9  }
0xf9: {  	v12 =	vld [tilespmem:s7+$0xE0];
	[tilespmem:s13+$0x50] =	vst v5;
	v5 =	vmul.f32 v15, v8  }
0xfa: {  	v15 =	vld [tilespmem:s26+$0x60];
	[tilespmem:s13+$0xFFFFFFD0] =	vst v6;
	v6 =	vmul.f32 v11, v7  }
0xfb: {  	v11 =	vmul.f32 v13, v2;
	[tilespmem:s13+$0xFFFFFF50] =	vst v5;
	v5 =	vld [tilespmem:s26+$0xFFFFFFE0]  }
0xfc: {  	v4 =	vmul.f32 v4, v3;
	v13 =	vld [tilespmem:s26+$0xFFFFFF60];
	[tilespmem:s13+$0xD0] =	vst v6  }
0xfd: {  	[tilespmem:s15+$0x60] =	vst v11;
	v6 =	vmul.f32 v14, v1;
	v11 =	vld [tilespmem:s26+$0xE0]  }
0xfe: {  	[tilespmem:s15+$0xFFFFFFE0] =	vst v4;
	v14 =	vld [tilespmem:s7+$0x70];
	v4 =	vmul.f32 v12, v0  }
0xff: {  	[tilespmem:s15+$0xFFFFFF60] =	vst v6;
	v6 =	vld [tilespmem:s7+$0xFFFFFFF0];
	v12 =	vmul.f32 v15, v10  }
0x100: {  	v15 =	vld [tilespmem:s7+$0xFFFFFF70];
	[tilespmem:s15+$0xE0] =	vst v4;
	v4 =	vmul.f32 v5, v9  }
0x101: {  	v5 =	vld [tilespmem:s7+$0xF0];
	[tilespmem:s13+$0x60] =	vst v12;
	v12 =	vmul.f32 v13, v8  }
0x102: {  	v13 =	vld [tilespmem:s26+$0x70];
	[tilespmem:s13+$0xFFFFFFE0] =	vst v4;
	v4 =	vmul.f32 v11, v7  }
0x103: {  	v2 =	vmul.f32 v14, v2;
	[tilespmem:s13+$0xFFFFFF60] =	vst v12;
	v11 =	vld [tilespmem:s26+$0xFFFFFFF0]  }
0x104: {  	v3 =	vmul.f32 v6, v3;
	v6 =	vld [tilespmem:s26+$0xFFFFFF70];
	[tilespmem:s13+$0xE0] =	vst v4  }
0x105: {  	[tilespmem:s15+$0x70] =	vst v2;
	v1 =	vmul.f32 v15, v1;
	v2 =	vld [tilespmem:s26+$0xF0]  }
0x106: {  	[tilespmem:s15+$0xFFFFFFF0] =	vst v3;
	v0 =	vmul.f32 v5, v0  }
0x107: {  	[tilespmem:s15+$0xFFFFFF70] =	vst v1;
	v1 =	vmul.f32 v13, v10  }
0x108: {  	[tilespmem:s15+$0xF0] =	vst v0;
	v0 =	vmul.f32 v11, v9  }
0x109: {  	[tilespmem:s13+$0x70] =	vst v1;
	v1 =	vmul.f32 v6, v8  }
0x10a: {  	[tilespmem:s13+$0xFFFFFFF0] =	vst v0;
	v0 =	vmul.f32 v2, v7  }
0x10b: {  	p1 =	seq.s32 s8, $0x0;
	[tilespmem:s13+$0xFFFFFF70] =	vst v1  }
0x10c: {  	s24 =	simm.s32 $0xC200;
	s7 =	simm.s32 @!p1 $0xC;
	s26 =	simm.s32 $0x6000;
	[tilespmem:s13+$0xF0] =	vst v0  }
0x10d: {  	[spmem:s5] =	stream.indirect.scatter.add.f32 [tilespmem:s26], [sflag:$0x5], $0x80, s24, s2, $0xb8;
	[tilespmem:$0x1FD00] =	vst v63  }
0x10e: {  	_ =	swait.ge @!p1 [sflag:s7], $0x1800  }
0x10f: {  	[sflag:s7] =	ssyncset.done @!p1 $0x0  }
0x110: {  	[sflag:s7] =	ssyncadd.s32 @!p1 $0xFFFFE800;
	s7 =	simm.s32 @!p1 $0x8  }
0x111: {  	_ =	swait.ge @!p1 [sflag:s7], $0x1800  }
0x112: {  	s12 =	sadd.s32 @!p1 s14, s23;
	[sflag:s7] =	ssyncset.done @!p1 $0x0  }
0x113: {  	[sflag:s7] =	ssyncadd.s32 @!p1 $0xFFFFE800;
	s7 =	sshll.u32 @!p1 s12, $0x4  }
0x114: {  	s15 =	simm.s32 @!p1 $0x4800;
	s13 =	simm.s32 @!p1 $0x0;
	s7 =	sadd.s32 @!p1 s0, s7  }
0x115: {  	[tilespmem:s15], [sflag:$0x4] =	stream.linear.gather @!p1 [hbm4b:s7+s13], $0x1800, $0x38;
	[tilespmem:$0x1FD00] =	vst v63  }
0x116: {  	s7 =	sshrl.u32 @!p1 s12, $0x3  }
0x117: {  	s15 =	simm.s32 @!p1 $0xC180;
	s12 =	sadd.s32 @!p1 s1, s7  }
0x118: {  	[tilespmem:s15], [sflag:$0x4] =	stream.linear.gather @!p1 [hbm4b:s12+s13], $0x30, $0x38;
	[tilespmem:$0x1FD00] =	vst v63  }
0x119: {  	s7 =	sadd.s32 @!p1 s3, s7;
	s12 =	simm.s32 @!p1 $0xC380  }
0x11a: {  	[tilespmem:s12], [sflag:$0x4] =	stream.linear.gather @!p1 [hbm4b:s7+s13], $0x30, $0x38;
	[tilespmem:$0x1FD00] =	vst v63  }
0x11b: {  	_ =	swait.ge [sflag:s9], $0x1800  }
0x11c: {  	[sflag:s9] =	ssyncset.done $0x0  }
0x11d: {  	[sflag:s9] =	ssyncadd.s32 $0xFFFFE800  }
0x11e: {  	s13 =	simm.s32 $0x0;
	_ =	swait.ge [sflag:s9], $0x30  }
0x11f: {  	s15 =	simm.s32 $0x1;
	v0 =	vmov s13;
	[sflag:s9] =	ssyncset.done $0x0  }
0x120: {  	s18 =	simm.s32 $0x2;
	v1 =	vmov s15;
	v0 =	vand.u32 $0xFFFFFFFC, v0;
	[sflag:s9] =	ssyncadd.s32 $0xFFFFFFD0  }
0x121: {  	v2 =	vmov s18;
	v1 =	vand.u32 $0xFFFFFFFD, v1;
	v0 =	vbroadcast v0, $0x0;
	_ =	swait.ge [sflag:s9], $0x30  }
0x122: {  	v2 =	vand.u32 $0xFFFFFFFE, v2;
	v1 =	vbroadcast v1, $0x0;
	s24 =	rddreg [dreg:$0x10]  }
0x123: {  	v2 =	vbroadcast v2, $0x0;
	s12 =	sadd.s32 s14, s24  }
0x124: {  	[sflag:s9] =	ssyncset.done $0x0;
	s12 =	sshll.u32 s12, $0x4  }
0x125: {  	s26 =	simm.s32 $0x1800;
	[sflag:s9] =	ssyncadd.s32 $0xFFFFFFD0;
	s12 =	sadd.s32 s4, s12  }
0x126: {  	[hbm4b:s12+s13] =	stream.linear.scatter [tilespmem:s26], [sflag:$0xA], $0x1800, $0x38;
	[tilespmem:$0x1FD00] =	vst v63  }
0x127: {  	s13 =	simm.s32 $0x3;
	v5 =	vld.idx.msk [tilespmem:v0+s21+$0x0], $0xffff  }
0x128: {  	v0 =	vmov s13;
	v6 =	vld.idx.msk [tilespmem:v1+s21+$0x0], $0xffff  }
0x129: {  	s12 =	simm.s32 $0x1900;
	v7 =	vld.idx.msk [tilespmem:v2+s21+$0x0], $0xffff  }
0x12a: {  	v1 =	vld [tilespmem:s12+$0x0]  }
0x12b: {  	v2 =	vld [tilespmem:s12+$0xFFFFFF00]  }
0x12c: {  	v3 =	vld [tilespmem:s12+$0xFFFFFF80]  }
0x12d: {  	v4 =	vld.idx.msk [tilespmem:v0+s21+$0x0], $0xffff  }
0x12e: {  	v0 =	vld [tilespmem:s12+$0x80]  }
0x12f: {  	v1 =	vmul.f32 v1, v7  }
0x130: {  	s18 =	simm.s32 $0x7900;
	v2 =	vmul.f32 v2, v5  }
0x131: {  	v3 =	vmul.f32 v3, v6;
	[tilespmem:s18+$0x0] =	vst v1  }
0x132: {  	[tilespmem:s18+$0xFFFFFF00] =	vst v2;
	v1 =	vld [tilespmem:s12+$0x10]  }
0x133: {  	[tilespmem:s18+$0xFFFFFF80] =	vst v3;
	v2 =	vld [tilespmem:s12+$0xFFFFFF10];
	v0 =	vmul.f32 v0, v4  }
0x134: {  	v3 =	vld [tilespmem:s12+$0xFFFFFF90]  }
0x135: {  	[tilespmem:s18+$0x80] =	vst v0  }
0x136: {  	v0 =	vld [tilespmem:s12+$0x90]  }
0x137: {  	v1 =	vmul.f32 v1, v7  }
0x138: {  	v2 =	vmul.f32 v2, v5  }
0x139: {  	v3 =	vmul.f32 v3, v6;
	[tilespmem:s18+$0x10] =	vst v1  }
0x13a: {  	[tilespmem:s18+$0xFFFFFF10] =	vst v2;
	v1 =	vld [tilespmem:s12+$0x20]  }
0x13b: {  	[tilespmem:s18+$0xFFFFFF90] =	vst v3;
	v2 =	vld [tilespmem:s12+$0xFFFFFF20];
	v0 =	vmul.f32 v0, v4  }
0x13c: {  	v3 =	vld [tilespmem:s12+$0xFFFFFFA0]  }
0x13d: {  	[tilespmem:s18+$0x90] =	vst v0  }
0x13e: {  	v0 =	vld [tilespmem:s12+$0xA0]  }
0x13f: {  	s15 =	simm.s32 $0x4;
	v1 =	vmul.f32 v1, v7  }
0x140: {  	v8 =	vmov s15;
	s24 =	simm.s32 $0x5;
	v2 =	vmul.f32 v2, v5  }
0x141: {  	v8 =	vand.u32 $0xFFFFFFFC, v8;
	v9 =	vmov s24;
	s26 =	simm.s32 $0x7;
	v3 =	vmul.f32 v3, v6;
	[tilespmem:s18+$0x20] =	vst v1  }
0x142: {  	v8 =	vbroadcast v8, $0x0;
	v9 =	vand.u32 $0xFFFFFFFD, v9;
	v1 =	vmov s26;
	[tilespmem:s18+$0xFFFFFF20] =	vst v2;
	v2 =	vld [tilespmem:s12+$0x30]  }
0x143: {  	v9 =	vbroadcast v9, $0x0;
	[tilespmem:s18+$0xFFFFFFA0] =	vst v3;
	v10 =	vld [tilespmem:s12+$0xFFFFFF30];
	v0 =	vmul.f32 v0, v4  }
0x144: {  	v11 =	vld [tilespmem:s12+$0xFFFFFFB0]  }
0x145: {  	s15 =	simm.s32 $0x6;
	[tilespmem:s18+$0xA0] =	vst v0  }
0x146: {  	v0 =	vmov s15;
	v12 =	vld [tilespmem:s12+$0xB0]  }
0x147: {  	v3 =	vand.u32 $0xFFFFFFFE, v0;
	v0 =	vld.idx.msk [tilespmem:v1+s21+$0x0], $0xffff;
	v2 =	vmul.f32 v2, v7  }
0x148: {  	v1 =	vld.idx.msk [tilespmem:v8+s21+$0x0], $0xffff;
	v8 =	vmul.f32 v10, v5;
	v13 =	vbroadcast v3, $0x0  }
0x149: {  	v3 =	vld.idx.msk [tilespmem:v9+s21+$0x0], $0xffff;
	v9 =	vmul.f32 v11, v6;
	[tilespmem:s18+$0x30] =	vst v2  }
0x14a: {  	s7 =	simm.s32 $0x1B00;
	[tilespmem:s18+$0xFFFFFF30] =	vst v8;
	v8 =	vld [tilespmem:s12+$0x40]  }
0x14b: {  	v11 =	vld [tilespmem:s7+$0x0];
	[tilespmem:s18+$0xFFFFFFB0] =	vst v9  }
0x14c: {  	v9 =	vld [tilespmem:s12+$0xFFFFFFC0]  }
0x14d: {  	v10 =	vld [tilespmem:s12+$0xFFFFFF40]  }
0x14e: {  	v2 =	vld.idx.msk [tilespmem:v13+s21+$0x0], $0xffff  }
0x14f: {  	v13 =	vld [tilespmem:s7+$0xFFFFFF00];
	v8 =	vmul.f32 v8, v7  }
0x150: {  	v14 =	vld [tilespmem:s7+$0xFFFFFF80];
	v12 =	vmul.f32 v12, v4  }
0x151: {  	v15 =	vld [tilespmem:s7+$0x80];
	v9 =	vmul.f32 v9, v6;
	[tilespmem:s18+$0x40] =	vst v8  }
0x152: {  	[tilespmem:s18+$0xB0] =	vst v12;
	v8 =	vmul.f32 v10, v5;
	v10 =	vld [tilespmem:s12+$0x50]  }
0x153: {  	[tilespmem:s18+$0xFFFFFFC0] =	vst v9;
	v9 =	vld [tilespmem:s12+$0xC0];
	v11 =	vmul.f32 v11, v2  }
0x154: {  	s15 =	simm.s32 $0x7B00;
	[tilespmem:s18+$0xFFFFFF40] =	vst v8;
	v8 =	vmul.f32 v13, v1;
	v12 =	vld [tilespmem:s12+$0xFFFFFFD0]  }
0x155: {  	v13 =	vmul.f32 v14, v3;
	[tilespmem:s15+$0x0] =	vst v11;
	v11 =	vld [tilespmem:s12+$0xFFFFFF50]  }
0x156: {  	v14 =	vmul.f32 v15, v0;
	[tilespmem:s15+$0xFFFFFF00] =	vst v8;
	v8 =	vld [tilespmem:s7+$0x10]  }
0x157: {  	[tilespmem:s15+$0xFFFFFF80] =	vst v13;
	v15 =	vld [tilespmem:s7+$0xFFFFFF10];
	v10 =	vmul.f32 v10, v7  }
0x158: {  	[tilespmem:s15+$0x80] =	vst v14;
	v13 =	vld [tilespmem:s7+$0xFFFFFF90];
	v9 =	vmul.f32 v9, v4  }
0x159: {  	v14 =	vld [tilespmem:s7+$0x90];
	v12 =	vmul.f32 v12, v6;
	[tilespmem:s18+$0x50] =	vst v10  }
0x15a: {  	[tilespmem:s18+$0xC0] =	vst v9;
	v10 =	vmul.f32 v11, v5;
	v11 =	vld [tilespmem:s12+$0x60]  }
0x15b: {  	[tilespmem:s18+$0xFFFFFFD0] =	vst v12;
	v9 =	vld [tilespmem:s12+$0xD0];
	v8 =	vmul.f32 v8, v2  }
0x15c: {  	v12 =	vmul.f32 v15, v1;
	[tilespmem:s18+$0xFFFFFF50] =	vst v10;
	v10 =	vld [tilespmem:s12+$0xFFFFFFE0]  }
0x15d: {  	v13 =	vmul.f32 v13, v3;
	[tilespmem:s15+$0x10] =	vst v8;
	v8 =	vld [tilespmem:s12+$0xFFFFFF60]  }
0x15e: {  	v14 =	vmul.f32 v14, v0;
	[tilespmem:s15+$0xFFFFFF10] =	vst v12;
	v12 =	vld [tilespmem:s7+$0x20]  }
0x15f: {  	[tilespmem:s15+$0xFFFFFF90] =	vst v13;
	v15 =	vld [tilespmem:s7+$0xFFFFFF20];
	v11 =	vmul.f32 v11, v7  }
0x160: {  	[tilespmem:s15+$0x90] =	vst v14;
	v9 =	vmul.f32 v9, v4  }
0x161: {  	v16 =	vld [tilespmem:s7+$0xFFFFFFA0];
	v10 =	vmul.f32 v10, v6;
	[tilespmem:s18+$0x60] =	vst v11  }
0x162: {  	v17 =	vld [tilespmem:s7+$0xA0];
	[tilespmem:s18+$0xD0] =	vst v9;
	v8 =	vmul.f32 v8, v5  }
0x163: {  	v18 =	vld [tilespmem:s12+$0x70];
	v9 =	vmul.f32 v12, v2;
	[tilespmem:s18+$0xFFFFFFE0] =	vst v10  }
0x164: {  	s24 =	simm.s32 $0x8;
	s26 =	simm.s32 $0x9;
	v19 =	vld [tilespmem:s12+$0xE0];
	v10 =	vmul.f32 v15, v1;
	[tilespmem:s18+$0xFFFFFF60] =	vst v8  }
0x165: {  	v11 =	vmov s26;
	s26 =	simm.s32 $0xB;
	v13 =	vld [tilespmem:s12+$0xFFFFFFF0];
	v8 =	vmov s24;
	[tilespmem:s15+$0x20] =	vst v9  }
0x166: {  	v12 =	vmul.f32 v16, v3;
	v14 =	vld [tilespmem:s12+$0xFFFFFF70];
	v8 =	vand.u32 $0xFFFFFFFC, v8;
	[tilespmem:s15+$0xFFFFFF20] =	vst v10;
	v10 =	vmov s26  }
0x167: {  	v16 =	vmul.f32 v17, v0;
	v9 =	vand.u32 $0xFFFFFFFD, v11;
	v15 =	vld [tilespmem:s7+$0x30];
	v8 =	vbroadcast v8, $0x0  }
0x168: {  	[tilespmem:s15+$0xFFFFFFA0] =	vst v12;
	v9 =	vbroadcast v9, $0x0;
	v11 =	vld [tilespmem:s7+$0xFFFFFF30];
	v17 =	vmul.f32 v18, v7  }
0x169: {  	s13 =	simm.s32 $0xC;
	s24 =	simm.s32 $0xA;
	[tilespmem:s15+$0xA0] =	vst v16;
	v12 =	vld [tilespmem:s7+$0xFFFFFFB0];
	v16 =	vmul.f32 v19, v4  }
.LBB2_5:
0x16a: {  	p1 =	slt.u32 s13, $0x2C;
	v7 =	vmov s24;
	v18 =	vld [tilespmem:s7+$0xB0];
	v13 =	vmul.f32 v13, v6;
	[tilespmem:s18+$0x70] =	vst v17;
	v6 =	vmov v3  }
0x16b: {  	v3 =	vand.u32 $0xFFFFFFFE, v7;
	v7 =	vld.idx.msk [tilespmem:v10+s21+$0x0], $0xffff;
	v10 =	vmul.f32 v14, v5;
	[tilespmem:s18+$0xE0] =	vst v16;
	v5 =	vmov v1  }
0x16c: {  	v14 =	vbroadcast v3, $0x0;
	v15 =	vmul.f32 v15, v2;
	[tilespmem:s18+$0xFFFFFFF0] =	vst v13;
	v13 =	vld [tilespmem:s12+$0xF0];
	s12 =	smov.u32 s7  }
0x16d: {  	v1 =	vld.idx.msk [tilespmem:v8+s21+$0x0], $0xffff;
	v8 =	vmul.f32 v11, v5;
	[tilespmem:s18+$0xFFFFFF70] =	vst v10  }
0x16e: {  	v3 =	vld.idx.msk [tilespmem:v9+s21+$0x0], $0xffff;
	v9 =	vmul.f32 v12, v6;
	[tilespmem:s15+$0x30] =	vst v15  }
0x16f: {  	[tilespmem:s15+$0xFFFFFF30] =	vst v8;
	v8 =	vld [tilespmem:s7+$0x40];
	v10 =	vmul.f32 v18, v0  }
0x170: {  	v11 =	vld [tilespmem:s7+$0xFFFFFF40];
	[tilespmem:s15+$0xFFFFFFB0] =	vst v9  }
0x171: {  	v9 =	vld [tilespmem:s7+$0xFFFFFFC0];
	[tilespmem:s15+$0xB0] =	vst v10;
	v10 =	vmul.f32 v13, v4;
	v4 =	vmov v0;
	v0 =	vmov v7  }
0x172: {  	s7 =	sadd.s32 $0x200, s7;
	v7 =	vld.idx.msk [tilespmem:v14+s21+$0x0], $0xffff  }
0x173: {  	v12 =	vld [tilespmem:s7+$0x0];
	[tilespmem:s18+$0xF0] =	vst v10;
	s18 =	smov.u32 s15  }
0x174: {  	v10 =	vld [tilespmem:s7+$0xFFFFFF00];
	v8 =	vmul.f32 v8, v2  }
0x175: {  	v13 =	vld [tilespmem:s7+$0xFFFFFF80];
	v11 =	vmul.f32 v11, v5  }
0x176: {  	v14 =	vld [tilespmem:s7+$0x80];
	v9 =	vmul.f32 v9, v6;
	[tilespmem:s15+$0x40] =	vst v8  }
0x177: {  	[tilespmem:s15+$0xFFFFFF40] =	vst v11;
	v8 =	vld [tilespmem:s12+$0x50]  }
0x178: {  	v11 =	vmul.f32 v12, v7;
	[tilespmem:s15+$0xFFFFFFC0] =	vst v9;
	v9 =	vld [tilespmem:s12+$0xC0]  }
0x179: {  	s15 =	sadd.s32 $0x200, s15;
	v10 =	vmul.f32 v10, v1;
	v12 =	vld [tilespmem:s12+$0xFFFFFFD0]  }
0x17a: {  	v13 =	vmul.f32 v13, v3;
	[tilespmem:s15+$0x0] =	vst v11;
	v11 =	vld [tilespmem:s12+$0xFFFFFF50]  }
0x17b: {  	[tilespmem:s15+$0xFFFFFF00] =	vst v10;
	v10 =	vld [tilespmem:s7+$0x10];
	v14 =	vmul.f32 v14, v0  }
0x17c: {  	v15 =	vld [tilespmem:s7+$0xFFFFFF10];
	[tilespmem:s15+$0xFFFFFF80] =	vst v13;
	v8 =	vmul.f32 v8, v2  }
0x17d: {  	v13 =	vld [tilespmem:s7+$0xFFFFFF90];
	[tilespmem:s15+$0x80] =	vst v14;
	v9 =	vmul.f32 v9, v4  }
0x17e: {  	v14 =	vld [tilespmem:s7+$0x90];
	v12 =	vmul.f32 v12, v6;
	[tilespmem:s18+$0x50] =	vst v8  }
0x17f: {  	v8 =	vmul.f32 v11, v5;
	v11 =	vld [tilespmem:s12+$0x60];
	[tilespmem:s18+$0xC0] =	vst v9  }
0x180: {  	v9 =	vmul.f32 v10, v7;
	[tilespmem:s18+$0xFFFFFFD0] =	vst v12;
	v10 =	vld [tilespmem:s12+$0xD0]  }
0x181: {  	v12 =	vmul.f32 v15, v1;
	[tilespmem:s18+$0xFFFFFF50] =	vst v8;
	v8 =	vld [tilespmem:s12+$0xFFFFFFE0]  }
0x182: {  	v13 =	vmul.f32 v13, v3;
	[tilespmem:s15+$0x10] =	vst v9;
	v9 =	vld [tilespmem:s12+$0xFFFFFF60]  }
0x183: {  	[tilespmem:s15+$0xFFFFFF10] =	vst v12;
	v12 =	vld [tilespmem:s7+$0x20];
	v14 =	vmul.f32 v14, v0  }
0x184: {  	v15 =	vld [tilespmem:s7+$0xFFFFFF20];
	[tilespmem:s15+$0xFFFFFF90] =	vst v13;
	v11 =	vmul.f32 v11, v2  }
0x185: {  	v16 =	vld [tilespmem:s7+$0xFFFFFFA0];
	[tilespmem:s15+$0x90] =	vst v14;
	v10 =	vmul.f32 v10, v4  }
0x186: {  	v17 =	vld [tilespmem:s7+$0xA0];
	v8 =	vmul.f32 v8, v6;
	[tilespmem:s18+$0x60] =	vst v11  }
0x187: {  	v9 =	vmul.f32 v9, v5;
	v18 =	vld [tilespmem:s12+$0x70];
	[tilespmem:s18+$0xD0] =	vst v10  }
0x188: {  	s24 =	sadd.s32 $0x3, s13;
	v11 =	vmul.f32 v12, v7;
	[tilespmem:s18+$0xFFFFFFE0] =	vst v8;
	v19 =	vld [tilespmem:s12+$0xE0]  }
.Ltmp1:
0x189: {  	s26 =	sadd.s32 $0x1, s13;
	v10 =	vmov s24;
	v8 =	vmov s13;
	v12 =	vmul.f32 v15, v1;
	[tilespmem:s18+$0xFFFFFF60] =	vst v9;
	v13 =	vld [tilespmem:s12+$0xFFFFFFF0];
	(pc) =	sbr.rel @p1 .LBB2_5-.Ltmp1, $4  }
0x18a: {  	v8 =	vand.u32 $0xFFFFFFFC, v8;
	v9 =	vmov s26;
	v16 =	vmul.f32 v16, v3;
	[tilespmem:s15+$0x20] =	vst v11;
	v14 =	vld [tilespmem:s12+$0xFFFFFF70]  }
0x18b: {  	v8 =	vbroadcast v8, $0x0;
	v9 =	vand.u32 $0xFFFFFFFD, v9;
	[tilespmem:s15+$0xFFFFFF20] =	vst v12;
	v15 =	vld [tilespmem:s7+$0x30];
	v20 =	vmul.f32 v17, v0  }
0x18c: {  	v9 =	vbroadcast v9, $0x0;
	v11 =	vld [tilespmem:s7+$0xFFFFFF30];
	[tilespmem:s15+$0xFFFFFFA0] =	vst v16;
	v17 =	vmul.f32 v18, v2;
	v2 =	vmov v7  }
0x18d: {  	s24 =	sadd.s32 $0x2, s13;
	s13 =	sadd.s32 $0x4, s13;
	v12 =	vld [tilespmem:s7+$0xFFFFFFB0];
	[tilespmem:s15+$0xA0] =	vst v20;
	v16 =	vmul.f32 v19, v4  }
0x18e: {  	v7 =	vmov s24  }
0x18f: {  	v7 =	vand.u32 $0xFFFFFFFE, v7  }
0x190: {  	v18 =	vbroadcast v7, $0x0;
	_ =	sdelay $0x2  }
0x191: {  	v8 =	vld.idx.msk [tilespmem:v8+s21+$0x0], $0xffff  }
0x192: {  	v9 =	vld.idx.msk [tilespmem:v9+s21+$0x0], $0xffff  }
0x193: {  	v7 =	vld.idx.msk [tilespmem:v10+s21+$0x0], $0xffff  }
0x194: {  	s26 =	sadd.s32 $0x200, s7;
	v10 =	vld.idx.msk [tilespmem:v18+s21+$0x0], $0xffff  }
0x195: {  	v18 =	vld [tilespmem:s26+$0x0]  }
0x196: {  	v19 =	vld [tilespmem:s26+$0xFFFFFF80]  }
0x197: {  	v20 =	vld [tilespmem:s26+$0xFFFFFF00]  }
0x198: {  	v21 =	vld [tilespmem:s26+$0x80];
	_ =	sdelay $0x1  }
0x199: {  	v18 =	vmul.f32 v18, v10  }
0x19a: {  	s13 =	sadd.s32 $0x200, s15;
	v19 =	vmul.f32 v19, v9  }
0x19b: {  	v20 =	vmul.f32 v20, v8;
	[tilespmem:s13+$0x0] =	vst v18  }
0x19c: {  	v21 =	vmul.f32 v21, v7;
	[tilespmem:s13+$0xFFFFFF80] =	vst v19;
	v18 =	vld [tilespmem:s26+$0x10]  }
0x19d: {  	[tilespmem:s13+$0xFFFFFF00] =	vst v20;
	v19 =	vld [tilespmem:s26+$0xFFFFFF90]  }
0x19e: {  	v20 =	vld [tilespmem:s26+$0xFFFFFF10];
	[tilespmem:s13+$0x80] =	vst v21  }
0x19f: {  	v21 =	vld [tilespmem:s26+$0x90];
	_ =	sdelay $0x1  }
0x1a0: {  	v18 =	vmul.f32 v18, v10  }
0x1a1: {  	[tilespmem:s18+$0x70] =	vst v17;
	v17 =	vmul.f32 v19, v9  }
0x1a2: {  	[tilespmem:s13+$0x10] =	vst v18;
	v18 =	vmul.f32 v20, v8  }
0x1a3: {  	v19 =	vmul.f32 v21, v7;
	[tilespmem:s13+$0xFFFFFF90] =	vst v17;
	v17 =	vld [tilespmem:s26+$0x20]  }
0x1a4: {  	[tilespmem:s13+$0xFFFFFF10] =	vst v18;
	v18 =	vld [tilespmem:s26+$0xFFFFFFA0]  }
0x1a5: {  	v6 =	vmul.f32 v13, v6;
	[tilespmem:s13+$0x90] =	vst v19;
	v13 =	vld [tilespmem:s26+$0xFFFFFF20]  }
0x1a6: {  	v5 =	vmul.f32 v14, v5;
	[tilespmem:s18+$0xE0] =	vst v16;
	v14 =	vld [tilespmem:s26+$0xA0]  }
0x1a7: {  	v15 =	vmul.f32 v15, v2;
	[tilespmem:s18+$0xFFFFFFF0] =	vst v6  }
0x1a8: {  	[tilespmem:s18+$0xFFFFFF70] =	vst v5;
	v5 =	vmul.f32 v17, v10  }
0x1a9: {  	v6 =	vld [tilespmem:s7+$0xB0];
	[tilespmem:s15+$0x30] =	vst v15;
	v15 =	vmul.f32 v18, v9  }
0x1aa: {  	v16 =	vld [tilespmem:s12+$0xF0];
	v13 =	vmul.f32 v13, v8;
	[tilespmem:s13+$0x20] =	vst v5  }
0x1ab: {  	v14 =	vmul.f32 v14, v7;
	v5 =	vld [tilespmem:s26+$0x30];
	[tilespmem:s13+$0xFFFFFFA0] =	vst v15  }
0x1ac: {  	v11 =	vmul.f32 v11, v1;
	[tilespmem:s13+$0xFFFFFF20] =	vst v13;
	v13 =	vld [tilespmem:s26+$0xFFFFFFB0]  }
0x1ad: {  	v12 =	vmul.f32 v12, v3;
	[tilespmem:s13+$0xA0] =	vst v14;
	v15 =	vld [tilespmem:s26+$0xFFFFFF30]  }
0x1ae: {  	[tilespmem:s15+$0xFFFFFF30] =	vst v11;
	v6 =	vmul.f32 v6, v0;
	v11 =	vld [tilespmem:s26+$0xB0]  }
0x1af: {  	[tilespmem:s15+$0xFFFFFFB0] =	vst v12;
	v4 =	vmul.f32 v16, v4;
	v14 =	vld [tilespmem:s7+$0x40]  }
0x1b0: {  	v12 =	vld [tilespmem:s7+$0xFFFFFFC0];
	[tilespmem:s15+$0xB0] =	vst v6;
	v5 =	vmul.f32 v5, v10  }
0x1b1: {  	v6 =	vld [tilespmem:s7+$0xFFFFFF40];
	[tilespmem:s18+$0xF0] =	vst v4;
	v4 =	vmul.f32 v13, v9  }
0x1b2: {  	v13 =	vld [tilespmem:s7+$0xC0];
	v15 =	vmul.f32 v15, v8;
	[tilespmem:s13+$0x30] =	vst v5  }
0x1b3: {  	v11 =	vmul.f32 v11, v7;
	v5 =	vld [tilespmem:s26+$0x40];
	[tilespmem:s13+$0xFFFFFFB0] =	vst v4  }
0x1b4: {  	v4 =	vmul.f32 v14, v2;
	[tilespmem:s13+$0xFFFFFF30] =	vst v15;
	v14 =	vld [tilespmem:s26+$0xFFFFFFC0]  }
0x1b5: {  	v12 =	vmul.f32 v12, v3;
	[tilespmem:s13+$0xB0] =	vst v11;
	v15 =	vld [tilespmem:s26+$0xFFFFFF40]  }
0x1b6: {  	v6 =	vmul.f32 v6, v1;
	[tilespmem:s15+$0x40] =	vst v4;
	v4 =	vld [tilespmem:s26+$0xC0]  }
0x1b7: {  	[tilespmem:s15+$0xFFFFFFC0] =	vst v12;
	v11 =	vld [tilespmem:s7+$0x50];
	v12 =	vmul.f32 v13, v0  }
0x1b8: {  	[tilespmem:s15+$0xFFFFFF40] =	vst v6;
	v6 =	vld [tilespmem:s7+$0xFFFFFFD0];
	v5 =	vmul.f32 v5, v10  }
0x1b9: {  	v13 =	vld [tilespmem:s7+$0xFFFFFF50];
	[tilespmem:s15+$0xC0] =	vst v12;
	v12 =	vmul.f32 v14, v9  }
0x1ba: {  	v14 =	vld [tilespmem:s7+$0xD0];
	v15 =	vmul.f32 v15, v8;
	[tilespmem:s13+$0x40] =	vst v5  }
0x1bb: {  	v4 =	vmul.f32 v4, v7;
	v5 =	vld [tilespmem:s26+$0x50];
	[tilespmem:s13+$0xFFFFFFC0] =	vst v12  }
0x1bc: {  	v11 =	vmul.f32 v11, v2;
	[tilespmem:s13+$0xFFFFFF40] =	vst v15;
	v12 =	vld [tilespmem:s26+$0xFFFFFFD0]  }
0x1bd: {  	v6 =	vmul.f32 v6, v3;
	[tilespmem:s13+$0xC0] =	vst v4;
	v15 =	vld [tilespmem:s26+$0xFFFFFF50]  }
0x1be: {  	v4 =	vmul.f32 v13, v1;
	[tilespmem:s15+$0x50] =	vst v11;
	v11 =	vld [tilespmem:s26+$0xD0]  }
0x1bf: {  	[tilespmem:s15+$0xFFFFFFD0] =	vst v6;
	v13 =	vld [tilespmem:s7+$0x60];
	v6 =	vmul.f32 v14, v0  }
0x1c0: {  	[tilespmem:s15+$0xFFFFFF50] =	vst v4;
	v4 =	vld [tilespmem:s7+$0xFFFFFFE0];
	v5 =	vmul.f32 v5, v10  }
0x1c1: {  	v14 =	vld [tilespmem:s7+$0xFFFFFF60];
	[tilespmem:s15+$0xD0] =	vst v6;
	v6 =	vmul.f32 v12, v9  }
0x1c2: {  	v12 =	vld [tilespmem:s7+$0xE0];
	[tilespmem:s13+$0x50] =	vst v5;
	v5 =	vmul.f32 v15, v8  }
0x1c3: {  	v15 =	vld [tilespmem:s26+$0x60];
	[tilespmem:s13+$0xFFFFFFD0] =	vst v6;
	v6 =	vmul.f32 v11, v7  }
0x1c4: {  	v11 =	vmul.f32 v13, v2;
	[tilespmem:s13+$0xFFFFFF50] =	vst v5;
	v5 =	vld [tilespmem:s26+$0xFFFFFFE0]  }
0x1c5: {  	v4 =	vmul.f32 v4, v3;
	v13 =	vld [tilespmem:s26+$0xFFFFFF60];
	[tilespmem:s13+$0xD0] =	vst v6  }
0x1c6: {  	[tilespmem:s15+$0x60] =	vst v11;
	v6 =	vmul.f32 v14, v1;
	v11 =	vld [tilespmem:s26+$0xE0]  }
0x1c7: {  	[tilespmem:s15+$0xFFFFFFE0] =	vst v4;
	v14 =	vld [tilespmem:s7+$0x70];
	v4 =	vmul.f32 v12, v0  }
0x1c8: {  	[tilespmem:s15+$0xFFFFFF60] =	vst v6;
	v6 =	vld [tilespmem:s7+$0xFFFFFFF0];
	v12 =	vmul.f32 v15, v10  }
0x1c9: {  	v15 =	vld [tilespmem:s7+$0xFFFFFF70];
	[tilespmem:s15+$0xE0] =	vst v4;
	v4 =	vmul.f32 v5, v9  }
0x1ca: {  	v5 =	vld [tilespmem:s7+$0xF0];
	[tilespmem:s13+$0x60] =	vst v12;
	v12 =	vmul.f32 v13, v8  }
0x1cb: {  	v13 =	vld [tilespmem:s26+$0x70];
	[tilespmem:s13+$0xFFFFFFE0] =	vst v4;
	v4 =	vmul.f32 v11, v7  }
0x1cc: {  	v2 =	vmul.f32 v14, v2;
	[tilespmem:s13+$0xFFFFFF60] =	vst v12;
	v11 =	vld [tilespmem:s26+$0xFFFFFFF0]  }
0x1cd: {  	v3 =	vmul.f32 v6, v3;
	v6 =	vld [tilespmem:s26+$0xFFFFFF70];
	[tilespmem:s13+$0xE0] =	vst v4  }
0x1ce: {  	[tilespmem:s15+$0x70] =	vst v2;
	v1 =	vmul.f32 v15, v1;
	v2 =	vld [tilespmem:s26+$0xF0]  }
0x1cf: {  	[tilespmem:s15+$0xFFFFFFF0] =	vst v3;
	v0 =	vmul.f32 v5, v0  }
0x1d0: {  	[tilespmem:s15+$0xFFFFFF70] =	vst v1;
	v1 =	vmul.f32 v13, v10  }
0x1d1: {  	[tilespmem:s15+$0xF0] =	vst v0;
	v0 =	vmul.f32 v11, v9  }
0x1d2: {  	[tilespmem:s13+$0x70] =	vst v1;
	v1 =	vmul.f32 v6, v8  }
0x1d3: {  	[tilespmem:s13+$0xFFFFFFF0] =	vst v0;
	v0 =	vmul.f32 v2, v7  }
0x1d4: {  	[tilespmem:s13+$0xFFFFFF70] =	vst v1  }
0x1d5: {  	s24 =	simm.s32 $0xC280;
	s26 =	simm.s32 $0x7800;
	[tilespmem:s13+$0xF0] =	vst v0  }
0x1d6: {  	[spmem:s5] =	stream.indirect.scatter.add.f32 [tilespmem:s26], [sflag:$0x6], $0x80, s24, s2, $0xb8;
	[tilespmem:$0x1FD00] =	vst v63  }
0x1d7: {  	_ =	swait.ge [sflag:s10], $0x1800  }
0x1d8: {  	[sflag:s10] =	ssyncset.done $0x0  }
0x1d9: {  	[sflag:s10] =	ssyncadd.s32 $0xFFFFE800  }
0x1da: {  	_ =	swait.ge [sflag:s16], $0x1800  }
0x1db: {  	s7 =	sld [smem:$0x7FB];
	_ =	sdelay $0x1  }
0x1dc: {  	p1 =	seq.s32 s8, $0x33  }
0x1dd: {  	s7 =	sadd.s32 @!p1 s14, s7  }
0x1de: {  	s13 =	simm.s32 @!p1 $0x0;
	[sflag:s16] =	ssyncset.done $0x0;
	s12 =	sshll.u32 @!p1 s7, $0x4  }
0x1df: {  	[sflag:s16] =	ssyncadd.s32 $0xFFFFE800;
	s7 =	sshrl.u32 @!p1 s7, $0x3;
	s12 =	sadd.s32 @!p1 s0, s12  }
0x1e0: {  	[tilespmem:s13], [sflag:$0x1] =	stream.linear.gather @!p1 [hbm4b:s12+s13], $0x1800, $0x38;
	[tilespmem:$0x1FD00] =	vst v63  }
0x1e1: {  	s15 =	simm.s32 @!p1 $0xC000;
	s12 =	sadd.s32 @!p1 s1, s7  }
0x1e2: {  	[tilespmem:s15], [sflag:$0x1] =	stream.linear.gather @!p1 [hbm4b:s12+s13], $0x30, $0x38;
	[tilespmem:$0x1FD00] =	vst v63  }
0x1e3: {  	s7 =	sadd.s32 @!p1 s3, s7;
	s12 =	simm.s32 @!p1 $0xC200  }
0x1e4: {  	[tilespmem:s12], [sflag:$0x1] =	stream.linear.gather @!p1 [hbm4b:s7+s13], $0x30, $0x38;
	[tilespmem:$0x1FD00] =	vst v63  }
0x1e5: {  	_ =	swait.ge [sflag:s11], $0x1800  }
0x1e6: {  	[sflag:s11] =	ssyncset.done $0x0  }
0x1e7: {  	[sflag:s11] =	ssyncadd.s32 $0xFFFFE800  }
0x1e8: {  	s13 =	simm.s32 $0x0;
	_ =	swait.ge [sflag:s11], $0x30  }
0x1e9: {  	s15 =	simm.s32 $0x1;
	v0 =	vmov s13;
	[sflag:s11] =	ssyncset.done $0x0  }
0x1ea: {  	s18 =	simm.s32 $0x2;
	v1 =	vmov s15;
	v0 =	vand.u32 $0xFFFFFFFC, v0;
	[sflag:s11] =	ssyncadd.s32 $0xFFFFFFD0  }
0x1eb: {  	v2 =	vmov s18;
	v1 =	vand.u32 $0xFFFFFFFD, v1;
	v0 =	vbroadcast v0, $0x0;
	_ =	swait.ge [sflag:s11], $0x30  }
0x1ec: {  	v2 =	vand.u32 $0xFFFFFFFE, v2;
	v1 =	vbroadcast v1, $0x0;
	s24 =	rddreg [dreg:$0x13]  }
0x1ed: {  	v2 =	vbroadcast v2, $0x0;
	s12 =	sadd.s32 s14, s24  }
0x1ee: {  	[sflag:s11] =	ssyncset.done $0x0;
	s12 =	sshll.u32 s12, $0x4  }
0x1ef: {  	s26 =	simm.s32 $0x3000;
	[sflag:s11] =	ssyncadd.s32 $0xFFFFFFD0;
	s12 =	sadd.s32 s4, s12  }
0x1f0: {  	[hbm4b:s12+s13] =	stream.linear.scatter [tilespmem:s26], [sflag:$0xB], $0x1800, $0x38;
	[tilespmem:$0x1FD00] =	vst v63  }
0x1f1: {  	s13 =	simm.s32 $0x3;
	v5 =	vld.idx.msk [tilespmem:v0+s25+$0x0], $0xffff  }
0x1f2: {  	v0 =	vmov s13;
	v6 =	vld.idx.msk [tilespmem:v1+s25+$0x0], $0xffff  }
0x1f3: {  	s12 =	simm.s32 $0x3100;
	v7 =	vld.idx.msk [tilespmem:v2+s25+$0x0], $0xffff  }
0x1f4: {  	v1 =	vld [tilespmem:s12+$0x0]  }
0x1f5: {  	v2 =	vld [tilespmem:s12+$0xFFFFFF00]  }
0x1f6: {  	v3 =	vld [tilespmem:s12+$0xFFFFFF80]  }
0x1f7: {  	v4 =	vld.idx.msk [tilespmem:v0+s25+$0x0], $0xffff  }
0x1f8: {  	v0 =	vld [tilespmem:s12+$0x80]  }
0x1f9: {  	v1 =	vmul.f32 v1, v7  }
0x1fa: {  	s18 =	simm.s32 $0x9100;
	v2 =	vmul.f32 v2, v5  }
0x1fb: {  	v3 =	vmul.f32 v3, v6;
	[tilespmem:s18+$0x0] =	vst v1  }
0x1fc: {  	[tilespmem:s18+$0xFFFFFF00] =	vst v2;
	v1 =	vld [tilespmem:s12+$0x10]  }
0x1fd: {  	[tilespmem:s18+$0xFFFFFF80] =	vst v3;
	v2 =	vld [tilespmem:s12+$0xFFFFFF10];
	v0 =	vmul.f32 v0, v4  }
0x1fe: {  	v3 =	vld [tilespmem:s12+$0xFFFFFF90]  }
0x1ff: {  	[tilespmem:s18+$0x80] =	vst v0  }
0x200: {  	v0 =	vld [tilespmem:s12+$0x90]  }
0x201: {  	v1 =	vmul.f32 v1, v7  }
0x202: {  	v2 =	vmul.f32 v2, v5  }
0x203: {  	v3 =	vmul.f32 v3, v6;
	[tilespmem:s18+$0x10] =	vst v1  }
0x204: {  	[tilespmem:s18+$0xFFFFFF10] =	vst v2;
	v1 =	vld [tilespmem:s12+$0x20]  }
0x205: {  	[tilespmem:s18+$0xFFFFFF90] =	vst v3;
	v2 =	vld [tilespmem:s12+$0xFFFFFF20];
	v0 =	vmul.f32 v0, v4  }
0x206: {  	v3 =	vld [tilespmem:s12+$0xFFFFFFA0]  }
0x207: {  	[tilespmem:s18+$0x90] =	vst v0  }
0x208: {  	v0 =	vld [tilespmem:s12+$0xA0]  }
0x209: {  	s15 =	simm.s32 $0x4;
	v1 =	vmul.f32 v1, v7  }
0x20a: {  	v8 =	vmov s15;
	s24 =	simm.s32 $0x5;
	v2 =	vmul.f32 v2, v5  }
0x20b: {  	v8 =	vand.u32 $0xFFFFFFFC, v8;
	v9 =	vmov s24;
	s26 =	simm.s32 $0x7;
	v3 =	vmul.f32 v3, v6;
	[tilespmem:s18+$0x20] =	vst v1  }
0x20c: {  	v8 =	vbroadcast v8, $0x0;
	v9 =	vand.u32 $0xFFFFFFFD, v9;
	v1 =	vmov s26;
	[tilespmem:s18+$0xFFFFFF20] =	vst v2;
	v2 =	vld [tilespmem:s12+$0x30]  }
0x20d: {  	v9 =	vbroadcast v9, $0x0;
	[tilespmem:s18+$0xFFFFFFA0] =	vst v3;
	v10 =	vld [tilespmem:s12+$0xFFFFFF30];
	v0 =	vmul.f32 v0, v4  }
0x20e: {  	v11 =	vld [tilespmem:s12+$0xFFFFFFB0]  }
0x20f: {  	s15 =	simm.s32 $0x6;
	[tilespmem:s18+$0xA0] =	vst v0  }
0x210: {  	v0 =	vmov s15;
	v12 =	vld [tilespmem:s12+$0xB0]  }
0x211: {  	v3 =	vand.u32 $0xFFFFFFFE, v0;
	v0 =	vld.idx.msk [tilespmem:v1+s25+$0x0], $0xffff;
	v2 =	vmul.f32 v2, v7  }
0x212: {  	v1 =	vld.idx.msk [tilespmem:v8+s25+$0x0], $0xffff;
	v8 =	vmul.f32 v10, v5;
	v13 =	vbroadcast v3, $0x0  }
0x213: {  	v3 =	vld.idx.msk [tilespmem:v9+s25+$0x0], $0xffff;
	v9 =	vmul.f32 v11, v6;
	[tilespmem:s18+$0x30] =	vst v2  }
0x214: {  	s7 =	simm.s32 $0x3300;
	[tilespmem:s18+$0xFFFFFF30] =	vst v8;
	v8 =	vld [tilespmem:s12+$0x40]  }
0x215: {  	v11 =	vld [tilespmem:s7+$0x0];
	[tilespmem:s18+$0xFFFFFFB0] =	vst v9  }
0x216: {  	v9 =	vld [tilespmem:s12+$0xFFFFFFC0]  }
0x217: {  	v10 =	vld [tilespmem:s12+$0xFFFFFF40]  }
0x218: {  	v2 =	vld.idx.msk [tilespmem:v13+s25+$0x0], $0xffff  }
0x219: {  	v13 =	vld [tilespmem:s7+$0xFFFFFF00];
	v8 =	vmul.f32 v8, v7  }
0x21a: {  	v14 =	vld [tilespmem:s7+$0xFFFFFF80];
	v12 =	vmul.f32 v12, v4  }
0x21b: {  	v15 =	vld [tilespmem:s7+$0x80];
	v9 =	vmul.f32 v9, v6;
	[tilespmem:s18+$0x40] =	vst v8  }
0x21c: {  	[tilespmem:s18+$0xB0] =	vst v12;
	v8 =	vmul.f32 v10, v5;
	v10 =	vld [tilespmem:s12+$0x50]  }
0x21d: {  	[tilespmem:s18+$0xFFFFFFC0] =	vst v9;
	v9 =	vld [tilespmem:s12+$0xC0];
	v11 =	vmul.f32 v11, v2  }
0x21e: {  	s15 =	simm.s32 $0x9300;
	[tilespmem:s18+$0xFFFFFF40] =	vst v8;
	v8 =	vmul.f32 v13, v1;
	v12 =	vld [tilespmem:s12+$0xFFFFFFD0]  }
0x21f: {  	v13 =	vmul.f32 v14, v3;
	[tilespmem:s15+$0x0] =	vst v11;
	v11 =	vld [tilespmem:s12+$0xFFFFFF50]  }
0x220: {  	v14 =	vmul.f32 v15, v0;
	[tilespmem:s15+$0xFFFFFF00] =	vst v8;
	v8 =	vld [tilespmem:s7+$0x10]  }
0x221: {  	[tilespmem:s15+$0xFFFFFF80] =	vst v13;
	v15 =	vld [tilespmem:s7+$0xFFFFFF10];
	v10 =	vmul.f32 v10, v7  }
0x222: {  	[tilespmem:s15+$0x80] =	vst v14;
	v13 =	vld [tilespmem:s7+$0xFFFFFF90];
	v9 =	vmul.f32 v9, v4  }
0x223: {  	v14 =	vld [tilespmem:s7+$0x90];
	v12 =	vmul.f32 v12, v6;
	[tilespmem:s18+$0x50] =	vst v10  }
0x224: {  	[tilespmem:s18+$0xC0] =	vst v9;
	v10 =	vmul.f32 v11, v5;
	v11 =	vld [tilespmem:s12+$0x60]  }
0x225: {  	[tilespmem:s18+$0xFFFFFFD0] =	vst v12;
	v9 =	vld [tilespmem:s12+$0xD0];
	v8 =	vmul.f32 v8, v2  }
0x226: {  	v12 =	vmul.f32 v15, v1;
	[tilespmem:s18+$0xFFFFFF50] =	vst v10;
	v10 =	vld [tilespmem:s12+$0xFFFFFFE0]  }
0x227: {  	v13 =	vmul.f32 v13, v3;
	[tilespmem:s15+$0x10] =	vst v8;
	v8 =	vld [tilespmem:s12+$0xFFFFFF60]  }
0x228: {  	v14 =	vmul.f32 v14, v0;
	[tilespmem:s15+$0xFFFFFF10] =	vst v12;
	v12 =	vld [tilespmem:s7+$0x20]  }
0x229: {  	[tilespmem:s15+$0xFFFFFF90] =	vst v13;
	v15 =	vld [tilespmem:s7+$0xFFFFFF20];
	v11 =	vmul.f32 v11, v7  }
0x22a: {  	[tilespmem:s15+$0x90] =	vst v14;
	v9 =	vmul.f32 v9, v4  }
0x22b: {  	v16 =	vld [tilespmem:s7+$0xFFFFFFA0];
	v10 =	vmul.f32 v10, v6;
	[tilespmem:s18+$0x60] =	vst v11  }
0x22c: {  	v17 =	vld [tilespmem:s7+$0xA0];
	[tilespmem:s18+$0xD0] =	vst v9;
	v8 =	vmul.f32 v8, v5  }
0x22d: {  	v18 =	vld [tilespmem:s12+$0x70];
	v9 =	vmul.f32 v12, v2;
	[tilespmem:s18+$0xFFFFFFE0] =	vst v10  }
0x22e: {  	s24 =	simm.s32 $0x8;
	s26 =	simm.s32 $0x9;
	v19 =	vld [tilespmem:s12+$0xE0];
	v10 =	vmul.f32 v15, v1;
	[tilespmem:s18+$0xFFFFFF60] =	vst v8  }
0x22f: {  	v11 =	vmov s26;
	s26 =	simm.s32 $0xB;
	v13 =	vld [tilespmem:s12+$0xFFFFFFF0];
	v8 =	vmov s24;
	[tilespmem:s15+$0x20] =	vst v9  }
0x230: {  	v12 =	vmul.f32 v16, v3;
	v14 =	vld [tilespmem:s12+$0xFFFFFF70];
	v8 =	vand.u32 $0xFFFFFFFC, v8;
	[tilespmem:s15+$0xFFFFFF20] =	vst v10;
	v10 =	vmov s26  }
0x231: {  	v16 =	vmul.f32 v17, v0;
	v9 =	vand.u32 $0xFFFFFFFD, v11;
	v15 =	vld [tilespmem:s7+$0x30];
	v8 =	vbroadcast v8, $0x0  }
0x232: {  	[tilespmem:s15+$0xFFFFFFA0] =	vst v12;
	v9 =	vbroadcast v9, $0x0;
	v11 =	vld [tilespmem:s7+$0xFFFFFF30];
	v17 =	vmul.f32 v18, v7  }
0x233: {  	s13 =	simm.s32 $0xC;
	s24 =	simm.s32 $0xA;
	[tilespmem:s15+$0xA0] =	vst v16;
	v12 =	vld [tilespmem:s7+$0xFFFFFFB0];
	v16 =	vmul.f32 v19, v4  }
.LBB2_7:
0x234: {  	p2 =	slt.u32 s13, $0x2C;
	v7 =	vmov s24;
	v18 =	vld [tilespmem:s7+$0xB0];
	v13 =	vmul.f32 v13, v6;
	[tilespmem:s18+$0x70] =	vst v17;
	v6 =	vmov v3  }
0x235: {  	v3 =	vand.u32 $0xFFFFFFFE, v7;
	v7 =	vld.idx.msk [tilespmem:v10+s25+$0x0], $0xffff;
	v10 =	vmul.f32 v14, v5;
	[tilespmem:s18+$0xE0] =	vst v16;
	v5 =	vmov v1  }
0x236: {  	v14 =	vbroadcast v3, $0x0;
	v15 =	vmul.f32 v15, v2;
	[tilespmem:s18+$0xFFFFFFF0] =	vst v13;
	v13 =	vld [tilespmem:s12+$0xF0];
	s12 =	smov.u32 s7  }
0x237: {  	v1 =	vld.idx.msk [tilespmem:v8+s25+$0x0], $0xffff;
	v8 =	vmul.f32 v11, v5;
	[tilespmem:s18+$0xFFFFFF70] =	vst v10  }
0x238: {  	v3 =	vld.idx.msk [tilespmem:v9+s25+$0x0], $0xffff;
	v9 =	vmul.f32 v12, v6;
	[tilespmem:s15+$0x30] =	vst v15  }
0x239: {  	[tilespmem:s15+$0xFFFFFF30] =	vst v8;
	v8 =	vld [tilespmem:s7+$0x40];
	v10 =	vmul.f32 v18, v0  }
0x23a: {  	v11 =	vld [tilespmem:s7+$0xFFFFFF40];
	[tilespmem:s15+$0xFFFFFFB0] =	vst v9  }
0x23b: {  	v9 =	vld [tilespmem:s7+$0xFFFFFFC0];
	[tilespmem:s15+$0xB0] =	vst v10;
	v10 =	vmul.f32 v13, v4;
	v4 =	vmov v0;
	v0 =	vmov v7  }
0x23c: {  	s7 =	sadd.s32 $0x200, s7;
	v7 =	vld.idx.msk [tilespmem:v14+s25+$0x0], $0xffff  }
0x23d: {  	v12 =	vld [tilespmem:s7+$0x0];
	[tilespmem:s18+$0xF0] =	vst v10;
	s18 =	smov.u32 s15  }
0x23e: {  	v10 =	vld [tilespmem:s7+$0xFFFFFF00];
	v8 =	vmul.f32 v8, v2  }
0x23f: {  	v13 =	vld [tilespmem:s7+$0xFFFFFF80];
	v11 =	vmul.f32 v11, v5  }
0x240: {  	v14 =	vld [tilespmem:s7+$0x80];
	v9 =	vmul.f32 v9, v6;
	[tilespmem:s15+$0x40] =	vst v8  }
0x241: {  	[tilespmem:s15+$0xFFFFFF40] =	vst v11;
	v8 =	vld [tilespmem:s12+$0x50]  }
0x242: {  	v11 =	vmul.f32 v12, v7;
	[tilespmem:s15+$0xFFFFFFC0] =	vst v9;
	v9 =	vld [tilespmem:s12+$0xC0]  }
0x243: {  	s15 =	sadd.s32 $0x200, s15;
	v10 =	vmul.f32 v10, v1;
	v12 =	vld [tilespmem:s12+$0xFFFFFFD0]  }
0x244: {  	v13 =	vmul.f32 v13, v3;
	[tilespmem:s15+$0x0] =	vst v11;
	v11 =	vld [tilespmem:s12+$0xFFFFFF50]  }
0x245: {  	[tilespmem:s15+$0xFFFFFF00] =	vst v10;
	v10 =	vld [tilespmem:s7+$0x10];
	v14 =	vmul.f32 v14, v0  }
0x246: {  	v15 =	vld [tilespmem:s7+$0xFFFFFF10];
	[tilespmem:s15+$0xFFFFFF80] =	vst v13;
	v8 =	vmul.f32 v8, v2  }
0x247: {  	v13 =	vld [tilespmem:s7+$0xFFFFFF90];
	[tilespmem:s15+$0x80] =	vst v14;
	v9 =	vmul.f32 v9, v4  }
0x248: {  	v14 =	vld [tilespmem:s7+$0x90];
	v12 =	vmul.f32 v12, v6;
	[tilespmem:s18+$0x50] =	vst v8  }
0x249: {  	v8 =	vmul.f32 v11, v5;
	v11 =	vld [tilespmem:s12+$0x60];
	[tilespmem:s18+$0xC0] =	vst v9  }
0x24a: {  	v9 =	vmul.f32 v10, v7;
	[tilespmem:s18+$0xFFFFFFD0] =	vst v12;
	v10 =	vld [tilespmem:s12+$0xD0]  }
0x24b: {  	v12 =	vmul.f32 v15, v1;
	[tilespmem:s18+$0xFFFFFF50] =	vst v8;
	v8 =	vld [tilespmem:s12+$0xFFFFFFE0]  }
0x24c: {  	v13 =	vmul.f32 v13, v3;
	[tilespmem:s15+$0x10] =	vst v9;
	v9 =	vld [tilespmem:s12+$0xFFFFFF60]  }
0x24d: {  	[tilespmem:s15+$0xFFFFFF10] =	vst v12;
	v12 =	vld [tilespmem:s7+$0x20];
	v14 =	vmul.f32 v14, v0  }
0x24e: {  	v15 =	vld [tilespmem:s7+$0xFFFFFF20];
	[tilespmem:s15+$0xFFFFFF90] =	vst v13;
	v11 =	vmul.f32 v11, v2  }
0x24f: {  	v16 =	vld [tilespmem:s7+$0xFFFFFFA0];
	[tilespmem:s15+$0x90] =	vst v14;
	v10 =	vmul.f32 v10, v4  }
0x250: {  	v17 =	vld [tilespmem:s7+$0xA0];
	v8 =	vmul.f32 v8, v6;
	[tilespmem:s18+$0x60] =	vst v11  }
0x251: {  	v9 =	vmul.f32 v9, v5;
	v18 =	vld [tilespmem:s12+$0x70];
	[tilespmem:s18+$0xD0] =	vst v10  }
0x252: {  	s24 =	sadd.s32 $0x3, s13;
	v11 =	vmul.f32 v12, v7;
	[tilespmem:s18+$0xFFFFFFE0] =	vst v8;
	v19 =	vld [tilespmem:s12+$0xE0]  }
.Ltmp2:
0x253: {  	s26 =	sadd.s32 $0x1, s13;
	v10 =	vmov s24;
	v8 =	vmov s13;
	v12 =	vmul.f32 v15, v1;
	[tilespmem:s18+$0xFFFFFF60] =	vst v9;
	v13 =	vld [tilespmem:s12+$0xFFFFFFF0];
	(pc) =	sbr.rel @p2 .LBB2_7-.Ltmp2, $4  }
0x254: {  	v8 =	vand.u32 $0xFFFFFFFC, v8;
	v9 =	vmov s26;
	v16 =	vmul.f32 v16, v3;
	[tilespmem:s15+$0x20] =	vst v11;
	v14 =	vld [tilespmem:s12+$0xFFFFFF70]  }
0x255: {  	v8 =	vbroadcast v8, $0x0;
	v9 =	vand.u32 $0xFFFFFFFD, v9;
	[tilespmem:s15+$0xFFFFFF20] =	vst v12;
	v15 =	vld [tilespmem:s7+$0x30];
	v20 =	vmul.f32 v17, v0  }
0x256: {  	v9 =	vbroadcast v9, $0x0;
	v11 =	vld [tilespmem:s7+$0xFFFFFF30];
	[tilespmem:s15+$0xFFFFFFA0] =	vst v16;
	v17 =	vmul.f32 v18, v2;
	v2 =	vmov v7  }
0x257: {  	s24 =	sadd.s32 $0x2, s13;
	s13 =	sadd.s32 $0x4, s13;
	v12 =	vld [tilespmem:s7+$0xFFFFFFB0];
	[tilespmem:s15+$0xA0] =	vst v20;
	v16 =	vmul.f32 v19, v4  }
0x258: {  	v7 =	vmov s24  }
0x259: {  	v7 =	vand.u32 $0xFFFFFFFE, v7  }
0x25a: {  	v18 =	vbroadcast v7, $0x0;
	_ =	sdelay $0x2  }
0x25b: {  	v8 =	vld.idx.msk [tilespmem:v8+s25+$0x0], $0xffff  }
0x25c: {  	v9 =	vld.idx.msk [tilespmem:v9+s25+$0x0], $0xffff  }
0x25d: {  	v7 =	vld.idx.msk [tilespmem:v10+s25+$0x0], $0xffff  }
0x25e: {  	s26 =	sadd.s32 $0x200, s7;
	v10 =	vld.idx.msk [tilespmem:v18+s25+$0x0], $0xffff  }
0x25f: {  	v18 =	vld [tilespmem:s26+$0x0]  }
0x260: {  	v19 =	vld [tilespmem:s26+$0xFFFFFF80]  }
0x261: {  	v20 =	vld [tilespmem:s26+$0xFFFFFF00]  }
0x262: {  	v21 =	vld [tilespmem:s26+$0x80];
	_ =	sdelay $0x1  }
0x263: {  	v18 =	vmul.f32 v18, v10  }
0x264: {  	s13 =	sadd.s32 $0x200, s15;
	v19 =	vmul.f32 v19, v9  }
0x265: {  	v20 =	vmul.f32 v20, v8;
	[tilespmem:s13+$0x0] =	vst v18  }
0x266: {  	v21 =	vmul.f32 v21, v7;
	[tilespmem:s13+$0xFFFFFF80] =	vst v19;
	v18 =	vld [tilespmem:s26+$0x10]  }
0x267: {  	[tilespmem:s13+$0xFFFFFF00] =	vst v20;
	v19 =	vld [tilespmem:s26+$0xFFFFFF90]  }
0x268: {  	v20 =	vld [tilespmem:s26+$0xFFFFFF10];
	[tilespmem:s13+$0x80] =	vst v21  }
0x269: {  	v21 =	vld [tilespmem:s26+$0x90];
	_ =	sdelay $0x1  }
0x26a: {  	v18 =	vmul.f32 v18, v10  }
0x26b: {  	[tilespmem:s18+$0x70] =	vst v17;
	v17 =	vmul.f32 v19, v9  }
0x26c: {  	[tilespmem:s13+$0x10] =	vst v18;
	v18 =	vmul.f32 v20, v8  }
0x26d: {  	v19 =	vmul.f32 v21, v7;
	[tilespmem:s13+$0xFFFFFF90] =	vst v17;
	v17 =	vld [tilespmem:s26+$0x20]  }
0x26e: {  	[tilespmem:s13+$0xFFFFFF10] =	vst v18;
	v18 =	vld [tilespmem:s26+$0xFFFFFFA0]  }
0x26f: {  	v6 =	vmul.f32 v13, v6;
	[tilespmem:s13+$0x90] =	vst v19;
	v13 =	vld [tilespmem:s26+$0xFFFFFF20]  }
0x270: {  	v5 =	vmul.f32 v14, v5;
	[tilespmem:s18+$0xE0] =	vst v16;
	v14 =	vld [tilespmem:s26+$0xA0]  }
0x271: {  	v15 =	vmul.f32 v15, v2;
	[tilespmem:s18+$0xFFFFFFF0] =	vst v6  }
0x272: {  	[tilespmem:s18+$0xFFFFFF70] =	vst v5;
	v5 =	vmul.f32 v17, v10  }
0x273: {  	v6 =	vld [tilespmem:s7+$0xB0];
	[tilespmem:s15+$0x30] =	vst v15;
	v15 =	vmul.f32 v18, v9  }
0x274: {  	v16 =	vld [tilespmem:s12+$0xF0];
	v13 =	vmul.f32 v13, v8;
	[tilespmem:s13+$0x20] =	vst v5  }
0x275: {  	v14 =	vmul.f32 v14, v7;
	v5 =	vld [tilespmem:s26+$0x30];
	[tilespmem:s13+$0xFFFFFFA0] =	vst v15  }
0x276: {  	v11 =	vmul.f32 v11, v1;
	[tilespmem:s13+$0xFFFFFF20] =	vst v13;
	v13 =	vld [tilespmem:s26+$0xFFFFFFB0]  }
0x277: {  	v12 =	vmul.f32 v12, v3;
	[tilespmem:s13+$0xA0] =	vst v14;
	v15 =	vld [tilespmem:s26+$0xFFFFFF30]  }
0x278: {  	[tilespmem:s15+$0xFFFFFF30] =	vst v11;
	v6 =	vmul.f32 v6, v0;
	v11 =	vld [tilespmem:s26+$0xB0]  }
0x279: {  	[tilespmem:s15+$0xFFFFFFB0] =	vst v12;
	v4 =	vmul.f32 v16, v4;
	v14 =	vld [tilespmem:s7+$0x40]  }
0x27a: {  	v12 =	vld [tilespmem:s7+$0xFFFFFFC0];
	[tilespmem:s15+$0xB0] =	vst v6;
	v5 =	vmul.f32 v5, v10  }
0x27b: {  	v6 =	vld [tilespmem:s7+$0xFFFFFF40];
	[tilespmem:s18+$0xF0] =	vst v4;
	v4 =	vmul.f32 v13, v9  }
0x27c: {  	v13 =	vld [tilespmem:s7+$0xC0];
	v15 =	vmul.f32 v15, v8;
	[tilespmem:s13+$0x30] =	vst v5  }
0x27d: {  	v11 =	vmul.f32 v11, v7;
	v5 =	vld [tilespmem:s26+$0x40];
	[tilespmem:s13+$0xFFFFFFB0] =	vst v4  }
0x27e: {  	v4 =	vmul.f32 v14, v2;
	[tilespmem:s13+$0xFFFFFF30] =	vst v15;
	v14 =	vld [tilespmem:s26+$0xFFFFFFC0]  }
0x27f: {  	v12 =	vmul.f32 v12, v3;
	[tilespmem:s13+$0xB0] =	vst v11;
	v15 =	vld [tilespmem:s26+$0xFFFFFF40]  }
0x280: {  	v6 =	vmul.f32 v6, v1;
	[tilespmem:s15+$0x40] =	vst v4;
	v4 =	vld [tilespmem:s26+$0xC0]  }
0x281: {  	[tilespmem:s15+$0xFFFFFFC0] =	vst v12;
	v11 =	vld [tilespmem:s7+$0x50];
	v12 =	vmul.f32 v13, v0  }
0x282: {  	[tilespmem:s15+$0xFFFFFF40] =	vst v6;
	v6 =	vld [tilespmem:s7+$0xFFFFFFD0];
	v5 =	vmul.f32 v5, v10  }
0x283: {  	v13 =	vld [tilespmem:s7+$0xFFFFFF50];
	[tilespmem:s15+$0xC0] =	vst v12;
	v12 =	vmul.f32 v14, v9  }
0x284: {  	v14 =	vld [tilespmem:s7+$0xD0];
	v15 =	vmul.f32 v15, v8;
	[tilespmem:s13+$0x40] =	vst v5  }
0x285: {  	v4 =	vmul.f32 v4, v7;
	v5 =	vld [tilespmem:s26+$0x50];
	[tilespmem:s13+$0xFFFFFFC0] =	vst v12  }
0x286: {  	v11 =	vmul.f32 v11, v2;
	[tilespmem:s13+$0xFFFFFF40] =	vst v15;
	v12 =	vld [tilespmem:s26+$0xFFFFFFD0]  }
0x287: {  	v6 =	vmul.f32 v6, v3;
	[tilespmem:s13+$0xC0] =	vst v4;
	v15 =	vld [tilespmem:s26+$0xFFFFFF50]  }
0x288: {  	v4 =	vmul.f32 v13, v1;
	[tilespmem:s15+$0x50] =	vst v11;
	v11 =	vld [tilespmem:s26+$0xD0]  }
0x289: {  	[tilespmem:s15+$0xFFFFFFD0] =	vst v6;
	v13 =	vld [tilespmem:s7+$0x60];
	v6 =	vmul.f32 v14, v0  }
0x28a: {  	[tilespmem:s15+$0xFFFFFF50] =	vst v4;
	v4 =	vld [tilespmem:s7+$0xFFFFFFE0];
	v5 =	vmul.f32 v5, v10  }
0x28b: {  	v14 =	vld [tilespmem:s7+$0xFFFFFF60];
	[tilespmem:s15+$0xD0] =	vst v6;
	v6 =	vmul.f32 v12, v9  }
0x28c: {  	v12 =	vld [tilespmem:s7+$0xE0];
	[tilespmem:s13+$0x50] =	vst v5;
	v5 =	vmul.f32 v15, v8  }
0x28d: {  	v15 =	vld [tilespmem:s26+$0x60];
	[tilespmem:s13+$0xFFFFFFD0] =	vst v6;
	v6 =	vmul.f32 v11, v7  }
0x28e: {  	v11 =	vmul.f32 v13, v2;
	[tilespmem:s13+$0xFFFFFF50] =	vst v5;
	v5 =	vld [tilespmem:s26+$0xFFFFFFE0]  }
0x28f: {  	v4 =	vmul.f32 v4, v3;
	v13 =	vld [tilespmem:s26+$0xFFFFFF60];
	[tilespmem:s13+$0xD0] =	vst v6  }
0x290: {  	[tilespmem:s15+$0x60] =	vst v11;
	v6 =	vmul.f32 v14, v1;
	v11 =	vld [tilespmem:s26+$0xE0]  }
0x291: {  	[tilespmem:s15+$0xFFFFFFE0] =	vst v4;
	v14 =	vld [tilespmem:s7+$0x70];
	v4 =	vmul.f32 v12, v0  }
0x292: {  	[tilespmem:s15+$0xFFFFFF60] =	vst v6;
	v6 =	vld [tilespmem:s7+$0xFFFFFFF0];
	v12 =	vmul.f32 v15, v10  }
0x293: {  	v15 =	vld [tilespmem:s7+$0xFFFFFF70];
	[tilespmem:s15+$0xE0] =	vst v4;
	v4 =	vmul.f32 v5, v9  }
0x294: {  	v5 =	vld [tilespmem:s7+$0xF0];
	[tilespmem:s13+$0x60] =	vst v12;
	v12 =	vmul.f32 v13, v8  }
0x295: {  	v13 =	vld [tilespmem:s26+$0x70];
	[tilespmem:s13+$0xFFFFFFE0] =	vst v4;
	v4 =	vmul.f32 v11, v7  }
0x296: {  	v2 =	vmul.f32 v14, v2;
	[tilespmem:s13+$0xFFFFFF60] =	vst v12;
	v11 =	vld [tilespmem:s26+$0xFFFFFFF0]  }
0x297: {  	v3 =	vmul.f32 v6, v3;
	v6 =	vld [tilespmem:s26+$0xFFFFFF70];
	[tilespmem:s13+$0xE0] =	vst v4  }
0x298: {  	[tilespmem:s15+$0x70] =	vst v2;
	v1 =	vmul.f32 v15, v1;
	v2 =	vld [tilespmem:s26+$0xF0]  }
0x299: {  	[tilespmem:s15+$0xFFFFFFF0] =	vst v3;
	v0 =	vmul.f32 v5, v0  }
0x29a: {  	[tilespmem:s15+$0xFFFFFF70] =	vst v1;
	v1 =	vmul.f32 v13, v10  }
0x29b: {  	[tilespmem:s15+$0xF0] =	vst v0;
	v0 =	vmul.f32 v11, v9  }
0x29c: {  	[tilespmem:s13+$0x70] =	vst v1;
	v1 =	vmul.f32 v6, v8  }
0x29d: {  	[tilespmem:s13+$0xFFFFFFF0] =	vst v0;
	v0 =	vmul.f32 v2, v7  }
0x29e: {  	[tilespmem:s13+$0xFFFFFF70] =	vst v1  }
0x29f: {  	s24 =	simm.s32 $0xC300;
	s26 =	simm.s32 $0x9000;
	[tilespmem:s13+$0xF0] =	vst v0  }
0x2a0: {  	[spmem:s5] =	stream.indirect.scatter.add.f32 [tilespmem:s26], [sflag:$0x7], $0x80, s24, s2, $0xb8;
	[tilespmem:$0x1FD00] =	vst v63  }
0x2a1: {  	_ =	swait.ge [sflag:s19], $0x1800  }
0x2a2: {  	[sflag:s19] =	ssyncset.done $0x0  }
0x2a3: {  	[sflag:s19] =	ssyncadd.s32 $0xFFFFE800  }
0x2a4: {  	_ =	swait.ge [sflag:s20], $0x1800  }
0x2a5: {  	s7 =	sld [smem:$0x7FC];
	_ =	sdelay $0x2  }
0x2a6: {  	s15 =	simm.s32 @!p1 $0x1800;
	s7 =	sadd.s32 @!p1 s14, s7  }
0x2a7: {  	s13 =	simm.s32 @!p1 $0x0;
	[sflag:s20] =	ssyncset.done $0x0;
	s12 =	sshll.u32 @!p1 s7, $0x4  }
0x2a8: {  	[sflag:s20] =	ssyncadd.s32 $0xFFFFE800;
	s7 =	sshrl.u32 @!p1 s7, $0x3;
	s12 =	sadd.s32 @!p1 s0, s12  }
0x2a9: {  	[tilespmem:s15], [sflag:$0x2] =	stream.linear.gather @!p1 [hbm4b:s12+s13], $0x1800, $0x38;
	[tilespmem:$0x1FD00] =	vst v63  }
0x2aa: {  	s12 =	sadd.s32 @!p1 s1, s7;
	s15 =	simm.s32 @!p1 $0xC080  }
0x2ab: {  	[tilespmem:s15], [sflag:$0x2] =	stream.linear.gather @!p1 [hbm4b:s12+s13], $0x30, $0x38;
	[tilespmem:$0x1FD00] =	vst v63  }
0x2ac: {  	s7 =	sadd.s32 @!p1 s3, s7;
	s12 =	simm.s32 @!p1 $0xC280  }
0x2ad: {  	[tilespmem:s12], [sflag:$0x2] =	stream.linear.gather @!p1 [hbm4b:s7+s13], $0x30, $0x38;
	[tilespmem:$0x1FD00] =	vst v63  }
0x2ae: {  	_ =	swait.ge [sflag:s22], $0x1800  }
0x2af: {  	s13 =	simm.s32 $0x0;
	[sflag:s22] =	ssyncset.done $0x0  }
0x2b0: {  	s15 =	simm.s32 $0x1;
	v0 =	vmov s13;
	[sflag:s22] =	ssyncadd.s32 $0xFFFFE800  }
0x2b1: {  	s18 =	simm.s32 $0x2;
	v1 =	vmov s15;
	v0 =	vand.u32 $0xFFFFFFFC, v0;
	_ =	swait.ge [sflag:s22], $0x30  }
0x2b2: {  	v2 =	vmov s18;
	v1 =	vand.u32 $0xFFFFFFFD, v1;
	v0 =	vbroadcast v0, $0x0;
	[sflag:s22] =	ssyncset.done $0x0  }
0x2b3: {  	v2 =	vand.u32 $0xFFFFFFFE, v2;
	v1 =	vbroadcast v1, $0x0;
	[sflag:s22] =	ssyncadd.s32 $0xFFFFFFD0  }
0x2b4: {  	v2 =	vbroadcast v2, $0x0;
	s24 =	sadd.s32 s14, s23;
	_ =	swait.ge [sflag:s22], $0x30  }
0x2b5: {  	s12 =	sshll.u32 s24, $0x4;
	[sflag:s22] =	ssyncset.done $0x0  }
0x2b6: {  	s26 =	simm.s32 $0x4800;
	s12 =	sadd.s32 s4, s12;
	[sflag:s22] =	ssyncadd.s32 $0xFFFFFFD0  }
0x2b7: {  	[hbm4b:s12+s13] =	stream.linear.scatter [tilespmem:s26], [sflag:$0xC], $0x1800, $0x38;
	[tilespmem:$0x1FD00] =	vst v63  }
0x2b8: {  	s13 =	simm.s32 $0x3;
	v5 =	vld.idx.msk [tilespmem:v0+s29+$0x0], $0xffff  }
0x2b9: {  	v0 =	vmov s13;
	v6 =	vld.idx.msk [tilespmem:v1+s29+$0x0], $0xffff  }
0x2ba: {  	s12 =	simm.s32 $0x4900;
	v7 =	vld.idx.msk [tilespmem:v2+s29+$0x0], $0xffff  }
0x2bb: {  	v1 =	vld [tilespmem:s12+$0x0]  }
0x2bc: {  	v2 =	vld [tilespmem:s12+$0xFFFFFF00]  }
0x2bd: {  	v3 =	vld [tilespmem:s12+$0xFFFFFF80]  }
0x2be: {  	v4 =	vld.idx.msk [tilespmem:v0+s29+$0x0], $0xffff  }
0x2bf: {  	v0 =	vld [tilespmem:s12+$0x80]  }
0x2c0: {  	v1 =	vmul.f32 v1, v7  }
0x2c1: {  	s18 =	simm.s32 $0xA900;
	v2 =	vmul.f32 v2, v5  }
0x2c2: {  	v3 =	vmul.f32 v3, v6;
	[tilespmem:s18+$0x0] =	vst v1  }
0x2c3: {  	[tilespmem:s18+$0xFFFFFF00] =	vst v2;
	v1 =	vld [tilespmem:s12+$0x10]  }
0x2c4: {  	[tilespmem:s18+$0xFFFFFF80] =	vst v3;
	v2 =	vld [tilespmem:s12+$0xFFFFFF10];
	v0 =	vmul.f32 v0, v4  }
0x2c5: {  	v3 =	vld [tilespmem:s12+$0xFFFFFF90]  }
0x2c6: {  	[tilespmem:s18+$0x80] =	vst v0  }
0x2c7: {  	v0 =	vld [tilespmem:s12+$0x90]  }
0x2c8: {  	v1 =	vmul.f32 v1, v7  }
0x2c9: {  	v2 =	vmul.f32 v2, v5  }
0x2ca: {  	v3 =	vmul.f32 v3, v6;
	[tilespmem:s18+$0x10] =	vst v1  }
0x2cb: {  	[tilespmem:s18+$0xFFFFFF10] =	vst v2;
	v1 =	vld [tilespmem:s12+$0x20]  }
0x2cc: {  	[tilespmem:s18+$0xFFFFFF90] =	vst v3;
	v2 =	vld [tilespmem:s12+$0xFFFFFF20];
	v0 =	vmul.f32 v0, v4  }
0x2cd: {  	v3 =	vld [tilespmem:s12+$0xFFFFFFA0]  }
0x2ce: {  	[tilespmem:s18+$0x90] =	vst v0  }
0x2cf: {  	v0 =	vld [tilespmem:s12+$0xA0]  }
0x2d0: {  	s15 =	simm.s32 $0x4;
	v1 =	vmul.f32 v1, v7  }
0x2d1: {  	v8 =	vmov s15;
	s24 =	simm.s32 $0x5;
	v2 =	vmul.f32 v2, v5  }
0x2d2: {  	v8 =	vand.u32 $0xFFFFFFFC, v8;
	v9 =	vmov s24;
	s26 =	simm.s32 $0x7;
	v3 =	vmul.f32 v3, v6;
	[tilespmem:s18+$0x20] =	vst v1  }
0x2d3: {  	v8 =	vbroadcast v8, $0x0;
	v9 =	vand.u32 $0xFFFFFFFD, v9;
	v1 =	vmov s26;
	[tilespmem:s18+$0xFFFFFF20] =	vst v2;
	v2 =	vld [tilespmem:s12+$0x30]  }
0x2d4: {  	v9 =	vbroadcast v9, $0x0;
	[tilespmem:s18+$0xFFFFFFA0] =	vst v3;
	v10 =	vld [tilespmem:s12+$0xFFFFFF30];
	v0 =	vmul.f32 v0, v4  }
0x2d5: {  	v11 =	vld [tilespmem:s12+$0xFFFFFFB0]  }
0x2d6: {  	s15 =	simm.s32 $0x6;
	[tilespmem:s18+$0xA0] =	vst v0  }
0x2d7: {  	v0 =	vmov s15;
	v12 =	vld [tilespmem:s12+$0xB0]  }
0x2d8: {  	v3 =	vand.u32 $0xFFFFFFFE, v0;
	v0 =	vld.idx.msk [tilespmem:v1+s29+$0x0], $0xffff;
	v2 =	vmul.f32 v2, v7  }
0x2d9: {  	v1 =	vld.idx.msk [tilespmem:v8+s29+$0x0], $0xffff;
	v8 =	vmul.f32 v10, v5;
	v13 =	vbroadcast v3, $0x0  }
0x2da: {  	v3 =	vld.idx.msk [tilespmem:v9+s29+$0x0], $0xffff;
	v9 =	vmul.f32 v11, v6;
	[tilespmem:s18+$0x30] =	vst v2  }
0x2db: {  	s7 =	simm.s32 $0x4B00;
	[tilespmem:s18+$0xFFFFFF30] =	vst v8;
	v8 =	vld [tilespmem:s12+$0x40]  }
0x2dc: {  	v11 =	vld [tilespmem:s7+$0x0];
	[tilespmem:s18+$0xFFFFFFB0] =	vst v9  }
0x2dd: {  	v9 =	vld [tilespmem:s12+$0xFFFFFFC0]  }
0x2de: {  	v10 =	vld [tilespmem:s12+$0xFFFFFF40]  }
0x2df: {  	v2 =	vld.idx.msk [tilespmem:v13+s29+$0x0], $0xffff  }
0x2e0: {  	v13 =	vld [tilespmem:s7+$0xFFFFFF00];
	v8 =	vmul.f32 v8, v7  }
0x2e1: {  	v14 =	vld [tilespmem:s7+$0xFFFFFF80];
	v12 =	vmul.f32 v12, v4  }
0x2e2: {  	v15 =	vld [tilespmem:s7+$0x80];
	v9 =	vmul.f32 v9, v6;
	[tilespmem:s18+$0x40] =	vst v8  }
0x2e3: {  	[tilespmem:s18+$0xB0] =	vst v12;
	v8 =	vmul.f32 v10, v5;
	v10 =	vld [tilespmem:s12+$0x50]  }
0x2e4: {  	[tilespmem:s18+$0xFFFFFFC0] =	vst v9;
	v9 =	vld [tilespmem:s12+$0xC0];
	v11 =	vmul.f32 v11, v2  }
0x2e5: {  	s15 =	simm.s32 $0xAB00;
	[tilespmem:s18+$0xFFFFFF40] =	vst v8;
	v8 =	vmul.f32 v13, v1;
	v12 =	vld [tilespmem:s12+$0xFFFFFFD0]  }
0x2e6: {  	v13 =	vmul.f32 v14, v3;
	[tilespmem:s15+$0x0] =	vst v11;
	v11 =	vld [tilespmem:s12+$0xFFFFFF50]  }
0x2e7: {  	v14 =	vmul.f32 v15, v0;
	[tilespmem:s15+$0xFFFFFF00] =	vst v8;
	v8 =	vld [tilespmem:s7+$0x10]  }
0x2e8: {  	[tilespmem:s15+$0xFFFFFF80] =	vst v13;
	v15 =	vld [tilespmem:s7+$0xFFFFFF10];
	v10 =	vmul.f32 v10, v7  }
0x2e9: {  	[tilespmem:s15+$0x80] =	vst v14;
	v13 =	vld [tilespmem:s7+$0xFFFFFF90];
	v9 =	vmul.f32 v9, v4  }
0x2ea: {  	v14 =	vld [tilespmem:s7+$0x90];
	v12 =	vmul.f32 v12, v6;
	[tilespmem:s18+$0x50] =	vst v10  }
0x2eb: {  	[tilespmem:s18+$0xC0] =	vst v9;
	v10 =	vmul.f32 v11, v5;
	v11 =	vld [tilespmem:s12+$0x60]  }
0x2ec: {  	[tilespmem:s18+$0xFFFFFFD0] =	vst v12;
	v9 =	vld [tilespmem:s12+$0xD0];
	v8 =	vmul.f32 v8, v2  }
0x2ed: {  	v12 =	vmul.f32 v15, v1;
	[tilespmem:s18+$0xFFFFFF50] =	vst v10;
	v10 =	vld [tilespmem:s12+$0xFFFFFFE0]  }
0x2ee: {  	v13 =	vmul.f32 v13, v3;
	[tilespmem:s15+$0x10] =	vst v8;
	v8 =	vld [tilespmem:s12+$0xFFFFFF60]  }
0x2ef: {  	v14 =	vmul.f32 v14, v0;
	[tilespmem:s15+$0xFFFFFF10] =	vst v12;
	v12 =	vld [tilespmem:s7+$0x20]  }
0x2f0: {  	[tilespmem:s15+$0xFFFFFF90] =	vst v13;
	v15 =	vld [tilespmem:s7+$0xFFFFFF20];
	v11 =	vmul.f32 v11, v7  }
0x2f1: {  	[tilespmem:s15+$0x90] =	vst v14;
	v9 =	vmul.f32 v9, v4  }
0x2f2: {  	v16 =	vld [tilespmem:s7+$0xFFFFFFA0];
	v10 =	vmul.f32 v10, v6;
	[tilespmem:s18+$0x60] =	vst v11  }
0x2f3: {  	v17 =	vld [tilespmem:s7+$0xA0];
	[tilespmem:s18+$0xD0] =	vst v9;
	v8 =	vmul.f32 v8, v5  }
0x2f4: {  	v18 =	vld [tilespmem:s12+$0x70];
	v9 =	vmul.f32 v12, v2;
	[tilespmem:s18+$0xFFFFFFE0] =	vst v10  }
0x2f5: {  	s24 =	simm.s32 $0x8;
	s26 =	simm.s32 $0x9;
	v19 =	vld [tilespmem:s12+$0xE0];
	v10 =	vmul.f32 v15, v1;
	[tilespmem:s18+$0xFFFFFF60] =	vst v8  }
0x2f6: {  	v11 =	vmov s26;
	s26 =	simm.s32 $0xB;
	v13 =	vld [tilespmem:s12+$0xFFFFFFF0];
	v8 =	vmov s24;
	[tilespmem:s15+$0x20] =	vst v9  }
0x2f7: {  	v12 =	vmul.f32 v16, v3;
	v14 =	vld [tilespmem:s12+$0xFFFFFF70];
	v8 =	vand.u32 $0xFFFFFFFC, v8;
	[tilespmem:s15+$0xFFFFFF20] =	vst v10;
	v10 =	vmov s26  }
0x2f8: {  	v16 =	vmul.f32 v17, v0;
	v9 =	vand.u32 $0xFFFFFFFD, v11;
	v15 =	vld [tilespmem:s7+$0x30];
	v8 =	vbroadcast v8, $0x0  }
0x2f9: {  	[tilespmem:s15+$0xFFFFFFA0] =	vst v12;
	v9 =	vbroadcast v9, $0x0;
	v11 =	vld [tilespmem:s7+$0xFFFFFF30];
	v17 =	vmul.f32 v18, v7  }
0x2fa: {  	s13 =	simm.s32 $0xC;
	s24 =	simm.s32 $0xA;
	[tilespmem:s15+$0xA0] =	vst v16;
	v12 =	vld [tilespmem:s7+$0xFFFFFFB0];
	v16 =	vmul.f32 v19, v4  }
.LBB2_9:
0x2fb: {  	p2 =	slt.u32 s13, $0x2C;
	v7 =	vmov s24;
	v18 =	vld [tilespmem:s7+$0xB0];
	v13 =	vmul.f32 v13, v6;
	[tilespmem:s18+$0x70] =	vst v17;
	v6 =	vmov v3  }
0x2fc: {  	v3 =	vand.u32 $0xFFFFFFFE, v7;
	v7 =	vld.idx.msk [tilespmem:v10+s29+$0x0], $0xffff;
	v10 =	vmul.f32 v14, v5;
	[tilespmem:s18+$0xE0] =	vst v16;
	v5 =	vmov v1  }
0x2fd: {  	v14 =	vbroadcast v3, $0x0;
	v15 =	vmul.f32 v15, v2;
	[tilespmem:s18+$0xFFFFFFF0] =	vst v13;
	v13 =	vld [tilespmem:s12+$0xF0];
	s12 =	smov.u32 s7  }
0x2fe: {  	v1 =	vld.idx.msk [tilespmem:v8+s29+$0x0], $0xffff;
	v8 =	vmul.f32 v11, v5;
	[tilespmem:s18+$0xFFFFFF70] =	vst v10  }
0x2ff: {  	v3 =	vld.idx.msk [tilespmem:v9+s29+$0x0], $0xffff;
	v9 =	vmul.f32 v12, v6;
	[tilespmem:s15+$0x30] =	vst v15  }
0x300: {  	[tilespmem:s15+$0xFFFFFF30] =	vst v8;
	v8 =	vld [tilespmem:s7+$0x40];
	v10 =	vmul.f32 v18, v0  }
0x301: {  	v11 =	vld [tilespmem:s7+$0xFFFFFF40];
	[tilespmem:s15+$0xFFFFFFB0] =	vst v9  }
0x302: {  	v9 =	vld [tilespmem:s7+$0xFFFFFFC0];
	[tilespmem:s15+$0xB0] =	vst v10;
	v10 =	vmul.f32 v13, v4;
	v4 =	vmov v0;
	v0 =	vmov v7  }
0x303: {  	s7 =	sadd.s32 $0x200, s7;
	v7 =	vld.idx.msk [tilespmem:v14+s29+$0x0], $0xffff  }
0x304: {  	v12 =	vld [tilespmem:s7+$0x0];
	[tilespmem:s18+$0xF0] =	vst v10;
	s18 =	smov.u32 s15  }
0x305: {  	v10 =	vld [tilespmem:s7+$0xFFFFFF00];
	v8 =	vmul.f32 v8, v2  }
0x306: {  	v13 =	vld [tilespmem:s7+$0xFFFFFF80];
	v11 =	vmul.f32 v11, v5  }
0x307: {  	v14 =	vld [tilespmem:s7+$0x80];
	v9 =	vmul.f32 v9, v6;
	[tilespmem:s15+$0x40] =	vst v8  }
0x308: {  	[tilespmem:s15+$0xFFFFFF40] =	vst v11;
	v8 =	vld [tilespmem:s12+$0x50]  }
0x309: {  	v11 =	vmul.f32 v12, v7;
	[tilespmem:s15+$0xFFFFFFC0] =	vst v9;
	v9 =	vld [tilespmem:s12+$0xC0]  }
0x30a: {  	s15 =	sadd.s32 $0x200, s15;
	v10 =	vmul.f32 v10, v1;
	v12 =	vld [tilespmem:s12+$0xFFFFFFD0]  }
0x30b: {  	v13 =	vmul.f32 v13, v3;
	[tilespmem:s15+$0x0] =	vst v11;
	v11 =	vld [tilespmem:s12+$0xFFFFFF50]  }
0x30c: {  	[tilespmem:s15+$0xFFFFFF00] =	vst v10;
	v10 =	vld [tilespmem:s7+$0x10];
	v14 =	vmul.f32 v14, v0  }
0x30d: {  	v15 =	vld [tilespmem:s7+$0xFFFFFF10];
	[tilespmem:s15+$0xFFFFFF80] =	vst v13;
	v8 =	vmul.f32 v8, v2  }
0x30e: {  	v13 =	vld [tilespmem:s7+$0xFFFFFF90];
	[tilespmem:s15+$0x80] =	vst v14;
	v9 =	vmul.f32 v9, v4  }
0x30f: {  	v14 =	vld [tilespmem:s7+$0x90];
	v12 =	vmul.f32 v12, v6;
	[tilespmem:s18+$0x50] =	vst v8  }
0x310: {  	v8 =	vmul.f32 v11, v5;
	v11 =	vld [tilespmem:s12+$0x60];
	[tilespmem:s18+$0xC0] =	vst v9  }
0x311: {  	v9 =	vmul.f32 v10, v7;
	[tilespmem:s18+$0xFFFFFFD0] =	vst v12;
	v10 =	vld [tilespmem:s12+$0xD0]  }
0x312: {  	v12 =	vmul.f32 v15, v1;
	[tilespmem:s18+$0xFFFFFF50] =	vst v8;
	v8 =	vld [tilespmem:s12+$0xFFFFFFE0]  }
0x313: {  	v13 =	vmul.f32 v13, v3;
	[tilespmem:s15+$0x10] =	vst v9;
	v9 =	vld [tilespmem:s12+$0xFFFFFF60]  }
0x314: {  	[tilespmem:s15+$0xFFFFFF10] =	vst v12;
	v12 =	vld [tilespmem:s7+$0x20];
	v14 =	vmul.f32 v14, v0  }
0x315: {  	v15 =	vld [tilespmem:s7+$0xFFFFFF20];
	[tilespmem:s15+$0xFFFFFF90] =	vst v13;
	v11 =	vmul.f32 v11, v2  }
0x316: {  	v16 =	vld [tilespmem:s7+$0xFFFFFFA0];
	[tilespmem:s15+$0x90] =	vst v14;
	v10 =	vmul.f32 v10, v4  }
0x317: {  	v17 =	vld [tilespmem:s7+$0xA0];
	v8 =	vmul.f32 v8, v6;
	[tilespmem:s18+$0x60] =	vst v11  }
0x318: {  	v9 =	vmul.f32 v9, v5;
	v18 =	vld [tilespmem:s12+$0x70];
	[tilespmem:s18+$0xD0] =	vst v10  }
0x319: {  	s24 =	sadd.s32 $0x3, s13;
	v11 =	vmul.f32 v12, v7;
	[tilespmem:s18+$0xFFFFFFE0] =	vst v8;
	v19 =	vld [tilespmem:s12+$0xE0]  }
.Ltmp3:
0x31a: {  	s26 =	sadd.s32 $0x1, s13;
	v10 =	vmov s24;
	v8 =	vmov s13;
	v12 =	vmul.f32 v15, v1;
	[tilespmem:s18+$0xFFFFFF60] =	vst v9;
	v13 =	vld [tilespmem:s12+$0xFFFFFFF0];
	(pc) =	sbr.rel @p2 .LBB2_9-.Ltmp3, $4  }
0x31b: {  	v8 =	vand.u32 $0xFFFFFFFC, v8;
	v9 =	vmov s26;
	v16 =	vmul.f32 v16, v3;
	[tilespmem:s15+$0x20] =	vst v11;
	v14 =	vld [tilespmem:s12+$0xFFFFFF70]  }
0x31c: {  	v8 =	vbroadcast v8, $0x0;
	v9 =	vand.u32 $0xFFFFFFFD, v9;
	[tilespmem:s15+$0xFFFFFF20] =	vst v12;
	v15 =	vld [tilespmem:s7+$0x30];
	v20 =	vmul.f32 v17, v0  }
0x31d: {  	v9 =	vbroadcast v9, $0x0;
	v11 =	vld [tilespmem:s7+$0xFFFFFF30];
	[tilespmem:s15+$0xFFFFFFA0] =	vst v16;
	v17 =	vmul.f32 v18, v2;
	v2 =	vmov v7  }
0x31e: {  	s24 =	sadd.s32 $0x2, s13;
	s13 =	sadd.s32 $0x4, s13;
	v12 =	vld [tilespmem:s7+$0xFFFFFFB0];
	[tilespmem:s15+$0xA0] =	vst v20;
	v16 =	vmul.f32 v19, v4  }
0x31f: {  	_ =	sdelay $0x2  }
0x320: {  	v7 =	vmov s24  }
0x321: {  	v8 =	vld.idx.msk [tilespmem:v8+s29+$0x0], $0xffff;
	v7 =	vand.u32 $0xFFFFFFFE, v7  }
0x322: {  	v9 =	vld.idx.msk [tilespmem:v9+s29+$0x0], $0xffff;
	s26 =	sadd.s32 $0x200, s7;
	v18 =	vbroadcast v7, $0x0  }
0x323: {  	v46 =	vld [tilespmem:s26+$0x0]  }
0x324: {  	v19 =	vld [tilespmem:s26+$0xFFFFFF80]  }
0x325: {  	v20 =	vld [tilespmem:s26+$0xFFFFFF00]  }
0x326: {  	v21 =	vld [tilespmem:s26+$0x80]  }
0x327: {  	v7 =	vld.idx.msk [tilespmem:v10+s29+$0x0], $0xffff  }
0x328: {  	v10 =	vld.idx.msk [tilespmem:v18+s29+$0x0], $0xffff;
	_ =	sdelay $0x1  }
0x329: {  	v19 =	vmul.f32 v19, v9  }
0x32a: {  	s13 =	sadd.s32 $0x200, s15;
	v20 =	vmul.f32 v20, v8  }
0x32b: {  	v21 =	vmul.f32 v21, v7;
	[tilespmem:s13+$0xFFFFFF80] =	vst v19  }
0x32c: {  	[tilespmem:s13+$0xFFFFFF00] =	vst v20;
	v19 =	vld [tilespmem:s26+$0xFFFFFF90];
	v18 =	vmul.f32 v46, v10  }
0x32d: {  	v20 =	vld [tilespmem:s26+$0xFFFFFF10];
	[tilespmem:s13+$0x80] =	vst v21  }
0x32e: {  	v21 =	vld [tilespmem:s26+$0x90];
	[tilespmem:s13+$0x0] =	vst v18  }
0x32f: {  	v18 =	vld [tilespmem:s26+$0x10];
	_ =	sdelay $0x1  }
0x330: {  	v47 =	vmul.f32 v19, v9  }
0x331: {  	[tilespmem:s18+$0x70] =	vst v17;
	v48 =	vmul.f32 v20, v8  }
0x332: {  	v50 =	vmul.f32 v21, v7;
	[tilespmem:s13+$0xFFFFFF90] =	vst v47  }
0x333: {  	[tilespmem:s13+$0xFFFFFF10] =	vst v48;
	v51 =	vld [tilespmem:s26+$0xFFFFFFA0];
	v18 =	vmul.f32 v18, v10  }
0x334: {  	[tilespmem:s13+$0x90] =	vst v50;
	v52 =	vld [tilespmem:s26+$0xFFFFFF20]  }
0x335: {  	v6 =	vmul.f32 v13, v6;
	v53 =	vld [tilespmem:s26+$0xA0];
	[tilespmem:s13+$0x10] =	vst v18  }
0x336: {  	v5 =	vmul.f32 v14, v5;
	[tilespmem:s18+$0xE0] =	vst v16;
	v49 =	vld [tilespmem:s26+$0x20]  }
0x337: {  	v15 =	vmul.f32 v15, v2;
	[tilespmem:s18+$0xFFFFFFF0] =	vst v6  }
0x338: {  	v55 =	vld [tilespmem:s7+$0xB0];
	[tilespmem:s18+$0xFFFFFF70] =	vst v5;
	v56 =	vmul.f32 v51, v9  }
0x339: {  	[tilespmem:s15+$0x30] =	vst v15;
	v13 =	vmul.f32 v52, v8  }
0x33a: {  	v16 =	vld [tilespmem:s12+$0xF0];
	v14 =	vmul.f32 v53, v7;
	[tilespmem:s13+$0xFFFFFFA0] =	vst v56  }
0x33b: {  	[tilespmem:s13+$0xFFFFFF20] =	vst v13;
	v57 =	vld [tilespmem:s26+$0xFFFFFFB0];
	v54 =	vmul.f32 v49, v10  }
0x33c: {  	v11 =	vmul.f32 v11, v1;
	v58 =	vld [tilespmem:s26+$0xFFFFFF30];
	[tilespmem:s13+$0xA0] =	vst v14  }
0x33d: {  	v6 =	vmul.f32 v55, v0;
	v59 =	vld [tilespmem:s26+$0xB0];
	[tilespmem:s13+$0x20] =	vst v54  }
0x33e: {  	v12 =	vmul.f32 v12, v3;
	[tilespmem:s15+$0xFFFFFF30] =	vst v11;
	v5 =	vld [tilespmem:s26+$0x30]  }
0x33f: {  	v61 =	vld [tilespmem:s7+$0xFFFFFF40];
	v4 =	vmul.f32 v16, v4;
	[tilespmem:s15+$0xB0] =	vst v6  }
0x340: {  	[tilespmem:s15+$0xFFFFFFB0] =	vst v12;
	v63 =	vld [tilespmem:s7+$0xC0];
	v62 =	vmul.f32 v57, v9  }
0x341: {  	v60 =	vld [tilespmem:s7+$0x40];
	[tilespmem:s18+$0xF0] =	vst v4;
	v15 =	vmul.f32 v58, v8  }
0x342: {  	v12 =	vld [tilespmem:s7+$0xFFFFFFC0];
	v11 =	vmul.f32 v59, v7;
	[tilespmem:s13+$0xFFFFFFB0] =	vst v62  }
0x343: {  	[tilespmem:s13+$0xFFFFFF30] =	vst v15;
	v19 =	vld [tilespmem:s26+$0xFFFFFFC0];
	v5 =	vmul.f32 v5, v10  }
0x344: {  	v6 =	vmul.f32 v61, v1;
	v15 =	vld [tilespmem:s26+$0xFFFFFF40];
	[tilespmem:s13+$0xB0] =	vst v11  }
0x345: {  	v22 =	vmul.f32 v63, v0;
	v20 =	vld [tilespmem:s26+$0xC0];
	[tilespmem:s13+$0x30] =	vst v5  }
0x346: {  	[tilespmem:s15+$0xFFFFFF40] =	vst v6;
	v18 =	vmul.f32 v60, v2;
	v5 =	vld [tilespmem:s26+$0x40]  }
0x347: {  	v12 =	vmul.f32 v12, v3;
	v24 =	vld [tilespmem:s7+$0xFFFFFF50];
	[tilespmem:s15+$0xC0] =	vst v22  }
0x348: {  	v26 =	vld [tilespmem:s7+$0xD0];
	[tilespmem:s15+$0x40] =	vst v18;
	v25 =	vmul.f32 v19, v9  }
0x349: {  	[tilespmem:s15+$0xFFFFFFC0] =	vst v12;
	v21 =	vld [tilespmem:s7+$0x50];
	v15 =	vmul.f32 v15, v8  }
0x34a: {  	v23 =	vld [tilespmem:s7+$0xFFFFFFD0];
	v4 =	vmul.f32 v20, v7;
	[tilespmem:s13+$0xFFFFFFC0] =	vst v25  }
0x34b: {  	[tilespmem:s13+$0xFFFFFF40] =	vst v15;
	v12 =	vld [tilespmem:s26+$0xFFFFFFD0];
	v5 =	vmul.f32 v5, v10  }
0x34c: {  	v27 =	vmul.f32 v24, v1;
	v15 =	vld [tilespmem:s26+$0xFFFFFF50];
	[tilespmem:s13+$0xC0] =	vst v4  }
0x34d: {  	v30 =	vmul.f32 v26, v0;
	v28 =	vld [tilespmem:s26+$0xD0];
	[tilespmem:s13+$0x40] =	vst v5  }
0x34e: {  	[tilespmem:s15+$0xFFFFFF50] =	vst v27;
	v11 =	vmul.f32 v21, v2;
	v5 =	vld [tilespmem:s26+$0x50]  }
0x34f: {  	v6 =	vmul.f32 v23, v3;
	v32 =	vld [tilespmem:s7+$0xFFFFFF60];
	[tilespmem:s15+$0xD0] =	vst v30  }
0x350: {  	v34 =	vld [tilespmem:s7+$0xE0];
	[tilespmem:s15+$0x50] =	vst v11;
	v33 =	vmul.f32 v12, v9  }
0x351: {  	[tilespmem:s15+$0xFFFFFFD0] =	vst v6;
	v29 =	vld [tilespmem:s7+$0x60];
	v35 =	vmul.f32 v15, v8  }
0x352: {  	v31 =	vld [tilespmem:s7+$0xFFFFFFE0];
	v37 =	vmul.f32 v28, v7;
	[tilespmem:s13+$0xFFFFFFD0] =	vst v33  }
0x353: {  	[tilespmem:s13+$0xFFFFFF50] =	vst v35;
	v39 =	vld [tilespmem:s26+$0xFFFFFFE0];
	v5 =	vmul.f32 v5, v10  }
0x354: {  	v41 =	vmul.f32 v32, v1;
	v40 =	vld [tilespmem:s26+$0xFFFFFF60];
	[tilespmem:s13+$0xD0] =	vst v37  }
0x355: {  	v44 =	vmul.f32 v34, v0;
	v42 =	vld [tilespmem:s26+$0xE0];
	[tilespmem:s13+$0x50] =	vst v5  }
0x356: {  	[tilespmem:s15+$0xFFFFFF60] =	vst v41;
	v38 =	vmul.f32 v29, v2;
	v36 =	vld [tilespmem:s26+$0x60]  }
0x357: {  	v47 =	vld [tilespmem:s7+$0xFFFFFF70];
	[tilespmem:s15+$0xE0] =	vst v44;
	v4 =	vmul.f32 v31, v3  }
0x358: {  	v49 =	vld [tilespmem:s7+$0xF0];
	[tilespmem:s15+$0x60] =	vst v38;
	v48 =	vmul.f32 v39, v9  }
0x359: {  	[tilespmem:s15+$0xFFFFFFE0] =	vst v4;
	v43 =	vld [tilespmem:s7+$0x70];
	v50 =	vmul.f32 v40, v8  }
0x35a: {  	v45 =	vld [tilespmem:s7+$0xFFFFFFF0];
	v52 =	vmul.f32 v42, v7;
	[tilespmem:s13+$0xFFFFFFE0] =	vst v48  }
0x35b: {  	[tilespmem:s13+$0xFFFFFF60] =	vst v50;
	v54 =	vld [tilespmem:s26+$0xFFFFFFF0];
	v46 =	vmul.f32 v36, v10  }
0x35c: {  	v57 =	vmul.f32 v47, v1;
	v56 =	vld [tilespmem:s26+$0xFFFFFF70];
	[tilespmem:s13+$0xE0] =	vst v52  }
0x35d: {  	v59 =	vmul.f32 v49, v0;
	v58 =	vld [tilespmem:s26+$0xF0];
	[tilespmem:s13+$0x60] =	vst v46  }
0x35e: {  	[tilespmem:s15+$0xFFFFFF70] =	vst v57;
	v53 =	vmul.f32 v43, v2;
	v51 =	vld [tilespmem:s26+$0x70]  }
0x35f: {  	[tilespmem:s15+$0xF0] =	vst v59;
	v55 =	vmul.f32 v45, v3  }
0x360: {  	[tilespmem:s15+$0x70] =	vst v53;
	v61 =	vmul.f32 v54, v9  }
0x361: {  	[tilespmem:s15+$0xFFFFFFF0] =	vst v55;
	v62 =	vmul.f32 v56, v8  }
0x362: {  	v63 =	vmul.f32 v58, v7;
	[tilespmem:s13+$0xFFFFFFF0] =	vst v61  }
0x363: {  	[tilespmem:s13+$0xFFFFFF70] =	vst v62;
	v60 =	vmul.f32 v51, v10  }
0x364: {  	[tilespmem:s13+$0xF0] =	vst v63  }
0x365: {  	s24 =	simm.s32 $0xC380;
	s26 =	simm.s32 $0xA800;
	[tilespmem:s13+$0x70] =	vst v60  }
0x366: {  	[spmem:s5] =	stream.indirect.scatter.add.f32 [tilespmem:s26], [sflag:$0x8], $0x80, s24, s2, $0xb8;
	[tilespmem:$0x1FD00] =	vst v63  }
0x367: {  	_ =	swait.ge [sflag:s28], $0x1800  }
.Ltmp4:
0x368: {  	[sflag:s28] =	ssyncset.done $0x0;
	(pc) =	sbr.rel @p1 .LBB2_12-.Ltmp4, $4  }
0x369: {  	[sflag:s28] =	ssyncadd.s32 $0xFFFFE800  }
0x36a: {  	_ =	swait.ge [sflag:s30], $0x1800  }
0x36b: {  	[sflag:s30] =	ssyncset.done $0x0  }
0x36c: {  	[sflag:s30] =	ssyncadd.s32 $0xFFFFE800  }
0x36d: {  	s7 =	sld [smem:$0x7FD];
	_ =	sdelay $0x2  }
0x36e: {  	s7 =	sadd.s32 s14, s7  }
0x36f: {  	s12 =	sshll.u32 s7, $0x4  }
0x370: {  	s13 =	simm.s32 $0x3000;
	s12 =	sadd.s32 s0, s12  }
0x371: {  	[tilespmem:s13], [sflag:$0x3] =	stream.linear.gather [hbm4b:s12+s6], $0x1800, $0x38;
	[tilespmem:$0x1FD00] =	vst v63  }
.Ltmp5:
0x372: {  	s7 =	sshrl.u32 s7, $0x3;
	(pc) =	sbr.rel .LBB2_2-.Ltmp5, $4  }
0x373: {  	s24 =	sadd.s32 s1, s7  }
0x374: {  	[tilespmem:s25], [sflag:$0x3] =	stream.linear.gather [hbm4b:s24+s6], $0x30, $0x38;
	[tilespmem:$0x1FD00] =	vst v63  }
0x375: {  	s26 =	simm.s32 $0xC300;
	s8 =	sadd.s32 $0x1, s8;
	s7 =	sadd.s32 s3, s7  }
0x376: {  	[tilespmem:s26], [sflag:$0x3] =	stream.linear.gather [hbm4b:s7+s6], $0x30, $0x38;
	[tilespmem:$0x1FD00] =	vst v63  }
.LBB2_12:
0x377: {  	s7 =	simm.s32 $0xC  }
0x378: {  	_ =	swait.ge [sflag:s7], $0x1800  }
0x379: {  	[sflag:s7] =	ssyncset.done $0x0  }
0x37a: {  	s12 =	simm.s32 $0x8;
	[sflag:s7] =	ssyncadd.s32 $0xFFFFE800  }
0x37b: {  	_ =	swait.ge [sflag:s12], $0x1800  }
0x37c: {  	s13 =	simm.s32 $0x0;
	[sflag:s12] =	ssyncset.done $0x0  }
0x37d: {  	s24 =	simm.s32 $0xD;
	s8 =	rddreg [dreg:$0x1e];
	[sflag:s12] =	ssyncadd.s32 $0xFFFFE800  }
0x37e: {  	[tilespmem:s13], [sflag:$0xD] =	stream.linear.gather [hbm4b:s8+s13], $0x800, $0x38;
	[tilespmem:$0x1FD00] =	vst v63  }
0x37f: {  	_ =	swait.ge [sflag:s24], $0x800  }
0x380: {  	[sflag:s24] =	ssyncset.done $0x0  }
0x381: {  	s14 =	rddreg [dreg:$0x1c];
	[sflag:s24] =	ssyncadd.s32 $0xFFFFF800  }
0x382: {  	[tilespmem:s17], [sflag:$0xD] =	stream.linear.gather [hbm4b:s14+s13], $0x10, $0x38;
	[tilespmem:$0x1FD00] =	vst v63  }
0x383: {  	_ =	swait.ge [sflag:s24], $0x10  }
0x384: {  	[sflag:s24] =	ssyncset.done $0x0  }
0x385: {  	s26 =	simm.s32 $0xC400;
	s15 =	rddreg [dreg:$0x1d];
	[sflag:s24] =	ssyncadd.s32 $0xFFFFFFF0  }
0x386: {  	[tilespmem:s26], [sflag:$0xD] =	stream.linear.gather [hbm4b:s15+s13], $0x10, $0x38;
	[tilespmem:$0x1FD00] =	vst v63  }
0x387: {  	_ =	swait.ge [sflag:s24], $0x10  }
0x388: {  	[sflag:s24] =	ssyncset.done $0x0  }
0x389: {  	s18 =	simm.s32 $0x2;
	v1 =	vmov s13;
	s12 =	rddreg [dreg:$0x1f];
	[sflag:s24] =	ssyncadd.s32 $0xFFFFFFF0  }
0x38a: {  	v1 =	vand.u32 $0xFFFFFFFC, v1;
	[hbm4b:s12+s13] =	stream.linear.scatter [tilespmem:s13], [sflag:$0xD], $0x800, $0x38;
	[tilespmem:$0x1FD00] =	vst v63  }
0x38b: {  	v0 =	vmov s18;
	v1 =	vbroadcast v1, $0x0;
	_ =	swait.ge [sflag:s24], $0x800  }
0x38c: {  	v0 =	vand.u32 $0xFFFFFFFE, v0;
	s14 =	simm.s32 $0x1;
	s13 =	simm.s32 $0x3;
	[sflag:s24] =	ssyncset.done $0x0  }
0x38d: {  	v0 =	vbroadcast v0, $0x0;
	s8 =	simm.s32 $0x100;
	v3 =	vmov s14;
	v2 =	vmov s13;
	[sflag:s24] =	ssyncadd.s32 $0xFFFFF800  }
0x38e: {  	v3 =	vand.u32 $0xFFFFFFFD, v3;
	v4 =	vld [tilespmem:s8+$0xFFFFFF80]  }
0x38f: {  	v5 =	vbroadcast v3, $0x0;
	v6 =	vld [tilespmem:s8+$0x80]  }
0x390: {  	v7 =	vld [tilespmem:s8+$0x0]  }
0x391: {  	v1 =	vld.idx.msk [tilespmem:v1+s17+$0x0], $0xffff  }
0x392: {  	v3 =	vld.idx.msk [tilespmem:v2+s17+$0x0], $0xffff  }
0x393: {  	v2 =	vld.idx.msk [tilespmem:v0+s17+$0x0], $0xffff  }
0x394: {  	v8 =	vld [tilespmem:s8+$0xFFFFFF00]  }
0x395: {  	v0 =	vld.idx.msk [tilespmem:v5+s17+$0x0], $0xffff;
	_ =	sdelay $0x1  }
0x396: {  	v5 =	vmul.f32 v6, v3  }
0x397: {  	s7 =	simm.s32 $0x6100;
	v6 =	vmul.f32 v7, v2  }
0x398: {  	v7 =	vmul.f32 v8, v1;
	[tilespmem:s7+$0x80] =	vst v5  }
0x399: {  	v4 =	vmul.f32 v4, v0;
	[tilespmem:s7+$0x0] =	vst v6;
	v5 =	vld [tilespmem:s8+$0x90]  }
0x39a: {  	[tilespmem:s7+$0xFFFFFF00] =	vst v7;
	v6 =	vld [tilespmem:s8+$0x10]  }
0x39b: {  	[tilespmem:s7+$0xFFFFFF80] =	vst v4;
	v4 =	vld [tilespmem:s8+$0xFFFFFF10]  }
0x39c: {  	v7 =	vld [tilespmem:s8+$0xFFFFFF90];
	_ =	sdelay $0x1  }
0x39d: {  	v5 =	vmul.f32 v5, v3  }
0x39e: {  	v6 =	vmul.f32 v6, v2  }
0x39f: {  	v4 =	vmul.f32 v4, v1;
	[tilespmem:s7+$0x90] =	vst v5  }
0x3a0: {  	v5 =	vmul.f32 v7, v0;
	[tilespmem:s7+$0x10] =	vst v6;
	v6 =	vld [tilespmem:s8+$0xA0]  }
0x3a1: {  	[tilespmem:s7+$0xFFFFFF10] =	vst v4;
	v7 =	vld [tilespmem:s8+$0x20]  }
0x3a2: {  	v4 =	vld [tilespmem:s8+$0xFFFFFF20];
	[tilespmem:s7+$0xFFFFFF90] =	vst v5  }
0x3a3: {  	v5 =	vld [tilespmem:s8+$0xFFFFFFA0];
	_ =	sdelay $0x1  }
0x3a4: {  	v6 =	vmul.f32 v6, v3  }
0x3a5: {  	v7 =	vmul.f32 v7, v2  }
0x3a6: {  	v4 =	vmul.f32 v4, v1;
	[tilespmem:s7+$0xA0] =	vst v6  }
0x3a7: {  	v5 =	vmul.f32 v5, v0;
	[tilespmem:s7+$0x20] =	vst v7;
	v6 =	vld [tilespmem:s8+$0xB0]  }
0x3a8: {  	s15 =	simm.s32 $0x7;
	[tilespmem:s7+$0xFFFFFF20] =	vst v4;
	v7 =	vld [tilespmem:s8+$0x30]  }
0x3a9: {  	v4 =	vmov s15;
	[tilespmem:s7+$0xFFFFFFA0] =	vst v5;
	v5 =	vld [tilespmem:s8+$0xFFFFFF30]  }
0x3aa: {  	s18 =	simm.s32 $0x5;
	s14 =	simm.s32 $0x6;
	s12 =	simm.s32 $0x300;
	v8 =	vld [tilespmem:s8+$0xFFFFFFB0]  }
0x3ab: {  	v12 =	vmov s18;
	v10 =	vmov s14;
	v11 =	vld [tilespmem:s12+$0xFFFFFF80]  }
0x3ac: {  	v12 =	vand.u32 $0xFFFFFFFD, v12;
	v10 =	vand.u32 $0xFFFFFFFE, v10;
	s13 =	simm.s32 $0x4;
	v13 =	vld [tilespmem:s12+$0x80];
	v6 =	vmul.f32 v6, v3  }
0x3ad: {  	v10 =	vbroadcast v10, $0x0;
	v9 =	vmov s13;
	v14 =	vld [tilespmem:s12+$0x0];
	v7 =	vmul.f32 v7, v2  }
0x3ae: {  	v12 =	vbroadcast v12, $0x0;
	v9 =	vand.u32 $0xFFFFFFFC, v9;
	v4 =	vld.idx.msk [tilespmem:v4+s17+$0x0], $0xffff;
	v5 =	vmul.f32 v5, v1;
	[tilespmem:s7+$0xB0] =	vst v6  }
0x3af: {  	v9 =	vbroadcast v9, $0x0;
	v6 =	vmul.f32 v8, v0;
	[tilespmem:s7+$0x30] =	vst v7;
	v7 =	vld [tilespmem:s8+$0xC0]  }
0x3b0: {  	[tilespmem:s7+$0xFFFFFF30] =	vst v5;
	v8 =	vld [tilespmem:s8+$0x40]  }
0x3b1: {  	v15 =	vld [tilespmem:s8+$0xFFFFFF40];
	[tilespmem:s7+$0xFFFFFFB0] =	vst v6  }
0x3b2: {  	v16 =	vld [tilespmem:s8+$0xFFFFFFC0]  }
0x3b3: {  	v5 =	vld.idx.msk [tilespmem:v10+s17+$0x0], $0xffff  }
0x3b4: {  	v6 =	vld.idx.msk [tilespmem:v12+s17+$0x0], $0xffff;
	v10 =	vmul.f32 v7, v3  }
0x3b5: {  	v7 =	vld.idx.msk [tilespmem:v9+s17+$0x0], $0xffff;
	v8 =	vmul.f32 v8, v2  }
0x3b6: {  	v9 =	vld [tilespmem:s12+$0xFFFFFF00];
	v12 =	vmul.f32 v15, v1;
	[tilespmem:s7+$0xC0] =	vst v10  }
0x3b7: {  	v10 =	vmul.f32 v16, v0;
	[tilespmem:s7+$0x40] =	vst v8;
	v8 =	vld [tilespmem:s8+$0xD0]  }
0x3b8: {  	v14 =	vmul.f32 v14, v5;
	[tilespmem:s7+$0xFFFFFF40] =	vst v12;
	v12 =	vld [tilespmem:s8+$0x50]  }
0x3b9: {  	s14 =	simm.s32 $0x6300;
	v13 =	vmul.f32 v13, v4;
	v15 =	vld [tilespmem:s8+$0xFFFFFF50];
	[tilespmem:s7+$0xFFFFFFC0] =	vst v10  }
0x3ba: {  	[tilespmem:s14+$0x0] =	vst v14;
	v10 =	vmul.f32 v11, v6;
	v11 =	vld [tilespmem:s8+$0xFFFFFFD0]  }
0x3bb: {  	[tilespmem:s14+$0x80] =	vst v13;
	v14 =	vld [tilespmem:s12+$0x10];
	v9 =	vmul.f32 v9, v7  }
0x3bc: {  	[tilespmem:s14+$0xFFFFFF80] =	vst v10;
	v10 =	vld [tilespmem:s12+$0x90];
	v8 =	vmul.f32 v8, v3  }
0x3bd: {  	[tilespmem:s14+$0xFFFFFF00] =	vst v9;
	v9 =	vld [tilespmem:s12+$0xFFFFFF90];
	v12 =	vmul.f32 v12, v2  }
0x3be: {  	v13 =	vld [tilespmem:s12+$0xFFFFFF10];
	v15 =	vmul.f32 v15, v1;
	[tilespmem:s7+$0xD0] =	vst v8  }
0x3bf: {  	v8 =	vmul.f32 v11, v0;
	[tilespmem:s7+$0x50] =	vst v12;
	v11 =	vld [tilespmem:s8+$0xE0]  }
0x3c0: {  	v12 =	vmul.f32 v14, v5;
	[tilespmem:s7+$0xFFFFFF50] =	vst v15;
	v14 =	vld [tilespmem:s8+$0x60]  }
0x3c1: {  	v10 =	vmul.f32 v10, v4;
	v15 =	vld [tilespmem:s8+$0xFFFFFF60];
	[tilespmem:s7+$0xFFFFFFD0] =	vst v8  }
0x3c2: {  	v8 =	vmul.f32 v9, v6;
	[tilespmem:s14+$0x10] =	vst v12;
	v63 =	vld [tilespmem:s8+$0xFFFFFFE0]  }
0x3c3: {  	v9 =	vmul.f32 v13, v7;
	v17 =	vld [tilespmem:s12+$0x20];
	[tilespmem:s14+$0x90] =	vst v10  }
0x3c4: {  	[tilespmem:s14+$0xFFFFFF90] =	vst v8;
	v13 =	vld [tilespmem:s12+$0xA0];
	v8 =	vmul.f32 v11, v3  }
0x3c5: {  	[tilespmem:s14+$0xFFFFFF10] =	vst v9;
	v12 =	vld [tilespmem:s12+$0xFFFFFFA0];
	v9 =	vmul.f32 v14, v2  }
0x3c6: {  	v11 =	vld [tilespmem:s12+$0xFFFFFF20];
	v15 =	vmul.f32 v15, v1;
	[tilespmem:s7+$0xE0] =	vst v8  }
0x3c7: {  	[tilespmem:s7+$0x60] =	vst v9;
	v9 =	vld [tilespmem:s8+$0xF0]  }
0x3c8: {  	s15 =	simm.s32 $0x8;
	v10 =	vmul.f32 v63, v0;
	v14 =	vmul.f32 v17, v5;
	[tilespmem:s7+$0xFFFFFF60] =	vst v15;
	v8 =	vld [tilespmem:s8+$0x70]  }
.LBB2_13:
0x3c9: {  	s13 =	sadd.s32 $0x1, s15  }
0x3ca: {  	v15 =	vmov s15;
	p1 =	slt.u32 s15, $0xC;
	v13 =	vmul.f32 v13, v4;
	v16 =	vld [tilespmem:s8+$0xFFFFFF70];
	[tilespmem:s7+$0xFFFFFFE0] =	vst v10;
	s18 =	smov.u32 s15;
	s15 =	sadd.s32 $0x4, s15  }
0x3cb: {  	v10 =	vand.u32 $0xFFFFFFFC, v15;
	v15 =	vmov s13;
	s13 =	sadd.s32 $0x2, s18;
	v12 =	vmul.f32 v12, v6;
	[tilespmem:s14+$0x20] =	vst v14;
	v14 =	vld [tilespmem:s8+$0xFFFFFFF0];
	s8 =	smov.u32 s12  }
0x3cc: {  	v15 =	vand.u32 $0xFFFFFFFD, v15;
	v17 =	vmov s13;
	s13 =	sadd.s32 $0x3, s18;
	v11 =	vmul.f32 v11, v7;
	v18 =	vld [tilespmem:s12+$0x30];
	[tilespmem:s14+$0xA0] =	vst v13  }
0x3cd: {  	v13 =	vbroadcast v15, $0x0;
	v15 =	vand.u32 $0xFFFFFFFE, v17;
	[tilespmem:s14+$0xFFFFFFA0] =	vst v12;
	v12 =	vld [tilespmem:s12+$0xB0];
	v9 =	vmul.f32 v9, v3;
	v3 =	vmovc v4  }
0x3ce: {  	v4 =	vmov s13;
	v15 =	vbroadcast v15, $0x0;
	[tilespmem:s14+$0xFFFFFF20] =	vst v11;
	v11 =	vld [tilespmem:s12+$0xFFFFFFB0];
	v8 =	vmul.f32 v8, v2;
	v2 =	vmovc v5  }
0x3cf: {  	v10 =	vbroadcast v10, $0x0;
	s12 =	sadd.s32 $0x200, s12;
	v17 =	vld [tilespmem:s8+$0xFFFFFF30];
	v5 =	vmul.f32 v16, v1;
	[tilespmem:s7+$0xF0] =	vst v9;
	v1 =	vmov v7  }
0x3d0: {  	v9 =	vld [tilespmem:s12+$0xFFFFFF80];
	v7 =	vmul.f32 v14, v0;
	[tilespmem:s7+$0x70] =	vst v8;
	v0 =	vmov v6  }
0x3d1: {  	v8 =	vld [tilespmem:s12+$0x80];
	[tilespmem:s7+$0xFFFFFF70] =	vst v5  }
0x3d2: {  	v14 =	vld [tilespmem:s12+$0x0];
	v6 =	vmul.f32 v12, v3;
	[tilespmem:s7+$0xFFFFFFF0] =	vst v7;
	s7 =	smov.u32 s14  }
0x3d3: {  	v4 =	vld.idx.msk [tilespmem:v4+s17+$0x0], $0xffff;
	v7 =	vmul.f32 v11, v0;
	v11 =	vmul.f32 v18, v2  }
0x3d4: {  	v5 =	vld.idx.msk [tilespmem:v15+s17+$0x0], $0xffff;
	v12 =	vmul.f32 v17, v1;
	[tilespmem:s14+$0xB0] =	vst v6  }
0x3d5: {  	[tilespmem:s14+$0x30] =	vst v11;
	v11 =	vld [tilespmem:s8+$0xC0]  }
0x3d6: {  	[tilespmem:s14+$0xFFFFFF30] =	vst v12;
	v12 =	vld [tilespmem:s8+$0x40]  }
0x3d7: {  	v15 =	vld [tilespmem:s8+$0xFFFFFF40];
	[tilespmem:s14+$0xFFFFFFB0] =	vst v7  }
0x3d8: {  	v16 =	vld [tilespmem:s8+$0xFFFFFFC0]  }
0x3d9: {  	s14 =	sadd.s32 $0x200, s14;
	v6 =	vld.idx.msk [tilespmem:v13+s17+$0x0], $0xffff  }
0x3da: {  	v7 =	vld.idx.msk [tilespmem:v10+s17+$0x0], $0xffff;
	v10 =	vmul.f32 v11, v3  }
0x3db: {  	v11 =	vld [tilespmem:s12+$0xFFFFFF00];
	v12 =	vmul.f32 v12, v2  }
0x3dc: {  	v13 =	vmul.f32 v15, v1;
	[tilespmem:s7+$0xC0] =	vst v10  }
0x3dd: {  	v10 =	vmul.f32 v14, v5;
	v14 =	vmul.f32 v16, v0;
	[tilespmem:s7+$0x40] =	vst v12;
	v12 =	vld [tilespmem:s8+$0xD0]  }
0x3de: {  	v8 =	vmul.f32 v8, v4;
	[tilespmem:s7+$0xFFFFFF40] =	vst v13;
	v13 =	vld [tilespmem:s8+$0x50]  }
0x3df: {  	v9 =	vmul.f32 v9, v6;
	v15 =	vld [tilespmem:s8+$0xFFFFFF50];
	[tilespmem:s7+$0xFFFFFFC0] =	vst v14  }
0x3e0: {  	v11 =	vmul.f32 v11, v7;
	[tilespmem:s14+$0x0] =	vst v10;
	v10 =	vld [tilespmem:s8+$0xFFFFFFD0]  }
0x3e1: {  	v14 =	vld [tilespmem:s12+$0x10];
	[tilespmem:s14+$0x80] =	vst v8  }
0x3e2: {  	[tilespmem:s14+$0xFFFFFF80] =	vst v9;
	v8 =	vld [tilespmem:s12+$0x90];
	v9 =	vmul.f32 v12, v3  }
0x3e3: {  	[tilespmem:s14+$0xFFFFFF00] =	vst v11;
	v11 =	vld [tilespmem:s12+$0xFFFFFF90];
	v12 =	vmul.f32 v13, v2  }
0x3e4: {  	v13 =	vld [tilespmem:s12+$0xFFFFFF10];
	v15 =	vmul.f32 v15, v1;
	[tilespmem:s7+$0xD0] =	vst v9  }
0x3e5: {  	v9 =	vmul.f32 v10, v0;
	[tilespmem:s7+$0x50] =	vst v12;
	v10 =	vld [tilespmem:s8+$0xE0]  }
0x3e6: {  	v12 =	vmul.f32 v14, v5;
	[tilespmem:s7+$0xFFFFFF50] =	vst v15;
	v14 =	vld [tilespmem:s8+$0x60]  }
0x3e7: {  	v8 =	vmul.f32 v8, v4;
	v15 =	vld [tilespmem:s8+$0xFFFFFF60];
	[tilespmem:s7+$0xFFFFFFD0] =	vst v9  }
0x3e8: {  	v9 =	vmul.f32 v11, v6;
	[tilespmem:s14+$0x10] =	vst v12;
	v16 =	vld [tilespmem:s8+$0xFFFFFFE0]  }
0x3e9: {  	v11 =	vmul.f32 v13, v7;
	v17 =	vld [tilespmem:s12+$0x20];
	[tilespmem:s14+$0x90] =	vst v8  }
.Ltmp6:
0x3ea: {  	[tilespmem:s14+$0xFFFFFF90] =	vst v9;
	v13 =	vld [tilespmem:s12+$0xA0];
	v8 =	vmul.f32 v10, v3;
	(pc) =	sbr.rel @p1 .LBB2_13-.Ltmp6, $4  }
0x3eb: {  	[tilespmem:s14+$0xFFFFFF10] =	vst v11;
	v12 =	vld [tilespmem:s12+$0xFFFFFFA0];
	v9 =	vmul.f32 v14, v2  }
0x3ec: {  	v11 =	vld [tilespmem:s12+$0xFFFFFF20];
	v15 =	vmul.f32 v15, v1;
	[tilespmem:s7+$0xE0] =	vst v8  }
0x3ed: {  	v10 =	vmul.f32 v16, v0;
	[tilespmem:s7+$0x60] =	vst v9;
	v9 =	vld [tilespmem:s8+$0xF0]  }
0x3ee: {  	v14 =	vmul.f32 v17, v5;
	[tilespmem:s7+$0xFFFFFF60] =	vst v15;
	v8 =	vld [tilespmem:s8+$0x70]  }
0x3ef: {  	v13 =	vmul.f32 v13, v4  }
0x3f0: {  	v12 =	vmul.f32 v12, v6;
	[tilespmem:s14+$0x20] =	vst v14  }
0x3f1: {  	v11 =	vmul.f32 v11, v7;
	[tilespmem:s14+$0xA0] =	vst v13;
	v14 =	vld [tilespmem:s12+$0x30]  }
0x3f2: {  	v13 =	vld [tilespmem:s12+$0xB0];
	[tilespmem:s14+$0xFFFFFFA0] =	vst v12  }
0x3f3: {  	[tilespmem:s14+$0xFFFFFF20] =	vst v11;
	v12 =	vld [tilespmem:s12+$0xFFFFFFB0]  }
0x3f4: {  	v11 =	vld [tilespmem:s12+$0xFFFFFF30];
	_ =	sdelay $0x1  }
0x3f5: {  	v14 =	vmul.f32 v14, v5  }
0x3f6: {  	v13 =	vmul.f32 v13, v4  }
0x3f7: {  	v12 =	vmul.f32 v12, v6;
	[tilespmem:s14+$0x30] =	vst v14  }
0x3f8: {  	v11 =	vmul.f32 v11, v7;
	[tilespmem:s14+$0xB0] =	vst v13;
	v48 =	vld [tilespmem:s12+$0x40]  }
0x3f9: {  	v13 =	vld [tilespmem:s12+$0xC0];
	[tilespmem:s14+$0xFFFFFFB0] =	vst v12  }
0x3fa: {  	[tilespmem:s14+$0xFFFFFF30] =	vst v11;
	v12 =	vld [tilespmem:s12+$0xFFFFFFC0]  }
0x3fb: {  	v49 =	vld [tilespmem:s12+$0xFFFFFF40];
	_ =	sdelay $0x1  }
0x3fc: {  	v11 =	vmul.f32 v48, v5  }
0x3fd: {  	v13 =	vmul.f32 v13, v4  }
0x3fe: {  	v12 =	vmul.f32 v12, v6;
	[tilespmem:s14+$0x40] =	vst v11  }
0x3ff: {  	v14 =	vmul.f32 v49, v7;
	[tilespmem:s14+$0xC0] =	vst v13;
	v51 =	vld [tilespmem:s12+$0x50]  }
0x400: {  	v50 =	vld [tilespmem:s12+$0xD0];
	[tilespmem:s14+$0xFFFFFFC0] =	vst v12  }
0x401: {  	[tilespmem:s14+$0xFFFFFF40] =	vst v14;
	v12 =	vld [tilespmem:s12+$0xFFFFFFD0]  }
0x402: {  	v14 =	vld [tilespmem:s12+$0xFFFFFF50];
	_ =	sdelay $0x1  }
0x403: {  	v13 =	vmul.f32 v51, v5  }
0x404: {  	v11 =	vmul.f32 v50, v4  }
0x405: {  	v52 =	vmul.f32 v12, v6;
	[tilespmem:s14+$0x50] =	vst v13  }
0x406: {  	v14 =	vmul.f32 v14, v7;
	[tilespmem:s14+$0xD0] =	vst v11;
	v13 =	vld [tilespmem:s12+$0x60]  }
0x407: {  	v53 =	vld [tilespmem:s12+$0xE0];
	[tilespmem:s14+$0xFFFFFFD0] =	vst v52  }
0x408: {  	[tilespmem:s14+$0xFFFFFF50] =	vst v14;
	v11 =	vld [tilespmem:s12+$0xFFFFFFE0]  }
0x409: {  	v14 =	vld [tilespmem:s12+$0xFFFFFF60];
	_ =	sdelay $0x1  }
0x40a: {  	v54 =	vmul.f32 v13, v5  }
0x40b: {  	v15 =	vld [tilespmem:s8+$0xFFFFFF70];
	[tilespmem:s7+$0xFFFFFFE0] =	vst v10;
	v12 =	vmul.f32 v53, v4  }
0x40c: {  	v55 =	vld [tilespmem:s8+$0xFFFFFFF0];
	v11 =	vmul.f32 v11, v6;
	[tilespmem:s14+$0x60] =	vst v54  }
0x40d: {  	v14 =	vmul.f32 v14, v7;
	[tilespmem:s14+$0xE0] =	vst v12;
	v57 =	vld [tilespmem:s12+$0x70]  }
0x40e: {  	v3 =	vmul.f32 v9, v3;
	v56 =	vld [tilespmem:s12+$0xF0];
	[tilespmem:s14+$0xFFFFFFE0] =	vst v11  }
0x40f: {  	v2 =	vmul.f32 v8, v2;
	[tilespmem:s14+$0xFFFFFF60] =	vst v14;
	v59 =	vld [tilespmem:s12+$0xFFFFFFF0]  }
0x410: {  	v1 =	vmul.f32 v15, v1;
	[tilespmem:s7+$0xF0] =	vst v3;
	v58 =	vld [tilespmem:s12+$0xFFFFFF70]  }
0x411: {  	v0 =	vmul.f32 v55, v0;
	[tilespmem:s7+$0x70] =	vst v2  }
0x412: {  	[tilespmem:s7+$0xFFFFFF70] =	vst v1;
	v61 =	vmul.f32 v57, v5  }
0x413: {  	[tilespmem:s7+$0xFFFFFFF0] =	vst v0;
	v60 =	vmul.f32 v56, v4  }
0x414: {  	v63 =	vmul.f32 v59, v6;
	[tilespmem:s14+$0x70] =	vst v61  }
0x415: {  	v62 =	vmul.f32 v58, v7;
	[tilespmem:s14+$0xF0] =	vst v60  }
0x416: {  	[tilespmem:s14+$0xFFFFFFF0] =	vst v63  }
0x417: {  	s13 =	simm.s32 $0x6000;
	[tilespmem:s14+$0xFFFFFF70] =	vst v62;
	s14 =	simm.s32 $0x10  }
0x418: {  	[spmem:s5] =	stream.indirect.scatter.add.f32 [tilespmem:s13], [sflag:$0xD], $0x80, s26, s14, $0xb8;
	[tilespmem:$0x1FD00] =	vst v63  }
0x419: {  	_ =	swait.ge [sflag:s24], $0x800  }
0x41a: {  	[sflag:s24] =	ssyncset.done $0x0  }
0x41b: {  	[sflag:s24] =	ssyncadd.s32 $0xFFFFF800  }
0x41c: {  	[bflag:$0x0] =	sbarrier.arrive $0xFFFF  }
0x41d: {  	s18 =	sld [smem:$0x7F6]  }
0x41e: {  	s12 =	rddreg [dreg:$0xb]  }
0x41f: {  	s15 =	rddreg [dreg:$0x16]  }
0x420: {  	[hbm:s15], [sflag:s12] =	dma.local [spmem:s18], $0x2700  }
0x421: {  	_ =	swait.ge [sflag:s24], $0x2700  }
0x422: {  	s7 =	sld [smem:$0x7F8]  }
0x423: {  	s8 =	sld [smem:$0x7F7]  }
0x424: {  	[sflag:s24] =	ssyncset.done $0x0  }
0x425: {  	[sflag:s24] =	ssyncadd.s32 $0xFFFFD900  }
0x426: {  	[hbm:s7], [sflag:s12] =	dma.local @!p0 [spmem:s8], $0x100  }
0x427: {  	s7 =	simm.s32 @!p0 $0xD  }
0x428: {  	_ =	swait.ge @!p0 [sflag:s7], $0x100  }
0x429: {  	s13 =	sld [smem:$0x7F5]  }
0x42a: {  	s26 =	sld [smem:$0x7F9];
	_ =	sdelay $0x1  }
0x42b: {  	s13 =	sadd.s32 $0x1, s13  }
0x42c: {  	p1 =	sne.s32 s13, s26  }
.Ltmp7:
0x42d: {  	_ = 	snop;
	(pc) =	sbr.rel @p1 .LBB2_1-.Ltmp7, $3  }
0x42e: {  	_ =	sdelay $0x1  }
0x42f: {  	[sflag:s7] =	ssyncset.done @!p0 $0x0  }
0x430: {  	[sflag:s7] =	ssyncadd.s32 @!p0 $0xFFFFFF00  }
0x431: {  	_ =	sfence.sel $0x180000  }
0x432: {  	[bflag:$0x0] =	sbarrier.arrive $0xFFFF  }
0x433: {  	_ =	strace $0x90000047  }
0x434: {  	[bflag:$0x2] =	sbarrier.arrive $0xFFFF  }
0x435: {  	s0 =	rddreg [dreg:$0x7]  }
0x436: {  	s0 =	sadd.s32 @!p0 $0x100000, s0  }
0x437: {  	[sflag:s0] =	ssyncadd.tile.s32 @!p0 $0x1;
	_ =	shalt  }
.Lfunc_end2:
_tile_overlayer_lowered:
.L_overlay_start_2:
0x438: {  	(tag) =	ssettag $0x2  }
0x439: {  	s0 =	rddreg [dreg:$0x0];
	s2 =	stileid.u32  }
0x43a: {  	s1 =	rddreg [dreg:$0x1];
	p0 =	sne.s32 s2, $0x0  }
0x43b: {  	s3 =	rddreg [dreg:$0x2];
	[bflag:$0x3] =	sbarrier.arrive $0xFFFF;
	s2 =	simm.s32 @!p0 $0x1C0D  }
0x43c: {  	[timem:s3], [sflag:s2] =	dma.local @!p0 [hbm:s0], s1  }
0x43d: {  	s0 =	simm.s32 @!p0 $0xD  }
0x43e: {  	_ =	swait.ge @!p0 [sflag:s0], s1  }
0x43f: {  	s1 =	ssub.s32 @!p0 $0x0, s1;
	[sflag:s0] =	ssyncset.done @!p0 $0x0  }
0x440: {  	[sflag:s0] =	ssyncadd.s32 @!p0 s1  }
0x441: {  	[bflag:$0x3] =	sbarrier.arrive $0xFFFF  }
0x442: {  	_ =	shalt  }

</sc_bundles>
